<compile_context>
chip_gen: v7x
topology: tpu7x:2x2x1
jax: 0.10.2.dev20260603
libtpu: 0.0.44.dev20260713+nightly
codegen_flags: <defaults>
</compile_context>

<pallas_src>
import functools

import jax
import jax.numpy as jnp
from jax import lax
from jax.experimental import pallas as pl
from jax.experimental.pallas import tpu as pltpu
from jax.experimental.pallas import tpu_sc as plsc

D = 64
NC = 2
NS = 16
NW = NC * NS

BBLK = 128
LPU = 2
ROWS = BBLK * LPU


@functools.partial(jax.jit, static_argnames=("B", "L"))
def _sc_embed(idx, table, B, L):
    cb_per_w = (B // BBLK) // NW
    units_l = L // LPU
    units_per_w = cb_per_w * units_l
    assert units_per_w % 2 == 0
    mesh = plsc.VectorSubcoreMesh(core_axis_name="c", subcore_axis_name="s")

    @functools.partial(
        pl.kernel,
        mesh=mesh,
        compiler_params=pltpu.CompilerParams(
            use_tc_tiling_on_sc=False, needs_layout_passes=False
        ),
        out_type=jax.ShapeDtypeStruct((L, 8, B // BBLK, 8, BBLK), jnp.float32),
        scratch_types=[
            pltpu.VMEM((L // 8, 8, BBLK), jnp.int32),
            pltpu.VMEM((ROWS,), jnp.int32),
            pltpu.VMEM((ROWS,), jnp.int32),
            pltpu.VMEM((ROWS, D), jnp.float32),
            pltpu.VMEM((ROWS, D), jnp.float32),
            pltpu.VMEM((LPU, 8, 8, BBLK + 1), jnp.float32),
            pltpu.VMEM((LPU, 8, 8, BBLK + 1), jnp.float32),
            pltpu.SemaphoreType.DMA,
            pltpu.SemaphoreType.DMA,
            pltpu.SemaphoreType.DMA,
            pltpu.SemaphoreType.DMA,
        ],
    )
    def k(idx_hbm, table_hbm, out_hbm, iu, gi0, gi1, gb0, gb1, tb0, tb1,
          gs0, gs1, ws0, ws1):
        gi = (gi0, gi1)
        gb = (gb0, gb1)
        tb = (tb0, tb1)
        gsem = (gs0, gs1)
        wsem = (ws0, ws1)
        wid = lax.axis_index("s") * NC + lax.axis_index("c")
        iota = lax.iota(jnp.int32, 16)

        def coords(u):
            cb = u // units_l
            lb2 = u - cb * units_l
            c = wid * cb_per_w + cb
            l = lb2 * LPU
            return lb2, c, l

        def stage_idx(u):
            lb2, c, _ = coords(u)

            @pl.when(lb2 == 0)
            def _():
                pltpu.sync_copy(idx_hbm.at[:, c, :, :], iu.at[...])

        def build_gi(u, b):
            _, _, l = coords(u)
            vals = []
            for lr in range(LPU):
                lq = (l + lr) // 8
                l8 = (l + lr) - lq * 8
                for kk in range(BBLK // 16):
                    vals.append(iu[lq, l8, pl.ds(kk * 16, 16)] + 1)
            i = 0
            for lr in range(LPU):
                for kk in range(BBLK // 16):
                    gi[b][pl.ds(lr * BBLK + kk * 16, 16)] = vals[i]
                    i += 1

        def fire_gathers(b):
            for lr in range(LPU):
                pltpu.async_copy(
                    table_hbm.at[gi[b].at[pl.ds(lr * BBLK, BBLK)]],
                    gb[b].at[pl.ds(lr * BBLK, BBLK), :],
                    gsem[b],
                )

        def drain_gathers(b):
            for lr in range(LPU):
                pltpu.make_async_copy(
                    table_hbm.at[gi[b].at[pl.ds(lr * BBLK, BBLK)]],
                    gb[b].at[pl.ds(lr * BBLK, BBLK), :],
                    gsem[b],
                ).wait()

        def transpose(b):
            for lr in range(LPU):
                @plsc.parallel_loop(0, BBLK, unroll=4)
                def _r(r):
                    bsp = jnp.zeros((16,), jnp.int32) + r
                    for d0 in range(0, D, 16):
                        v = gb[b][lr * BBLK + r, pl.ds(d0, 16)]
                        tvec = (d0 + iota) // 8
                        drvec = (d0 + iota) % 8
                        plsc.store_scatter(tb[b].at[lr], [tvec, drvec, bsp], v)

        def fire_out(u, b):
            _, c, l = coords(u)
            pltpu.async_copy(
                tb[b].at[:, :, :, pl.ds(0, BBLK)],
                out_hbm.at[pl.ds(l, LPU), :, c, :, :],
                wsem[b],
            )

        def wait_out(u, b):
            _, c, l = coords(u)
            pltpu.make_async_copy(
                tb[b].at[:, :, :, pl.ds(0, BBLK)],
                out_hbm.at[pl.ds(l, LPU), :, c, :, :],
                wsem[b],
            ).wait()

        stage_idx(0)
        build_gi(0, 0)
        fire_gathers(0)

        @pl.loop(0, units_per_w, step=2)
        def _pair(u0):
            for bi in range(2):
                u = u0 + bi
                b = bi
                nb = 1 - bi

                @pl.when(u + 1 < units_per_w)
                def _prefetch():
                    stage_idx(u + 1)
                    build_gi(u + 1, nb)

                @pl.when(u >= 1)
                def _free():
                    wait_out(u - 1, nb)

                @pl.when(u + 1 < units_per_w)
                def _fire():
                    fire_gathers(nb)

                drain_gathers(b)
                transpose(b)
                fire_out(u, b)

        wait_out(units_per_w - 1, 1)

    return k(idx, table)


def kernel(channel_idx, table):
    B, L = channel_idx.shape
    idx_t = (
        channel_idx.astype(jnp.int32)
        .T.reshape(L // 8, 8, B // BBLK, BBLK)
        .transpose(0, 2, 1, 3)
    )
    a = _sc_embed(idx_t, table, B, L)
    return a.transpose(2, 4, 0, 1, 3).reshape(B, L, 1, D)

# --- scband reference (transcript-rebuilt; emitter-appended) ---
"""Pipeline reference for scband-embedding-channel-46153718563433 (READ-ONLY COPY).

The authoritative reference and input builder live on the scoring server;
editing this copy changes nothing except your own understanding.
"""

import jax, jax.numpy as jnp
import numpy as np

D = 64
C_MAX = 100000
B = 16384
L = 200

def setup_inputs(seed: int = 0) -> dict:
    key = jax.random.key(seed)
    k_idx, k_tab = jax.random.split(key)
    channel_idx = jax.random.randint(k_idx, (B, L), 0, C_MAX, dtype=jnp.int64 if jax.config.jax_enable_x64 else jnp.int32)
    table = jax.random.normal(k_tab, (C_MAX + 1, D), dtype=jnp.float32)
    # padding_idx=0 in torch nn.Embedding: row 0 initialized to zeros
    table = table.at[0].set(0.0)
    return {"channel_idx": channel_idx, "table": table}

def reference(channel_idx, table):
    # x = Embedding(channel_idx + 1)  -> gather rows from table
    x = jnp.take(table, channel_idx + 1, axis=0)  # [B, L, D]
    # x = x.unsqueeze(2) -> [B, L, 1, D]
    x = x[:, :, None, :]
    return x

if __name__ == "__main__":
    import jax
    _d = setup_inputs()
    print(jax.jit(kernel)(*tuple(_d.values())))

</pallas_src>

<mosaic_0001>
#map = affine_map<(d0, d1) -> (0, 0, 0, 0)>
#map1 = affine_map<(d0, d1) -> (0, 0)>
#map2 = affine_map<(d0, d1) -> (0, 0, 0, 0, 0)>
module attributes {stable_mosaic.version = 14 : i64} {
  func.func @k(%arg0: i32, %arg1: i32, %arg2: memref<25x128x8x128xi32, #tpu.memory_space<hbm>>, %arg3: memref<100001x64xf32, #tpu.memory_space<hbm>>, %arg4: memref<200x8x128x8x128xf32, #tpu.memory_space<hbm>>, %arg5: memref<25x8x128xi32, #tpu.memory_space<vmem>>, %arg6: memref<256xi32, #tpu.memory_space<vmem>>, %arg7: memref<256xi32, #tpu.memory_space<vmem>>, %arg8: memref<256x64xf32, #tpu.memory_space<vmem>>, %arg9: memref<256x64xf32, #tpu.memory_space<vmem>>, %arg10: memref<2x8x8x129xf32, #tpu.memory_space<vmem>>, %arg11: memref<2x8x8x129xf32, #tpu.memory_space<vmem>>, %arg12: memref<!tpu.dma_semaphore, #tpu.memory_space<semaphore_mem>>, %arg13: memref<!tpu.dma_semaphore, #tpu.memory_space<semaphore_mem>>, %arg14: memref<!tpu.dma_semaphore, #tpu.memory_space<semaphore_mem>>, %arg15: memref<!tpu.dma_semaphore, #tpu.memory_space<semaphore_mem>>) attributes {dimension_semantics = [#tpu.dimension_semantics<core_parallel>, #tpu.dimension_semantics<subcore_parallel>], iteration_bounds = array<i64: 2, 16>, scalar_prefetch = 0 : i64, scratch_operands = 11 : i64, tpu.core_type = #tpu.core_type<sc_vector_subcore>, window_params = [{transform_indices = #map}, {transform_indices = #map1}, {transform_indices = #map2}]} {
    %mul3A = arith.constant 2 : i32
    %mul3A_0 = arith.muli %arg1, %mul3A : i32
    %add3A = arith.addi %mul3A_0, %arg0 : i32
    %iota3A = tpu.iota {dimensions = array<i32: 0>} : vector<16xi32>
    %mul3A_1 = arith.constant 4 : i32
    %mul3A_2 = arith.muli %add3A, %mul3A_1 : i32
    %add3A_3 = arith.constant 0 : i32
    %add3A_4 = arith.addi %mul3A_2, %add3A_3 : i32
    "tpu.region"() ({
      %run_scoped3A = tpu.sem_alloc : memref<!tpu.dma_semaphore, #tpu.memory_space<semaphore_mem>>
      %dma_start3A_227 = arith.constant 0 : i32
      %dma_start3A_228 = arith.constant 0 : i32
      %dma_start3A_229 = arith.constant 0 : i32
      %dma_start3A_230 = tpu.memref_slice %arg5[%dma_start3A_227, %dma_start3A_228, %dma_start3A_229] : memref<25x8x128xi32, #tpu.memory_space<vmem>> -> memref<25x8x128xi32, #tpu.memory_space<vmem>>
      %dma_start3A_231 = arith.constant 0 : i32
      %dma_start3A_232 = arith.constant 0 : i32
      %dma_start3A_233 = arith.constant 0 : i32
      %dma_start3A_234 = tpu.memref_slice %arg2[%dma_start3A_231, %add3A_4, %dma_start3A_232, %dma_start3A_233] : memref<25x128x8x128xi32, #tpu.memory_space<hbm>> -> memref<25x1x8x128xi32, #tpu.memory_space<hbm>>
      %dma_start3A_235 = tpu.memref_squeeze %dma_start3A_234 : memref<25x1x8x128xi32, #tpu.memory_space<hbm>> -> memref<25x8x128xi32, #tpu.memory_space<hbm>>
      %dma_start3A_236 = arith.constant 0 : i32
      %dma_start3A_237 = arith.constant 0 : i32
      %dma_start3A_238 = arith.constant 0 : i32
      %dma_start3A_239 = tpu.memref_slice %arg5[%dma_start3A_236, %dma_start3A_237, %dma_start3A_238] : memref<25x8x128xi32, #tpu.memory_space<vmem>> -> memref<25x8x128xi32, #tpu.memory_space<vmem>>
      %dma_start3A_240 = arith.constant 0 : i32
      %dma_start3A_241 = arith.constant 0 : i32
      %dma_start3A_242 = arith.constant 0 : i32
      %dma_start3A_243 = tpu.memref_slice %arg2[%dma_start3A_240, %add3A_4, %dma_start3A_241, %dma_start3A_242] : memref<25x128x8x128xi32, #tpu.memory_space<hbm>> -> memref<25x1x8x128xi32, #tpu.memory_space<hbm>>
      %dma_start3A_244 = tpu.memref_squeeze %dma_start3A_243 : memref<25x1x8x128xi32, #tpu.memory_space<hbm>> -> memref<25x8x128xi32, #tpu.memory_space<hbm>>
      tpu.enqueue_dma source(%dma_start3A_244 : memref<25x8x128xi32, #tpu.memory_space<hbm>>) target(%dma_start3A_239 : memref<25x8x128xi32, #tpu.memory_space<vmem>>) target_semaphore(%run_scoped3A : memref<!tpu.dma_semaphore, #tpu.memory_space<semaphore_mem>>)
      %dma_wait3A_245 = arith.constant 0 : i32
      %dma_wait3A_246 = arith.constant 0 : i32
      %dma_wait3A_247 = arith.constant 0 : i32
      %dma_wait3A_248 = tpu.memref_slice %arg5[%dma_wait3A_245, %dma_wait3A_246, %dma_wait3A_247] : memref<25x8x128xi32, #tpu.memory_space<vmem>> -> memref<25x8x128xi32, #tpu.memory_space<vmem>>
      %dma_wait3A_249 = arith.constant 0 : i32
      %dma_wait3A_250 = arith.constant 0 : i32
      %dma_wait3A_251 = arith.constant 0 : i32
      %dma_wait3A_252 = tpu.memref_slice %arg2[%dma_wait3A_249, %add3A_4, %dma_wait3A_250, %dma_wait3A_251] : memref<25x128x8x128xi32, #tpu.memory_space<hbm>> -> memref<25x1x8x128xi32, #tpu.memory_space<hbm>>
      %dma_wait3A_253 = tpu.memref_squeeze %dma_wait3A_252 : memref<25x1x8x128xi32, #tpu.memory_space<hbm>> -> memref<25x8x128xi32, #tpu.memory_space<hbm>>
      %dma_wait3A_254 = arith.constant 0 : i32
      %dma_wait3A_255 = arith.constant 0 : i32
      %dma_wait3A_256 = arith.constant 0 : i32
      %dma_wait3A_257 = tpu.memref_slice %arg5[%dma_wait3A_254, %dma_wait3A_255, %dma_wait3A_256] : memref<25x8x128xi32, #tpu.memory_space<vmem>> -> memref<25x8x128xi32, #tpu.memory_space<vmem>>
      %dma_wait3A_258 = arith.constant 0 : i32
      %dma_wait3A_259 = arith.constant 0 : i32
      %dma_wait3A_260 = arith.constant 0 : i32
      %dma_wait3A_261 = tpu.memref_slice %arg2[%dma_wait3A_258, %add3A_4, %dma_wait3A_259, %dma_wait3A_260] : memref<25x128x8x128xi32, #tpu.memory_space<hbm>> -> memref<25x1x8x128xi32, #tpu.memory_space<hbm>>
      %dma_wait3A_262 = tpu.memref_squeeze %dma_wait3A_261 : memref<25x1x8x128xi32, #tpu.memory_space<hbm>> -> memref<25x8x128xi32, #tpu.memory_space<hbm>>
      tpu.wait_dma2 semaphore(%run_scoped3A : memref<!tpu.dma_semaphore, #tpu.memory_space<semaphore_mem>>) src(%dma_wait3A_262 : memref<25x8x128xi32, #tpu.memory_space<hbm>>) dst(%dma_wait3A_257 : memref<25x8x128xi32, #tpu.memory_space<vmem>>)
      tpu.yield
    }) : () -> ()
    %mul3A_5 = arith.constant 4 : i32
    %mul3A_6 = arith.muli %add3A, %mul3A_5 : i32
    %add3A_7 = arith.constant 0 : i32
    %add3A_8 = arith.addi %mul3A_6, %add3A_7 : i32
    %get3A = arith.constant 0 : i32
    %get3A_9 = arith.constant 0 : i32
    %get3A_10 = arith.index_cast %get3A : i32 to index
    %get3A_11 = arith.index_cast %get3A_9 : i32 to index
    %get3A_12 = arith.constant 0 : index
    %get3A_13 = tpu.vector_load %arg5[%get3A_10, %get3A_11, %get3A_12] {strides = array<i32>} : memref<25x8x128xi32, #tpu.memory_space<vmem>>, vector<16xi32>,
    %add3A_14 = arith.constant 1 : i32
    %add3A_15 = vector.broadcast %add3A_14 : i32 to vector<16xi32>
    %add3A_16 = arith.addi %get3A_13, %add3A_15 : vector<16xi32>
    %get3A_17 = arith.constant 0 : i32
    %get3A_18 = arith.constant 0 : i32
    %get3A_19 = arith.index_cast %get3A_17 : i32 to index
    %get3A_20 = arith.index_cast %get3A_18 : i32 to index
    %get3A_21 = arith.constant 16 : index
    %get3A_22 = tpu.vector_load %arg5[%get3A_19, %get3A_20, %get3A_21] {strides = array<i32>} : memref<25x8x128xi32, #tpu.memory_space<vmem>>, vector<16xi32>,
    %add3A_23 = arith.constant 1 : i32
    %add3A_24 = vector.broadcast %add3A_23 : i32 to vector<16xi32>
    %add3A_25 = arith.addi %get3A_22, %add3A_24 : vector<16xi32>
    %get3A_26 = arith.constant 0 : i32
    %get3A_27 = arith.constant 0 : i32
    %get3A_28 = arith.index_cast %get3A_26 : i32 to index
    %get3A_29 = arith.index_cast %get3A_27 : i32 to index
    %get3A_30 = arith.constant 32 : index
    %get3A_31 = tpu.vector_load %arg5[%get3A_28, %get3A_29, %get3A_30] {strides = array<i32>} : memref<25x8x128xi32, #tpu.memory_space<vmem>>, vector<16xi32>,
    %add3A_32 = arith.constant 1 : i32
    %add3A_33 = vector.broadcast %add3A_32 : i32 to vector<16xi32>
    %add3A_34 = arith.addi %get3A_31, %add3A_33 : vector<16xi32>
    %get3A_35 = arith.constant 0 : i32
    %get3A_36 = arith.constant 0 : i32
    %get3A_37 = arith.index_cast %get3A_35 : i32 to index
    %get3A_38 = arith.index_cast %get3A_36 : i32 to index
    %get3A_39 = arith.constant 48 : index
    %get3A_40 = tpu.vector_load %arg5[%get3A_37, %get3A_38, %get3A_39] {strides = array<i32>} : memref<25x8x128xi32, #tpu.memory_space<vmem>>, vector<16xi32>,
    %add3A_41 = arith.constant 1 : i32
    %add3A_42 = vector.broadcast %add3A_41 : i32 to vector<16xi32>
    %add3A_43 = arith.addi %get3A_40, %add3A_42 : vector<16xi32>
    %get3A_44 = arith.constant 0 : i32
    %get3A_45 = arith.constant 0 : i32
    %get3A_46 = arith.index_cast %get3A_44 : i32 to index
    %get3A_47 = arith.index_cast %get3A_45 : i32 to index
    %get3A_48 = arith.constant 64 : index
    %get3A_49 = tpu.vector_load %arg5[%get3A_46, %get3A_47, %get3A_48] {strides = array<i32>} : memref<25x8x128xi32, #tpu.memory_space<vmem>>, vector<16xi32>,
    %add3A_50 = arith.constant 1 : i32
    %add3A_51 = vector.broadcast %add3A_50 : i32 to vector<16xi32>
    %add3A_52 = arith.addi %get3A_49, %add3A_51 : vector<16xi32>
    %get3A_53 = arith.constant 0 : i32
    %get3A_54 = arith.constant 0 : i32
    %get3A_55 = arith.index_cast %get3A_53 : i32 to index
    %get3A_56 = arith.index_cast %get3A_54 : i32 to index
    %get3A_57 = arith.constant 80 : index
    %get3A_58 = tpu.vector_load %arg5[%get3A_55, %get3A_56, %get3A_57] {strides = array<i32>} : memref<25x8x128xi32, #tpu.memory_space<vmem>>, vector<16xi32>,
    %add3A_59 = arith.constant 1 : i32
    %add3A_60 = vector.broadcast %add3A_59 : i32 to vector<16xi32>
    %add3A_61 = arith.addi %get3A_58, %add3A_60 : vector<16xi32>
    %get3A_62 = arith.constant 0 : i32
    %get3A_63 = arith.constant 0 : i32
    %get3A_64 = arith.index_cast %get3A_62 : i32 to index
    %get3A_65 = arith.index_cast %get3A_63 : i32 to index
    %get3A_66 = arith.constant 96 : index
    %get3A_67 = tpu.vector_load %arg5[%get3A_64, %get3A_65, %get3A_66] {strides = array<i32>} : memref<25x8x128xi32, #tpu.memory_space<vmem>>, vector<16xi32>,
    %add3A_68 = arith.constant 1 : i32
    %add3A_69 = vector.broadcast %add3A_68 : i32 to vector<16xi32>
    %add3A_70 = arith.addi %get3A_67, %add3A_69 : vector<16xi32>
    %get3A_71 = arith.constant 0 : i32
    %get3A_72 = arith.constant 0 : i32
    %get3A_73 = arith.index_cast %get3A_71 : i32 to index
    %get3A_74 = arith.index_cast %get3A_72 : i32 to index
    %get3A_75 = arith.constant 112 : index
    %get3A_76 = tpu.vector_load %arg5[%get3A_73, %get3A_74, %get3A_75] {strides = array<i32>} : memref<25x8x128xi32, #tpu.memory_space<vmem>>, vector<16xi32>,
    %add3A_77 = arith.constant 1 : i32
    %add3A_78 = vector.broadcast %add3A_77 : i32 to vector<16xi32>
    %add3A_79 = arith.addi %get3A_76, %add3A_78 : vector<16xi32>
    %get3A_80 = arith.constant 0 : i32
    %get3A_81 = arith.constant 1 : i32
    %get3A_82 = arith.index_cast %get3A_80 : i32 to index
    %get3A_83 = arith.index_cast %get3A_81 : i32 to index
    %get3A_84 = arith.constant 0 : index
    %get3A_85 = tpu.vector_load %arg5[%get3A_82, %get3A_83, %get3A_84] {strides = array<i32>} : memref<25x8x128xi32, #tpu.memory_space<vmem>>, vector<16xi32>,
    %add3A_86 = arith.constant 1 : i32
    %add3A_87 = vector.broadcast %add3A_86 : i32 to vector<16xi32>
    %add3A_88 = arith.addi %get3A_85, %add3A_87 : vector<16xi32>
    %get3A_89 = arith.constant 0 : i32
    %get3A_90 = arith.constant 1 : i32
    %get3A_91 = arith.index_cast %get3A_89 : i32 to index
    %get3A_92 = arith.index_cast %get3A_90 : i32 to index
    %get3A_93 = arith.constant 16 : index
    %get3A_94 = tpu.vector_load %arg5[%get3A_91, %get3A_92, %get3A_93] {strides = array<i32>} : memref<25x8x128xi32, #tpu.memory_space<vmem>>, vector<16xi32>,
    %add3A_95 = arith.constant 1 : i32
    %add3A_96 = vector.broadcast %add3A_95 : i32 to vector<16xi32>
    %add3A_97 = arith.addi %get3A_94, %add3A_96 : vector<16xi32>
    %get3A_98 = arith.constant 0 : i32
    %get3A_99 = arith.constant 1 : i32
    %get3A_100 = arith.index_cast %get3A_98 : i32 to index
    %get3A_101 = arith.index_cast %get3A_99 : i32 to index
    %get3A_102 = arith.constant 32 : index
    %get3A_103 = tpu.vector_load %arg5[%get3A_100, %get3A_101, %get3A_102] {strides = array<i32>} : memref<25x8x128xi32, #tpu.memory_space<vmem>>, vector<16xi32>,
    %add3A_104 = arith.constant 1 : i32
    %add3A_105 = vector.broadcast %add3A_104 : i32 to vector<16xi32>
    %add3A_106 = arith.addi %get3A_103, %add3A_105 : vector<16xi32>
    %get3A_107 = arith.constant 0 : i32
    %get3A_108 = arith.constant 1 : i32
    %get3A_109 = arith.index_cast %get3A_107 : i32 to index
    %get3A_110 = arith.index_cast %get3A_108 : i32 to index
    %get3A_111 = arith.constant 48 : index
    %get3A_112 = tpu.vector_load %arg5[%get3A_109, %get3A_110, %get3A_111] {strides = array<i32>} : memref<25x8x128xi32, #tpu.memory_space<vmem>>, vector<16xi32>,
    %add3A_113 = arith.constant 1 : i32
    %add3A_114 = vector.broadcast %add3A_113 : i32 to vector<16xi32>
    %add3A_115 = arith.addi %get3A_112, %add3A_114 : vector<16xi32>
    %get3A_116 = arith.constant 0 : i32
    %get3A_117 = arith.constant 1 : i32
    %get3A_118 = arith.index_cast %get3A_116 : i32 to index
    %get3A_119 = arith.index_cast %get3A_117 : i32 to index
    %get3A_120 = arith.constant 64 : index
    %get3A_121 = tpu.vector_load %arg5[%get3A_118, %get3A_119, %get3A_120] {strides = array<i32>} : memref<25x8x128xi32, #tpu.memory_space<vmem>>, vector<16xi32>,
    %add3A_122 = arith.constant 1 : i32
    %add3A_123 = vector.broadcast %add3A_122 : i32 to vector<16xi32>
    %add3A_124 = arith.addi %get3A_121, %add3A_123 : vector<16xi32>
    %get3A_125 = arith.constant 0 : i32
    %get3A_126 = arith.constant 1 : i32
    %get3A_127 = arith.index_cast %get3A_125 : i32 to index
    %get3A_128 = arith.index_cast %get3A_126 : i32 to index
    %get3A_129 = arith.constant 80 : index
    %get3A_130 = tpu.vector_load %arg5[%get3A_127, %get3A_128, %get3A_129] {strides = array<i32>} : memref<25x8x128xi32, #tpu.memory_space<vmem>>, vector<16xi32>,
    %add3A_131 = arith.constant 1 : i32
    %add3A_132 = vector.broadcast %add3A_131 : i32 to vector<16xi32>
    %add3A_133 = arith.addi %get3A_130, %add3A_132 : vector<16xi32>
    %get3A_134 = arith.constant 0 : i32
    %get3A_135 = arith.constant 1 : i32
    %get3A_136 = arith.index_cast %get3A_134 : i32 to index
    %get3A_137 = arith.index_cast %get3A_135 : i32 to index
    %get3A_138 = arith.constant 96 : index
    %get3A_139 = tpu.vector_load %arg5[%get3A_136, %get3A_137, %get3A_138] {strides = array<i32>} : memref<25x8x128xi32, #tpu.memory_space<vmem>>, vector<16xi32>,
    %add3A_140 = arith.constant 1 : i32
    %add3A_141 = vector.broadcast %add3A_140 : i32 to vector<16xi32>
    %add3A_142 = arith.addi %get3A_139, %add3A_141 : vector<16xi32>
    %get3A_143 = arith.constant 0 : i32
    %get3A_144 = arith.constant 1 : i32
    %get3A_145 = arith.index_cast %get3A_143 : i32 to index
    %get3A_146 = arith.index_cast %get3A_144 : i32 to index
    %get3A_147 = arith.constant 112 : index
    %get3A_148 = tpu.vector_load %arg5[%get3A_145, %get3A_146, %get3A_147] {strides = array<i32>} : memref<25x8x128xi32, #tpu.memory_space<vmem>>, vector<16xi32>,
    %add3A_149 = arith.constant 1 : i32
    %add3A_150 = vector.broadcast %add3A_149 : i32 to vector<16xi32>
    %add3A_151 = arith.addi %get3A_148, %add3A_150 : vector<16xi32>
    %swap3A = arith.constant 0 : index
    %swap3A_152 = tpu.vector_load %arg6[%swap3A] {strides = array<i32>} : memref<256xi32, #tpu.memory_space<vmem>>, vector<16xi32>,
    tpu.vector_store %arg6[%swap3A], %add3A_16 {strides = array<i32>} : memref<256xi32, #tpu.memory_space<vmem>>, vector<16xi32>,
    %swap3A_153 = arith.constant 16 : index
    %swap3A_154 = tpu.vector_load %arg6[%swap3A_153] {strides = array<i32>} : memref<256xi32, #tpu.memory_space<vmem>>, vector<16xi32>,
    tpu.vector_store %arg6[%swap3A_153], %add3A_25 {strides = array<i32>} : memref<256xi32, #tpu.memory_space<vmem>>, vector<16xi32>,
    %swap3A_155 = arith.constant 32 : index
    %swap3A_156 = tpu.vector_load %arg6[%swap3A_155] {strides = array<i32>} : memref<256xi32, #tpu.memory_space<vmem>>, vector<16xi32>,
    tpu.vector_store %arg6[%swap3A_155], %add3A_34 {strides = array<i32>} : memref<256xi32, #tpu.memory_space<vmem>>, vector<16xi32>,
    %swap3A_157 = arith.constant 48 : index
    %swap3A_158 = tpu.vector_load %arg6[%swap3A_157] {strides = array<i32>} : memref<256xi32, #tpu.memory_space<vmem>>, vector<16xi32>,
    tpu.vector_store %arg6[%swap3A_157], %add3A_43 {strides = array<i32>} : memref<256xi32, #tpu.memory_space<vmem>>, vector<16xi32>,
    %swap3A_159 = arith.constant 64 : index
    %swap3A_160 = tpu.vector_load %arg6[%swap3A_159] {strides = array<i32>} : memref<256xi32, #tpu.memory_space<vmem>>, vector<16xi32>,
    tpu.vector_store %arg6[%swap3A_159], %add3A_52 {strides = array<i32>} : memref<256xi32, #tpu.memory_space<vmem>>, vector<16xi32>,
    %swap3A_161 = arith.constant 80 : index
    %swap3A_162 = tpu.vector_load %arg6[%swap3A_161] {strides = array<i32>} : memref<256xi32, #tpu.memory_space<vmem>>, vector<16xi32>,
    tpu.vector_store %arg6[%swap3A_161], %add3A_61 {strides = array<i32>} : memref<256xi32, #tpu.memory_space<vmem>>, vector<16xi32>,
    %swap3A_163 = arith.constant 96 : index
    %swap3A_164 = tpu.vector_load %arg6[%swap3A_163] {strides = array<i32>} : memref<256xi32, #tpu.memory_space<vmem>>, vector<16xi32>,
    tpu.vector_store %arg6[%swap3A_163], %add3A_70 {strides = array<i32>} : memref<256xi32, #tpu.memory_space<vmem>>, vector<16xi32>,
    %swap3A_165 = arith.constant 112 : index
    %swap3A_166 = tpu.vector_load %arg6[%swap3A_165] {strides = array<i32>} : memref<256xi32, #tpu.memory_space<vmem>>, vector<16xi32>,
    tpu.vector_store %arg6[%swap3A_165], %add3A_79 {strides = array<i32>} : memref<256xi32, #tpu.memory_space<vmem>>, vector<16xi32>,
    %swap3A_167 = arith.constant 128 : index
    %swap3A_168 = tpu.vector_load %arg6[%swap3A_167] {strides = array<i32>} : memref<256xi32, #tpu.memory_space<vmem>>, vector<16xi32>,
    tpu.vector_store %arg6[%swap3A_167], %add3A_88 {strides = array<i32>} : memref<256xi32, #tpu.memory_space<vmem>>, vector<16xi32>,
    %swap3A_169 = arith.constant 144 : index
    %swap3A_170 = tpu.vector_load %arg6[%swap3A_169] {strides = array<i32>} : memref<256xi32, #tpu.memory_space<vmem>>, vector<16xi32>,
    tpu.vector_store %arg6[%swap3A_169], %add3A_97 {strides = array<i32>} : memref<256xi32, #tpu.memory_space<vmem>>, vector<16xi32>,
    %swap3A_171 = arith.constant 160 : index
    %swap3A_172 = tpu.vector_load %arg6[%swap3A_171] {strides = array<i32>} : memref<256xi32, #tpu.memory_space<vmem>>, vector<16xi32>,
    tpu.vector_store %arg6[%swap3A_171], %add3A_106 {strides = array<i32>} : memref<256xi32, #tpu.memory_space<vmem>>, vector<16xi32>,
    %swap3A_173 = arith.constant 176 : index
    %swap3A_174 = tpu.vector_load %arg6[%swap3A_173] {strides = array<i32>} : memref<256xi32, #tpu.memory_space<vmem>>, vector<16xi32>,
    tpu.vector_store %arg6[%swap3A_173], %add3A_115 {strides = array<i32>} : memref<256xi32, #tpu.memory_space<vmem>>, vector<16xi32>,
    %swap3A_175 = arith.constant 192 : index
    %swap3A_176 = tpu.vector_load %arg6[%swap3A_175] {strides = array<i32>} : memref<256xi32, #tpu.memory_space<vmem>>, vector<16xi32>,
    tpu.vector_store %arg6[%swap3A_175], %add3A_124 {strides = array<i32>} : memref<256xi32, #tpu.memory_space<vmem>>, vector<16xi32>,
    %swap3A_177 = arith.constant 208 : index
    %swap3A_178 = tpu.vector_load %arg6[%swap3A_177] {strides = array<i32>} : memref<256xi32, #tpu.memory_space<vmem>>, vector<16xi32>,
    tpu.vector_store %arg6[%swap3A_177], %add3A_133 {strides = array<i32>} : memref<256xi32, #tpu.memory_space<vmem>>, vector<16xi32>,
    %swap3A_179 = arith.constant 224 : index
    %swap3A_180 = tpu.vector_load %arg6[%swap3A_179] {strides = array<i32>} : memref<256xi32, #tpu.memory_space<vmem>>, vector<16xi32>,
    tpu.vector_store %arg6[%swap3A_179], %add3A_142 {strides = array<i32>} : memref<256xi32, #tpu.memory_space<vmem>>, vector<16xi32>,
    %swap3A_181 = arith.constant 240 : index
    %swap3A_182 = tpu.vector_load %arg6[%swap3A_181] {strides = array<i32>} : memref<256xi32, #tpu.memory_space<vmem>>, vector<16xi32>,
    tpu.vector_store %arg6[%swap3A_181], %add3A_151 {strides = array<i32>} : memref<256xi32, #tpu.memory_space<vmem>>, vector<16xi32>,
    %dma_start3A = arith.constant 0 : i32
    %dma_start3A_183 = arith.constant 0 : i32
    %dma_start3A_184 = tpu.memref_slice %arg8[%dma_start3A, %dma_start3A_183] : memref<256x64xf32, #tpu.memory_space<vmem>> -> memref<128x64xf32, #tpu.memory_space<vmem>>
    %dma_start3A_185 = arith.constant 0 : i32
    %dma_start3A_186 = tpu.memref_slice %arg6[%dma_start3A_185] : memref<256xi32, #tpu.memory_space<vmem>> -> memref<128xi32, #tpu.memory_space<vmem>>
    %dma_start3A_187 = arith.constant 0 : i32
    %dma_start3A_188 = arith.constant 0 : i32
    %dma_start3A_189 = tpu.memref_slice %arg3[%dma_start3A_187, %dma_start3A_188] : memref<100001x64xf32, #tpu.memory_space<hbm>> -> memref<100001x64xf32, #tpu.memory_space<hbm>>
    tpu.enqueue_indirect_dma source(%dma_start3A_189 : memref<100001x64xf32, #tpu.memory_space<hbm>>) target(%dma_start3A_184 : memref<128x64xf32, #tpu.memory_space<vmem>>) offsets(%dma_start3A_186 : memref<128xi32, #tpu.memory_space<vmem>>) semaphore(%arg12 : memref<!tpu.dma_semaphore, #tpu.memory_space<semaphore_mem>>)
    %dma_start3A_190 = arith.constant 128 : i32
    %dma_start3A_191 = arith.constant 0 : i32
    %dma_start3A_192 = tpu.memref_slice %arg8[%dma_start3A_190, %dma_start3A_191] : memref<256x64xf32, #tpu.memory_space<vmem>> -> memref<128x64xf32, #tpu.memory_space<vmem>>
    %dma_start3A_193 = arith.constant 128 : i32
    %dma_start3A_194 = tpu.memref_slice %arg6[%dma_start3A_193] : memref<256xi32, #tpu.memory_space<vmem>> -> memref<128xi32, #tpu.memory_space<vmem>>
    %dma_start3A_195 = arith.constant 0 : i32
    %dma_start3A_196 = arith.constant 0 : i32
    %dma_start3A_197 = tpu.memref_slice %arg3[%dma_start3A_195, %dma_start3A_196] : memref<100001x64xf32, #tpu.memory_space<hbm>> -> memref<100001x64xf32, #tpu.memory_space<hbm>>
    tpu.enqueue_indirect_dma source(%dma_start3A_197 : memref<100001x64xf32, #tpu.memory_space<hbm>>) target(%dma_start3A_192 : memref<128x64xf32, #tpu.memory_space<vmem>>) offsets(%dma_start3A_194 : memref<128xi32, #tpu.memory_space<vmem>>) semaphore(%arg12 : memref<!tpu.dma_semaphore, #tpu.memory_space<semaphore_mem>>)
    %scan3A = arith.constant 0 : i32
    %scan3A_198 = arith.constant 200 : i32
    %scan3A_199 = arith.addi %scan3A, %scan3A_198 : i32
    %scan3A_200 = arith.constant 1 : i32
    scf.for %scan3A_227 = %scan3A to %scan3A_199 step %scan3A_200  : i32 {
      %mul3A_228 = arith.constant 2 : i32
      %mul3A_229 = arith.muli %scan3A_227, %mul3A_228 : i32
      %add3A_230 = arith.constant 0 : i32
      %add3A_231 = arith.addi %add3A_230, %mul3A_229 : i32
      %add3A_232 = arith.constant 0 : i32
      %add3A_233 = arith.addi %add3A_231, %add3A_232 : i32
      %add3A_234 = arith.constant 1 : i32
      %add3A_235 = arith.addi %add3A_233, %add3A_234 : i32
      %lt3A = arith.constant 400 : i32
      %lt3A_236 = arith.cmpi slt, %add3A_235, %lt3A : i32
      %convert_element_type3A = arith.extui %lt3A_236 : i1 to i32
      %cond3A = arith.constant 0 : i32
      %cond3A_237 = arith.cmpi ne, %convert_element_type3A, %cond3A : i32
      scf.if %cond3A_237 {
        %add3A_409 = arith.constant 1 : i32
        %add3A_410 = arith.addi %add3A_233, %add3A_409 : i32
        %jit3A_411 = arith.constant 100 : i32
        %div3A_412 = arith.divsi %add3A_410, %jit3A_411 : i32
        %sign3A_413 = arith.constant 0 : i32
        %sign3A_414 = arith.cmpi sgt, %add3A_410, %sign3A_413 : i32
        %sign3A_415 = arith.extui %sign3A_414 : i1 to i32
        %sign3A_416 = arith.constant 0 : i32
        %sign3A_417 = arith.cmpi slt, %add3A_410, %sign3A_416 : i32
        %sign3A_418 = arith.extui %sign3A_417 : i1 to i32
        %sign3A_419 = arith.subi %sign3A_415, %sign3A_418 : i32
        %sign3A_420 = arith.constant 0 : i32
        %sign3A_421 = arith.cmpi sgt, %jit3A_411, %sign3A_420 : i32
        %sign3A_422 = arith.extui %sign3A_421 : i1 to i32
        %sign3A_423 = arith.constant 0 : i32
        %sign3A_424 = arith.cmpi slt, %jit3A_411, %sign3A_423 : i32
        %sign3A_425 = arith.extui %sign3A_424 : i1 to i32
        %sign3A_426 = arith.subi %sign3A_422, %sign3A_425 : i32
        %ne3A_427 = arith.cmpi ne, %sign3A_419, %sign3A_426 : i32
        %rem3A_428 = arith.remsi %add3A_410, %jit3A_411 : i32
        %ne3A_429 = arith.constant 0 : i32
        %ne3A_430 = arith.cmpi ne, %rem3A_428, %ne3A_429 : i32
        %and3A_431 = arith.andi %ne3A_427, %ne3A_430 : i1
        %sub3A_432 = arith.constant 1 : i32
        %sub3A_433 = arith.subi %div3A_412, %sub3A_432 : i32
        %select_n3A_434 = arith.select %and3A_431, %sub3A_433, %div3A_412 : i32
        %mul3A_435 = arith.constant 100 : i32
        %mul3A_436 = arith.muli %select_n3A_434, %mul3A_435 : i32
        %sub3A_437 = arith.subi %add3A_410, %mul3A_436 : i32
        %mul3A_438 = arith.constant 4 : i32
        %mul3A_439 = arith.muli %add3A, %mul3A_438 : i32
        %add3A_440 = arith.addi %mul3A_439, %select_n3A_434 : i32
        %mul3A_441 = arith.constant 2 : i32
        %mul3A_442 = arith.muli %sub3A_437, %mul3A_441 : i32
        %eq3A = arith.constant 0 : i32
        %eq3A_443 = arith.cmpi eq, %sub3A_437, %eq3A : i32
        %convert_element_type3A_444 = arith.extui %eq3A_443 : i1 to i32
        %cond3A_445 = arith.constant 0 : i32
        %cond3A_446 = arith.cmpi ne, %convert_element_type3A_444, %cond3A_445 : i32
        scf.if %cond3A_446 {
          "tpu.region"() ({
            %run_scoped3A = tpu.sem_alloc : memref<!tpu.dma_semaphore, #tpu.memory_space<semaphore_mem>>
            %dma_start3A_687 = arith.constant 0 : i32
            %dma_start3A_688 = arith.constant 0 : i32
            %dma_start3A_689 = arith.constant 0 : i32
            %dma_start3A_690 = tpu.memref_slice %arg5[%dma_start3A_687, %dma_start3A_688, %dma_start3A_689] : memref<25x8x128xi32, #tpu.memory_space<vmem>> -> memref<25x8x128xi32, #tpu.memory_space<vmem>>
            %dma_start3A_691 = arith.constant 0 : i32
            %dma_start3A_692 = arith.constant 0 : i32
            %dma_start3A_693 = arith.constant 0 : i32
            %dma_start3A_694 = tpu.memref_slice %arg2[%dma_start3A_691, %add3A_440, %dma_start3A_692, %dma_start3A_693] : memref<25x128x8x128xi32, #tpu.memory_space<hbm>> -> memref<25x1x8x128xi32, #tpu.memory_space<hbm>>
            %dma_start3A_695 = tpu.memref_squeeze %dma_start3A_694 : memref<25x1x8x128xi32, #tpu.memory_space<hbm>> -> memref<25x8x128xi32, #tpu.memory_space<hbm>>
            %dma_start3A_696 = arith.constant 0 : i32
            %dma_start3A_697 = arith.constant 0 : i32
            %dma_start3A_698 = arith.constant 0 : i32
            %dma_start3A_699 = tpu.memref_slice %arg5[%dma_start3A_696, %dma_start3A_697, %dma_start3A_698] : memref<25x8x128xi32, #tpu.memory_space<vmem>> -> memref<25x8x128xi32, #tpu.memory_space<vmem>>
            %dma_start3A_700 = arith.constant 0 : i32
            %dma_start3A_701 = arith.constant 0 : i32
            %dma_start3A_702 = arith.constant 0 : i32
            %dma_start3A_703 = tpu.memref_slice %arg2[%dma_start3A_700, %add3A_440, %dma_start3A_701, %dma_start3A_702] : memref<25x128x8x128xi32, #tpu.memory_space<hbm>> -> memref<25x1x8x128xi32, #tpu.memory_space<hbm>>
            %dma_start3A_704 = tpu.memref_squeeze %dma_start3A_703 : memref<25x1x8x128xi32, #tpu.memory_space<hbm>> -> memref<25x8x128xi32, #tpu.memory_space<hbm>>
            tpu.enqueue_dma source(%dma_start3A_704 : memref<25x8x128xi32, #tpu.memory_space<hbm>>) target(%dma_start3A_699 : memref<25x8x128xi32, #tpu.memory_space<vmem>>) target_semaphore(%run_scoped3A : memref<!tpu.dma_semaphore, #tpu.memory_space<semaphore_mem>>)
            %dma_wait3A_705 = arith.constant 0 : i32
            %dma_wait3A_706 = arith.constant 0 : i32
            %dma_wait3A_707 = arith.constant 0 : i32
            %dma_wait3A_708 = tpu.memref_slice %arg5[%dma_wait3A_705, %dma_wait3A_706, %dma_wait3A_707] : memref<25x8x128xi32, #tpu.memory_space<vmem>> -> memref<25x8x128xi32, #tpu.memory_space<vmem>>
            %dma_wait3A_709 = arith.constant 0 : i32
            %dma_wait3A_710 = arith.constant 0 : i32
            %dma_wait3A_711 = arith.constant 0 : i32
            %dma_wait3A_712 = tpu.memref_slice %arg2[%dma_wait3A_709, %add3A_440, %dma_wait3A_710, %dma_wait3A_711] : memref<25x128x8x128xi32, #tpu.memory_space<hbm>> -> memref<25x1x8x128xi32, #tpu.memory_space<hbm>>
            %dma_wait3A_713 = tpu.memref_squeeze %dma_wait3A_712 : memref<25x1x8x128xi32, #tpu.memory_space<hbm>> -> memref<25x8x128xi32, #tpu.memory_space<hbm>>
            %dma_wait3A_714 = arith.constant 0 : i32
            %dma_wait3A_715 = arith.constant 0 : i32
            %dma_wait3A_716 = arith.constant 0 : i32
            %dma_wait3A_717 = tpu.memref_slice %arg5[%dma_wait3A_714, %dma_wait3A_715, %dma_wait3A_716] : memref<25x8x128xi32, #tpu.memory_space<vmem>> -> memref<25x8x128xi32, #tpu.memory_space<vmem>>
            %dma_wait3A_718 = arith.constant 0 : i32
            %dma_wait3A_719 = arith.constant 0 : i32
            %dma_wait3A_720 = arith.constant 0 : i32
            %dma_wait3A_721 = tpu.memref_slice %arg2[%dma_wait3A_718, %add3A_440, %dma_wait3A_719, %dma_wait3A_720] : memref<25x128x8x128xi32, #tpu.memory_space<hbm>> -> memref<25x1x8x128xi32, #tpu.memory_space<hbm>>
            %dma_wait3A_722 = tpu.memref_squeeze %dma_wait3A_721 : memref<25x1x8x128xi32, #tpu.memory_space<hbm>> -> memref<25x8x128xi32, #tpu.memory_space<hbm>>
            tpu.wait_dma2 semaphore(%run_scoped3A : memref<!tpu.dma_semaphore, #tpu.memory_space<semaphore_mem>>) src(%dma_wait3A_722 : memref<25x8x128xi32, #tpu.memory_space<hbm>>) dst(%dma_wait3A_717 : memref<25x8x128xi32, #tpu.memory_space<vmem>>)
            tpu.yield
          }) : () -> ()
        } else {
        }
        %add3A_447 = arith.constant 1 : i32
        %add3A_448 = arith.addi %add3A_233, %add3A_447 : i32
        %jit3A_449 = arith.constant 100 : i32
        %div3A_450 = arith.divsi %add3A_448, %jit3A_449 : i32
        %sign3A_451 = arith.constant 0 : i32
        %sign3A_452 = arith.cmpi sgt, %add3A_448, %sign3A_451 : i32
        %sign3A_453 = arith.extui %sign3A_452 : i1 to i32
        %sign3A_454 = arith.constant 0 : i32
        %sign3A_455 = arith.cmpi slt, %add3A_448, %sign3A_454 : i32
        %sign3A_456 = arith.extui %sign3A_455 : i1 to i32
        %sign3A_457 = arith.subi %sign3A_453, %sign3A_456 : i32
        %sign3A_458 = arith.constant 0 : i32
        %sign3A_459 = arith.cmpi sgt, %jit3A_449, %sign3A_458 : i32
        %sign3A_460 = arith.extui %sign3A_459 : i1 to i32
        %sign3A_461 = arith.constant 0 : i32
        %sign3A_462 = arith.cmpi slt, %jit3A_449, %sign3A_461 : i32
        %sign3A_463 = arith.extui %sign3A_462 : i1 to i32
        %sign3A_464 = arith.subi %sign3A_460, %sign3A_463 : i32
        %ne3A_465 = arith.cmpi ne, %sign3A_457, %sign3A_464 : i32
        %rem3A_466 = arith.remsi %add3A_448, %jit3A_449 : i32
        %ne3A_467 = arith.constant 0 : i32
        %ne3A_468 = arith.cmpi ne, %rem3A_466, %ne3A_467 : i32
        %and3A_469 = arith.andi %ne3A_465, %ne3A_468 : i1
        %sub3A_470 = arith.constant 1 : i32
        %sub3A_471 = arith.subi %div3A_450, %sub3A_470 : i32
        %select_n3A_472 = arith.select %and3A_469, %sub3A_471, %div3A_450 : i32
        %mul3A_473 = arith.constant 100 : i32
        %mul3A_474 = arith.muli %select_n3A_472, %mul3A_473 : i32
        %sub3A_475 = arith.subi %add3A_448, %mul3A_474 : i32
        %mul3A_476 = arith.constant 4 : i32
        %mul3A_477 = arith.muli %add3A, %mul3A_476 : i32
        %add3A_478 = arith.addi %mul3A_477, %select_n3A_472 : i32
        %mul3A_479 = arith.constant 2 : i32
        %mul3A_480 = arith.muli %sub3A_475, %mul3A_479 : i32
        %add3A_481 = arith.constant 0 : i32
        %add3A_482 = arith.addi %mul3A_480, %add3A_481 : i32
        %jit3A_483 = arith.constant 8 : i32
        %div3A_484 = arith.divsi %add3A_482, %jit3A_483 : i32
        %sign3A_485 = arith.constant 0 : i32
        %sign3A_486 = arith.cmpi sgt, %add3A_482, %sign3A_485 : i32
        %sign3A_487 = arith.extui %sign3A_486 : i1 to i32
        %sign3A_488 = arith.constant 0 : i32
        %sign3A_489 = arith.cmpi slt, %add3A_482, %sign3A_488 : i32
        %sign3A_490 = arith.extui %sign3A_489 : i1 to i32
        %sign3A_491 = arith.subi %sign3A_487, %sign3A_490 : i32
        %sign3A_492 = arith.constant 0 : i32
        %sign3A_493 = arith.cmpi sgt, %jit3A_483, %sign3A_492 : i32
        %sign3A_494 = arith.extui %sign3A_493 : i1 to i32
        %sign3A_495 = arith.constant 0 : i32
        %sign3A_496 = arith.cmpi slt, %jit3A_483, %sign3A_495 : i32
        %sign3A_497 = arith.extui %sign3A_496 : i1 to i32
        %sign3A_498 = arith.subi %sign3A_494, %sign3A_497 : i32
        %ne3A_499 = arith.cmpi ne, %sign3A_491, %sign3A_498 : i32
        %rem3A_500 = arith.remsi %add3A_482, %jit3A_483 : i32
        %ne3A_501 = arith.constant 0 : i32
        %ne3A_502 = arith.cmpi ne, %rem3A_500, %ne3A_501 : i32
        %and3A_503 = arith.andi %ne3A_499, %ne3A_502 : i1
        %sub3A_504 = arith.constant 1 : i32
        %sub3A_505 = arith.subi %div3A_484, %sub3A_504 : i32
        %select_n3A_506 = arith.select %and3A_503, %sub3A_505, %div3A_484 : i32
        %add3A_507 = arith.constant 0 : i32
        %add3A_508 = arith.addi %mul3A_480, %add3A_507 : i32
        %mul3A_509 = arith.constant 8 : i32
        %mul3A_510 = arith.muli %select_n3A_506, %mul3A_509 : i32
        %sub3A_511 = arith.subi %add3A_508, %mul3A_510 : i32
        %get3A_512 = arith.index_cast %select_n3A_506 : i32 to index
        %get3A_513 = arith.index_cast %sub3A_511 : i32 to index
        %get3A_514 = arith.constant 0 : index
        %get3A_515 = tpu.vector_load %arg5[%get3A_512, %get3A_513, %get3A_514] {strides = array<i32>} : memref<25x8x128xi32, #tpu.memory_space<vmem>>, vector<16xi32>,
        %add3A_516 = arith.constant 1 : i32
        %add3A_517 = vector.broadcast %add3A_516 : i32 to vector<16xi32>
        %add3A_518 = arith.addi %get3A_515, %add3A_517 : vector<16xi32>
        %get3A_519 = arith.index_cast %select_n3A_506 : i32 to index
        %get3A_520 = arith.index_cast %sub3A_511 : i32 to index
        %get3A_521 = arith.constant 16 : index
        %get3A_522 = tpu.vector_load %arg5[%get3A_519, %get3A_520, %get3A_521] {strides = array<i32>} : memref<25x8x128xi32, #tpu.memory_space<vmem>>, vector<16xi32>,
        %add3A_523 = arith.constant 1 : i32
        %add3A_524 = vector.broadcast %add3A_523 : i32 to vector<16xi32>
        %add3A_525 = arith.addi %get3A_522, %add3A_524 : vector<16xi32>
        %get3A_526 = arith.index_cast %select_n3A_506 : i32 to index
        %get3A_527 = arith.index_cast %sub3A_511 : i32 to index
        %get3A_528 = arith.constant 32 : index
        %get3A_529 = tpu.vector_load %arg5[%get3A_526, %get3A_527, %get3A_528] {strides = array<i32>} : memref<25x8x128xi32, #tpu.memory_space<vmem>>, vector<16xi32>,
        %add3A_530 = arith.constant 1 : i32
        %add3A_531 = vector.broadcast %add3A_530 : i32 to vector<16xi32>
        %add3A_532 = arith.addi %get3A_529, %add3A_531 : vector<16xi32>
        %get3A_533 = arith.index_cast %select_n3A_506 : i32 to index
        %get3A_534 = arith.index_cast %sub3A_511 : i32 to index
        %get3A_535 = arith.constant 48 : index
        %get3A_536 = tpu.vector_load %arg5[%get3A_533, %get3A_534, %get3A_535] {strides = array<i32>} : memref<25x8x128xi32, #tpu.memory_space<vmem>>, vector<16xi32>,
        %add3A_537 = arith.constant 1 : i32
        %add3A_538 = vector.broadcast %add3A_537 : i32 to vector<16xi32>
        %add3A_539 = arith.addi %get3A_536, %add3A_538 : vector<16xi32>
        %get3A_540 = arith.index_cast %select_n3A_506 : i32 to index
        %get3A_541 = arith.index_cast %sub3A_511 : i32 to index
        %get3A_542 = arith.constant 64 : index
        %get3A_543 = tpu.vector_load %arg5[%get3A_540, %get3A_541, %get3A_542] {strides = array<i32>} : memref<25x8x128xi32, #tpu.memory_space<vmem>>, vector<16xi32>,
        %add3A_544 = arith.constant 1 : i32
        %add3A_545 = vector.broadcast %add3A_544 : i32 to vector<16xi32>
        %add3A_546 = arith.addi %get3A_543, %add3A_545 : vector<16xi32>
        %get3A_547 = arith.index_cast %select_n3A_506 : i32 to index
        %get3A_548 = arith.index_cast %sub3A_511 : i32 to index
        %get3A_549 = arith.constant 80 : index
        %get3A_550 = tpu.vector_load %arg5[%get3A_547, %get3A_548, %get3A_549] {strides = array<i32>} : memref<25x8x128xi32, #tpu.memory_space<vmem>>, vector<16xi32>,
        %add3A_551 = arith.constant 1 : i32
        %add3A_552 = vector.broadcast %add3A_551 : i32 to vector<16xi32>
        %add3A_553 = arith.addi %get3A_550, %add3A_552 : vector<16xi32>
        %get3A_554 = arith.index_cast %select_n3A_506 : i32 to index
        %get3A_555 = arith.index_cast %sub3A_511 : i32 to index
        %get3A_556 = arith.constant 96 : index
        %get3A_557 = tpu.vector_load %arg5[%get3A_554, %get3A_555, %get3A_556] {strides = array<i32>} : memref<25x8x128xi32, #tpu.memory_space<vmem>>, vector<16xi32>,
        %add3A_558 = arith.constant 1 : i32
        %add3A_559 = vector.broadcast %add3A_558 : i32 to vector<16xi32>
        %add3A_560 = arith.addi %get3A_557, %add3A_559 : vector<16xi32>
        %get3A_561 = arith.index_cast %select_n3A_506 : i32 to index
        %get3A_562 = arith.index_cast %sub3A_511 : i32 to index
        %get3A_563 = arith.constant 112 : index
        %get3A_564 = tpu.vector_load %arg5[%get3A_561, %get3A_562, %get3A_563] {strides = array<i32>} : memref<25x8x128xi32, #tpu.memory_space<vmem>>, vector<16xi32>,
        %add3A_565 = arith.constant 1 : i32
        %add3A_566 = vector.broadcast %add3A_565 : i32 to vector<16xi32>
        %add3A_567 = arith.addi %get3A_564, %add3A_566 : vector<16xi32>
        %add3A_568 = arith.constant 1 : i32
        %add3A_569 = arith.addi %mul3A_480, %add3A_568 : i32
        %jit3A_570 = arith.constant 8 : i32
        %div3A_571 = arith.divsi %add3A_569, %jit3A_570 : i32
        %sign3A_572 = arith.constant 0 : i32
        %sign3A_573 = arith.cmpi sgt, %add3A_569, %sign3A_572 : i32
        %sign3A_574 = arith.extui %sign3A_573 : i1 to i32
        %sign3A_575 = arith.constant 0 : i32
        %sign3A_576 = arith.cmpi slt, %add3A_569, %sign3A_575 : i32
        %sign3A_577 = arith.extui %sign3A_576 : i1 to i32
        %sign3A_578 = arith.subi %sign3A_574, %sign3A_577 : i32
        %sign3A_579 = arith.constant 0 : i32
        %sign3A_580 = arith.cmpi sgt, %jit3A_570, %sign3A_579 : i32
        %sign3A_581 = arith.extui %sign3A_580 : i1 to i32
        %sign3A_582 = arith.constant 0 : i32
        %sign3A_583 = arith.cmpi slt, %jit3A_570, %sign3A_582 : i32
        %sign3A_584 = arith.extui %sign3A_583 : i1 to i32
        %sign3A_585 = arith.subi %sign3A_581, %sign3A_584 : i32
        %ne3A_586 = arith.cmpi ne, %sign3A_578, %sign3A_585 : i32
        %rem3A_587 = arith.remsi %add3A_569, %jit3A_570 : i32
        %ne3A_588 = arith.constant 0 : i32
        %ne3A_589 = arith.cmpi ne, %rem3A_587, %ne3A_588 : i32
        %and3A_590 = arith.andi %ne3A_586, %ne3A_589 : i1
        %sub3A_591 = arith.constant 1 : i32
        %sub3A_592 = arith.subi %div3A_571, %sub3A_591 : i32
        %select_n3A_593 = arith.select %and3A_590, %sub3A_592, %div3A_571 : i32
        %add3A_594 = arith.constant 1 : i32
        %add3A_595 = arith.addi %mul3A_480, %add3A_594 : i32
        %mul3A_596 = arith.constant 8 : i32
        %mul3A_597 = arith.muli %select_n3A_593, %mul3A_596 : i32
        %sub3A_598 = arith.subi %add3A_595, %mul3A_597 : i32
        %get3A_599 = arith.index_cast %select_n3A_593 : i32 to index
        %get3A_600 = arith.index_cast %sub3A_598 : i32 to index
        %get3A_601 = arith.constant 0 : index
        %get3A_602 = tpu.vector_load %arg5[%get3A_599, %get3A_600, %get3A_601] {strides = array<i32>} : memref<25x8x128xi32, #tpu.memory_space<vmem>>, vector<16xi32>,
        %add3A_603 = arith.constant 1 : i32
        %add3A_604 = vector.broadcast %add3A_603 : i32 to vector<16xi32>
        %add3A_605 = arith.addi %get3A_602, %add3A_604 : vector<16xi32>
        %get3A_606 = arith.index_cast %select_n3A_593 : i32 to index
        %get3A_607 = arith.index_cast %sub3A_598 : i32 to index
        %get3A_608 = arith.constant 16 : index
        %get3A_609 = tpu.vector_load %arg5[%get3A_606, %get3A_607, %get3A_608] {strides = array<i32>} : memref<25x8x128xi32, #tpu.memory_space<vmem>>, vector<16xi32>,
        %add3A_610 = arith.constant 1 : i32
        %add3A_611 = vector.broadcast %add3A_610 : i32 to vector<16xi32>
        %add3A_612 = arith.addi %get3A_609, %add3A_611 : vector<16xi32>
        %get3A_613 = arith.index_cast %select_n3A_593 : i32 to index
        %get3A_614 = arith.index_cast %sub3A_598 : i32 to index
        %get3A_615 = arith.constant 32 : index
        %get3A_616 = tpu.vector_load %arg5[%get3A_613, %get3A_614, %get3A_615] {strides = array<i32>} : memref<25x8x128xi32, #tpu.memory_space<vmem>>, vector<16xi32>,
        %add3A_617 = arith.constant 1 : i32
        %add3A_618 = vector.broadcast %add3A_617 : i32 to vector<16xi32>
        %add3A_619 = arith.addi %get3A_616, %add3A_618 : vector<16xi32>
        %get3A_620 = arith.index_cast %select_n3A_593 : i32 to index
        %get3A_621 = arith.index_cast %sub3A_598 : i32 to index
        %get3A_622 = arith.constant 48 : index
        %get3A_623 = tpu.vector_load %arg5[%get3A_620, %get3A_621, %get3A_622] {strides = array<i32>} : memref<25x8x128xi32, #tpu.memory_space<vmem>>, vector<16xi32>,
        %add3A_624 = arith.constant 1 : i32
        %add3A_625 = vector.broadcast %add3A_624 : i32 to vector<16xi32>
        %add3A_626 = arith.addi %get3A_623, %add3A_625 : vector<16xi32>
        %get3A_627 = arith.index_cast %select_n3A_593 : i32 to index
        %get3A_628 = arith.index_cast %sub3A_598 : i32 to index
        %get3A_629 = arith.constant 64 : index
        %get3A_630 = tpu.vector_load %arg5[%get3A_627, %get3A_628, %get3A_629] {strides = array<i32>} : memref<25x8x128xi32, #tpu.memory_space<vmem>>, vector<16xi32>,
        %add3A_631 = arith.constant 1 : i32
        %add3A_632 = vector.broadcast %add3A_631 : i32 to vector<16xi32>
        %add3A_633 = arith.addi %get3A_630, %add3A_632 : vector<16xi32>
        %get3A_634 = arith.index_cast %select_n3A_593 : i32 to index
        %get3A_635 = arith.index_cast %sub3A_598 : i32 to index
        %get3A_636 = arith.constant 80 : index
        %get3A_637 = tpu.vector_load %arg5[%get3A_634, %get3A_635, %get3A_636] {strides = array<i32>} : memref<25x8x128xi32, #tpu.memory_space<vmem>>, vector<16xi32>,
        %add3A_638 = arith.constant 1 : i32
        %add3A_639 = vector.broadcast %add3A_638 : i32 to vector<16xi32>
        %add3A_640 = arith.addi %get3A_637, %add3A_639 : vector<16xi32>
        %get3A_641 = arith.index_cast %select_n3A_593 : i32 to index
        %get3A_642 = arith.index_cast %sub3A_598 : i32 to index
        %get3A_643 = arith.constant 96 : index
        %get3A_644 = tpu.vector_load %arg5[%get3A_641, %get3A_642, %get3A_643] {strides = array<i32>} : memref<25x8x128xi32, #tpu.memory_space<vmem>>, vector<16xi32>,
        %add3A_645 = arith.constant 1 : i32
        %add3A_646 = vector.broadcast %add3A_645 : i32 to vector<16xi32>
        %add3A_647 = arith.addi %get3A_644, %add3A_646 : vector<16xi32>
        %get3A_648 = arith.index_cast %select_n3A_593 : i32 to index
        %get3A_649 = arith.index_cast %sub3A_598 : i32 to index
        %get3A_650 = arith.constant 112 : index
        %get3A_651 = tpu.vector_load %arg5[%get3A_648, %get3A_649, %get3A_650] {strides = array<i32>} : memref<25x8x128xi32, #tpu.memory_space<vmem>>, vector<16xi32>,
        %add3A_652 = arith.constant 1 : i32
        %add3A_653 = vector.broadcast %add3A_652 : i32 to vector<16xi32>
        %add3A_654 = arith.addi %get3A_651, %add3A_653 : vector<16xi32>
        %swap3A_655 = arith.constant 0 : index
        %swap3A_656 = tpu.vector_load %arg7[%swap3A_655] {strides = array<i32>} : memref<256xi32, #tpu.memory_space<vmem>>, vector<16xi32>,
        tpu.vector_store %arg7[%swap3A_655], %add3A_518 {strides = array<i32>} : memref<256xi32, #tpu.memory_space<vmem>>, vector<16xi32>,
        %swap3A_657 = arith.constant 16 : index
        %swap3A_658 = tpu.vector_load %arg7[%swap3A_657] {strides = array<i32>} : memref<256xi32, #tpu.memory_space<vmem>>, vector<16xi32>,
        tpu.vector_store %arg7[%swap3A_657], %add3A_525 {strides = array<i32>} : memref<256xi32, #tpu.memory_space<vmem>>, vector<16xi32>,
        %swap3A_659 = arith.constant 32 : index
        %swap3A_660 = tpu.vector_load %arg7[%swap3A_659] {strides = array<i32>} : memref<256xi32, #tpu.memory_space<vmem>>, vector<16xi32>,
        tpu.vector_store %arg7[%swap3A_659], %add3A_532 {strides = array<i32>} : memref<256xi32, #tpu.memory_space<vmem>>, vector<16xi32>,
        %swap3A_661 = arith.constant 48 : index
        %swap3A_662 = tpu.vector_load %arg7[%swap3A_661] {strides = array<i32>} : memref<256xi32, #tpu.memory_space<vmem>>, vector<16xi32>,
        tpu.vector_store %arg7[%swap3A_661], %add3A_539 {strides = array<i32>} : memref<256xi32, #tpu.memory_space<vmem>>, vector<16xi32>,
        %swap3A_663 = arith.constant 64 : index
        %swap3A_664 = tpu.vector_load %arg7[%swap3A_663] {strides = array<i32>} : memref<256xi32, #tpu.memory_space<vmem>>, vector<16xi32>,
        tpu.vector_store %arg7[%swap3A_663], %add3A_546 {strides = array<i32>} : memref<256xi32, #tpu.memory_space<vmem>>, vector<16xi32>,
        %swap3A_665 = arith.constant 80 : index
        %swap3A_666 = tpu.vector_load %arg7[%swap3A_665] {strides = array<i32>} : memref<256xi32, #tpu.memory_space<vmem>>, vector<16xi32>,
        tpu.vector_store %arg7[%swap3A_665], %add3A_553 {strides = array<i32>} : memref<256xi32, #tpu.memory_space<vmem>>, vector<16xi32>,
        %swap3A_667 = arith.constant 96 : index
        %swap3A_668 = tpu.vector_load %arg7[%swap3A_667] {strides = array<i32>} : memref<256xi32, #tpu.memory_space<vmem>>, vector<16xi32>,
        tpu.vector_store %arg7[%swap3A_667], %add3A_560 {strides = array<i32>} : memref<256xi32, #tpu.memory_space<vmem>>, vector<16xi32>,
        %swap3A_669 = arith.constant 112 : index
        %swap3A_670 = tpu.vector_load %arg7[%swap3A_669] {strides = array<i32>} : memref<256xi32, #tpu.memory_space<vmem>>, vector<16xi32>,
        tpu.vector_store %arg7[%swap3A_669], %add3A_567 {strides = array<i32>} : memref<256xi32, #tpu.memory_space<vmem>>, vector<16xi32>,
        %swap3A_671 = arith.constant 128 : index
        %swap3A_672 = tpu.vector_load %arg7[%swap3A_671] {strides = array<i32>} : memref<256xi32, #tpu.memory_space<vmem>>, vector<16xi32>,
        tpu.vector_store %arg7[%swap3A_671], %add3A_605 {strides = array<i32>} : memref<256xi32, #tpu.memory_space<vmem>>, vector<16xi32>,
        %swap3A_673 = arith.constant 144 : index
        %swap3A_674 = tpu.vector_load %arg7[%swap3A_673] {strides = array<i32>} : memref<256xi32, #tpu.memory_space<vmem>>, vector<16xi32>,
        tpu.vector_store %arg7[%swap3A_673], %add3A_612 {strides = array<i32>} : memref<256xi32, #tpu.memory_space<vmem>>, vector<16xi32>,
        %swap3A_675 = arith.constant 160 : index
        %swap3A_676 = tpu.vector_load %arg7[%swap3A_675] {strides = array<i32>} : memref<256xi32, #tpu.memory_space<vmem>>, vector<16xi32>,
        tpu.vector_store %arg7[%swap3A_675], %add3A_619 {strides = array<i32>} : memref<256xi32, #tpu.memory_space<vmem>>, vector<16xi32>,
        %swap3A_677 = arith.constant 176 : index
        %swap3A_678 = tpu.vector_load %arg7[%swap3A_677] {strides = array<i32>} : memref<256xi32, #tpu.memory_space<vmem>>, vector<16xi32>,
        tpu.vector_store %arg7[%swap3A_677], %add3A_626 {strides = array<i32>} : memref<256xi32, #tpu.memory_space<vmem>>, vector<16xi32>,
        %swap3A_679 = arith.constant 192 : index
        %swap3A_680 = tpu.vector_load %arg7[%swap3A_679] {strides = array<i32>} : memref<256xi32, #tpu.memory_space<vmem>>, vector<16xi32>,
        tpu.vector_store %arg7[%swap3A_679], %add3A_633 {strides = array<i32>} : memref<256xi32, #tpu.memory_space<vmem>>, vector<16xi32>,
        %swap3A_681 = arith.constant 208 : index
        %swap3A_682 = tpu.vector_load %arg7[%swap3A_681] {strides = array<i32>} : memref<256xi32, #tpu.memory_space<vmem>>, vector<16xi32>,
        tpu.vector_store %arg7[%swap3A_681], %add3A_640 {strides = array<i32>} : memref<256xi32, #tpu.memory_space<vmem>>, vector<16xi32>,
        %swap3A_683 = arith.constant 224 : index
        %swap3A_684 = tpu.vector_load %arg7[%swap3A_683] {strides = array<i32>} : memref<256xi32, #tpu.memory_space<vmem>>, vector<16xi32>,
        tpu.vector_store %arg7[%swap3A_683], %add3A_647 {strides = array<i32>} : memref<256xi32, #tpu.memory_space<vmem>>, vector<16xi32>,
        %swap3A_685 = arith.constant 240 : index
        %swap3A_686 = tpu.vector_load %arg7[%swap3A_685] {strides = array<i32>} : memref<256xi32, #tpu.memory_space<vmem>>, vector<16xi32>,
        tpu.vector_store %arg7[%swap3A_685], %add3A_654 {strides = array<i32>} : memref<256xi32, #tpu.memory_space<vmem>>, vector<16xi32>,
      } else {
      }
      %ge3A = arith.constant 1 : i32
      %ge3A_238 = arith.cmpi sge, %add3A_233, %ge3A : i32
      %convert_element_type3A_239 = arith.extui %ge3A_238 : i1 to i32
      %cond3A_240 = arith.constant 0 : i32
      %cond3A_241 = arith.cmpi ne, %convert_element_type3A_239, %cond3A_240 : i32
      scf.if %cond3A_241 {
        %sub3A_409 = arith.constant 1 : i32
        %sub3A_410 = arith.subi %add3A_233, %sub3A_409 : i32
        %jit3A_411 = arith.constant 100 : i32
        %div3A_412 = arith.divsi %sub3A_410, %jit3A_411 : i32
        %sign3A_413 = arith.constant 0 : i32
        %sign3A_414 = arith.cmpi sgt, %sub3A_410, %sign3A_413 : i32
        %sign3A_415 = arith.extui %sign3A_414 : i1 to i32
        %sign3A_416 = arith.constant 0 : i32
        %sign3A_417 = arith.cmpi slt, %sub3A_410, %sign3A_416 : i32
        %sign3A_418 = arith.extui %sign3A_417 : i1 to i32
        %sign3A_419 = arith.subi %sign3A_415, %sign3A_418 : i32
        %sign3A_420 = arith.constant 0 : i32
        %sign3A_421 = arith.cmpi sgt, %jit3A_411, %sign3A_420 : i32
        %sign3A_422 = arith.extui %sign3A_421 : i1 to i32
        %sign3A_423 = arith.constant 0 : i32
        %sign3A_424 = arith.cmpi slt, %jit3A_411, %sign3A_423 : i32
        %sign3A_425 = arith.extui %sign3A_424 : i1 to i32
        %sign3A_426 = arith.subi %sign3A_422, %sign3A_425 : i32
        %ne3A_427 = arith.cmpi ne, %sign3A_419, %sign3A_426 : i32
        %rem3A_428 = arith.remsi %sub3A_410, %jit3A_411 : i32
        %ne3A_429 = arith.constant 0 : i32
        %ne3A_430 = arith.cmpi ne, %rem3A_428, %ne3A_429 : i32
        %and3A_431 = arith.andi %ne3A_427, %ne3A_430 : i1
        %sub3A_432 = arith.constant 1 : i32
        %sub3A_433 = arith.subi %div3A_412, %sub3A_432 : i32
        %select_n3A_434 = arith.select %and3A_431, %sub3A_433, %div3A_412 : i32
        %mul3A_435 = arith.constant 100 : i32
        %mul3A_436 = arith.muli %select_n3A_434, %mul3A_435 : i32
        %sub3A_437 = arith.subi %sub3A_410, %mul3A_436 : i32
        %mul3A_438 = arith.constant 4 : i32
        %mul3A_439 = arith.muli %add3A, %mul3A_438 : i32
        %add3A_440 = arith.addi %mul3A_439, %select_n3A_434 : i32
        %mul3A_441 = arith.constant 2 : i32
        %mul3A_442 = arith.muli %sub3A_437, %mul3A_441 : i32
        %dma_wait3A_443 = arith.constant 0 : i32
        %dma_wait3A_444 = arith.constant 0 : i32
        %dma_wait3A_445 = arith.constant 0 : i32
        %dma_wait3A_446 = arith.constant 0 : i32
        %dma_wait3A_447 = tpu.memref_slice %arg11[%dma_wait3A_443, %dma_wait3A_444, %dma_wait3A_445, %dma_wait3A_446] : memref<2x8x8x129xf32, #tpu.memory_space<vmem>> -> memref<2x8x8x128xf32, #tpu.memory_space<vmem>>
        %dma_wait3A_448 = arith.constant 0 : i32
        %dma_wait3A_449 = arith.constant 0 : i32
        %dma_wait3A_450 = arith.constant 0 : i32
        %dma_wait3A_451 = tpu.memref_slice %arg4[%mul3A_442, %dma_wait3A_448, %add3A_440, %dma_wait3A_449, %dma_wait3A_450] : memref<200x8x128x8x128xf32, #tpu.memory_space<hbm>> -> memref<2x8x1x8x128xf32, #tpu.memory_space<hbm>>
        %dma_wait3A_452 = tpu.memref_squeeze %dma_wait3A_451 : memref<2x8x1x8x128xf32, #tpu.memory_space<hbm>> -> memref<2x8x8x128xf32, #tpu.memory_space<hbm>>
        %dma_wait3A_453 = arith.constant 0 : i32
        %dma_wait3A_454 = arith.constant 0 : i32
        %dma_wait3A_455 = arith.constant 0 : i32
        %dma_wait3A_456 = tpu.memref_slice %arg4[%mul3A_442, %dma_wait3A_453, %add3A_440, %dma_wait3A_454, %dma_wait3A_455] : memref<200x8x128x8x128xf32, #tpu.memory_space<hbm>> -> memref<2x8x1x8x128xf32, #tpu.memory_space<hbm>>
        %dma_wait3A_457 = tpu.memref_squeeze %dma_wait3A_456 : memref<2x8x1x8x128xf32, #tpu.memory_space<hbm>> -> memref<2x8x8x128xf32, #tpu.memory_space<hbm>>
        %dma_wait3A_458 = arith.constant 0 : i32
        %dma_wait3A_459 = arith.constant 0 : i32
        %dma_wait3A_460 = arith.constant 0 : i32
        %dma_wait3A_461 = arith.constant 0 : i32
        %dma_wait3A_462 = tpu.memref_slice %arg11[%dma_wait3A_458, %dma_wait3A_459, %dma_wait3A_460, %dma_wait3A_461] : memref<2x8x8x129xf32, #tpu.memory_space<vmem>> -> memref<2x8x8x128xf32, #tpu.memory_space<vmem>>
        tpu.wait_dma2 semaphore(%arg15 : memref<!tpu.dma_semaphore, #tpu.memory_space<semaphore_mem>>) src(%dma_wait3A_462 : memref<2x8x8x128xf32, #tpu.memory_space<vmem>>) dst(%dma_wait3A_457 : memref<2x8x8x128xf32, #tpu.memory_space<hbm>>)
      } else {
      }
      %add3A_242 = arith.constant 1 : i32
      %add3A_243 = arith.addi %add3A_233, %add3A_242 : i32
      %lt3A_244 = arith.constant 400 : i32
      %lt3A_245 = arith.cmpi slt, %add3A_243, %lt3A_244 : i32
      %convert_element_type3A_246 = arith.extui %lt3A_245 : i1 to i32
      %cond3A_247 = arith.constant 0 : i32
      %cond3A_248 = arith.cmpi ne, %convert_element_type3A_246, %cond3A_247 : i32
      scf.if %cond3A_248 {
        %dma_start3A_409 = arith.constant 0 : i32
        %dma_start3A_410 = arith.constant 0 : i32
        %dma_start3A_411 = tpu.memref_slice %arg9[%dma_start3A_409, %dma_start3A_410] : memref<256x64xf32, #tpu.memory_space<vmem>> -> memref<128x64xf32, #tpu.memory_space<vmem>>
        %dma_start3A_412 = arith.constant 0 : i32
        %dma_start3A_413 = tpu.memref_slice %arg7[%dma_start3A_412] : memref<256xi32, #tpu.memory_space<vmem>> -> memref<128xi32, #tpu.memory_space<vmem>>
        %dma_start3A_414 = arith.constant 0 : i32
        %dma_start3A_415 = arith.constant 0 : i32
        %dma_start3A_416 = tpu.memref_slice %arg3[%dma_start3A_414, %dma_start3A_415] : memref<100001x64xf32, #tpu.memory_space<hbm>> -> memref<100001x64xf32, #tpu.memory_space<hbm>>
        tpu.enqueue_indirect_dma source(%dma_start3A_416 : memref<100001x64xf32, #tpu.memory_space<hbm>>) target(%dma_start3A_411 : memref<128x64xf32, #tpu.memory_space<vmem>>) offsets(%dma_start3A_413 : memref<128xi32, #tpu.memory_space<vmem>>) semaphore(%arg13 : memref<!tpu.dma_semaphore, #tpu.memory_space<semaphore_mem>>)
        %dma_start3A_417 = arith.constant 128 : i32
        %dma_start3A_418 = arith.constant 0 : i32
        %dma_start3A_419 = tpu.memref_slice %arg9[%dma_start3A_417, %dma_start3A_418] : memref<256x64xf32, #tpu.memory_space<vmem>> -> memref<128x64xf32, #tpu.memory_space<vmem>>
        %dma_start3A_420 = arith.constant 128 : i32
        %dma_start3A_421 = tpu.memref_slice %arg7[%dma_start3A_420] : memref<256xi32, #tpu.memory_space<vmem>> -> memref<128xi32, #tpu.memory_space<vmem>>
        %dma_start3A_422 = arith.constant 0 : i32
        %dma_start3A_423 = arith.constant 0 : i32
        %dma_start3A_424 = tpu.memref_slice %arg3[%dma_start3A_422, %dma_start3A_423] : memref<100001x64xf32, #tpu.memory_space<hbm>> -> memref<100001x64xf32, #tpu.memory_space<hbm>>
        tpu.enqueue_indirect_dma source(%dma_start3A_424 : memref<100001x64xf32, #tpu.memory_space<hbm>>) target(%dma_start3A_419 : memref<128x64xf32, #tpu.memory_space<vmem>>) offsets(%dma_start3A_421 : memref<128xi32, #tpu.memory_space<vmem>>) semaphore(%arg13 : memref<!tpu.dma_semaphore, #tpu.memory_space<semaphore_mem>>)
      } else {
      }
      %dma_wait3A_249 = arith.constant 0 : i32
      %dma_wait3A_250 = arith.constant 0 : i32
      %dma_wait3A_251 = tpu.memref_slice %arg8[%dma_wait3A_249, %dma_wait3A_250] : memref<256x64xf32, #tpu.memory_space<vmem>> -> memref<128x64xf32, #tpu.memory_space<vmem>>
      %dma_wait3A_252 = arith.constant 0 : i32
      %dma_wait3A_253 = tpu.memref_slice %arg6[%dma_wait3A_252] : memref<256xi32, #tpu.memory_space<vmem>> -> memref<128xi32, #tpu.memory_space<vmem>>
      %dma_wait3A_254 = arith.constant 0 : i32
      %dma_wait3A_255 = arith.constant 0 : i32
      %dma_wait3A_256 = tpu.memref_slice %arg3[%dma_wait3A_254, %dma_wait3A_255] : memref<100001x64xf32, #tpu.memory_space<hbm>> -> memref<100001x64xf32, #tpu.memory_space<hbm>>
      tpu.wait_indirect_dma semaphore(%arg12 : memref<!tpu.dma_semaphore, #tpu.memory_space<semaphore_mem>>) src(%dma_wait3A_256 : memref<100001x64xf32, #tpu.memory_space<hbm>>) dst(%dma_wait3A_251 : memref<128x64xf32, #tpu.memory_space<vmem>>)
      %dma_wait3A_257 = arith.constant 128 : i32
      %dma_wait3A_258 = arith.constant 0 : i32
      %dma_wait3A_259 = tpu.memref_slice %arg8[%dma_wait3A_257, %dma_wait3A_258] : memref<256x64xf32, #tpu.memory_space<vmem>> -> memref<128x64xf32, #tpu.memory_space<vmem>>
      %dma_wait3A_260 = arith.constant 128 : i32
      %dma_wait3A_261 = tpu.memref_slice %arg6[%dma_wait3A_260] : memref<256xi32, #tpu.memory_space<vmem>> -> memref<128xi32, #tpu.memory_space<vmem>>
      %dma_wait3A_262 = arith.constant 0 : i32
      %dma_wait3A_263 = arith.constant 0 : i32
      %dma_wait3A_264 = tpu.memref_slice %arg3[%dma_wait3A_262, %dma_wait3A_263] : memref<100001x64xf32, #tpu.memory_space<hbm>> -> memref<100001x64xf32, #tpu.memory_space<hbm>>
      tpu.wait_indirect_dma semaphore(%arg12 : memref<!tpu.dma_semaphore, #tpu.memory_space<semaphore_mem>>) src(%dma_wait3A_264 : memref<100001x64xf32, #tpu.memory_space<hbm>>) dst(%dma_wait3A_259 : memref<128x64xf32, #tpu.memory_space<vmem>>)
      %parallel_loop3A = arith.constant 0 : i32
      %parallel_loop3A_265 = arith.constant 128 : i32
      %parallel_loop3A_266 = arith.constant 1 : i32
      scf.for %parallel_loop3A_409 = %parallel_loop3A to %parallel_loop3A_265 step %parallel_loop3A_266  : i32 {
        %parallel_loop3A_410 = arith.constant 0 : i32
        %parallel_loop3A_411 = vector.broadcast %parallel_loop3A_410 : i32 to vector<16xi32>
        %parallel_loop3A_412 = vector.broadcast %parallel_loop3A_409 : i32 to vector<16xi32>
        %parallel_loop3A_413 = arith.addi %parallel_loop3A_411, %parallel_loop3A_412 : vector<16xi32>
        %parallel_loop3A_414 = arith.constant 0 : i32
        %parallel_loop3A_415 = arith.addi %parallel_loop3A_414, %parallel_loop3A_409 : i32
        %parallel_loop3A_416 = arith.index_cast %parallel_loop3A_415 : i32 to index
        %parallel_loop3A_417 = arith.constant 0 : index
        %parallel_loop3A_418 = tpu.vector_load %arg8[%parallel_loop3A_416, %parallel_loop3A_417] {strides = array<i32>} : memref<256x64xf32, #tpu.memory_space<vmem>>, vector<16xf32>,
        %parallel_loop3A_419 = arith.constant 0 : i32
        %parallel_loop3A_420 = vector.broadcast %parallel_loop3A_419 : i32 to vector<16xi32>
        %parallel_loop3A_421 = arith.addi %parallel_loop3A_420, %iota3A : vector<16xi32>
        %parallel_loop3A_422 = arith.constant 8 : i32
        %parallel_loop3A_423 = vector.broadcast %parallel_loop3A_422 : i32 to vector<16xi32>
        %parallel_loop3A_424 = arith.divsi %parallel_loop3A_421, %parallel_loop3A_423 : vector<16xi32>
        %parallel_loop3A_425 = arith.constant 0 : i32
        %parallel_loop3A_426 = vector.broadcast %parallel_loop3A_425 : i32 to vector<16xi32>
        %parallel_loop3A_427 = arith.cmpi sgt, %parallel_loop3A_421, %parallel_loop3A_426 : vector<16xi32>
        %parallel_loop3A_428 = arith.extui %parallel_loop3A_427 : vector<16xi1> to vector<16xi32>
        %parallel_loop3A_429 = arith.constant 0 : i32
        %parallel_loop3A_430 = vector.broadcast %parallel_loop3A_429 : i32 to vector<16xi32>
        %parallel_loop3A_431 = arith.cmpi slt, %parallel_loop3A_421, %parallel_loop3A_430 : vector<16xi32>
        %parallel_loop3A_432 = arith.extui %parallel_loop3A_431 : vector<16xi1> to vector<16xi32>
        %parallel_loop3A_433 = arith.subi %parallel_loop3A_428, %parallel_loop3A_432 : vector<16xi32>
        %parallel_loop3A_434 = arith.constant 0 : i32
        %parallel_loop3A_435 = arith.cmpi sgt, %parallel_loop3A_422, %parallel_loop3A_434 : i32
        %parallel_loop3A_436 = arith.extui %parallel_loop3A_435 : i1 to i32
        %parallel_loop3A_437 = arith.constant 0 : i32
        %parallel_loop3A_438 = arith.cmpi slt, %parallel_loop3A_422, %parallel_loop3A_437 : i32
        %parallel_loop3A_439 = arith.extui %parallel_loop3A_438 : i1 to i32
        %parallel_loop3A_440 = arith.subi %parallel_loop3A_436, %parallel_loop3A_439 : i32
        %parallel_loop3A_441 = vector.broadcast %parallel_loop3A_440 : i32 to vector<16xi32>
        %parallel_loop3A_442 = arith.cmpi ne, %parallel_loop3A_433, %parallel_loop3A_441 : vector<16xi32>
        %parallel_loop3A_443 = vector.broadcast %parallel_loop3A_422 : i32 to vector<16xi32>
        %parallel_loop3A_444 = arith.remsi %parallel_loop3A_421, %parallel_loop3A_443 : vector<16xi32>
        %parallel_loop3A_445 = arith.constant 0 : i32
        %parallel_loop3A_446 = vector.broadcast %parallel_loop3A_445 : i32 to vector<16xi32>
        %parallel_loop3A_447 = arith.cmpi ne, %parallel_loop3A_444, %parallel_loop3A_446 : vector<16xi32>
        %parallel_loop3A_448 = arith.andi %parallel_loop3A_442, %parallel_loop3A_447 : vector<16xi1>
        %parallel_loop3A_449 = arith.constant 1 : i32
        %parallel_loop3A_450 = vector.broadcast %parallel_loop3A_449 : i32 to vector<16xi32>
        %parallel_loop3A_451 = arith.subi %parallel_loop3A_424, %parallel_loop3A_450 : vector<16xi32>
        %parallel_loop3A_452 = arith.select %parallel_loop3A_448, %parallel_loop3A_451, %parallel_loop3A_424 : vector<16xi1>, vector<16xi32>
        %parallel_loop3A_453 = arith.constant 0 : i32
        %parallel_loop3A_454 = vector.broadcast %parallel_loop3A_453 : i32 to vector<16xi32>
        %parallel_loop3A_455 = arith.addi %parallel_loop3A_454, %iota3A : vector<16xi32>
        %parallel_loop3A_456 = arith.constant 8 : i32
        %parallel_loop3A_457 = arith.constant 0 : i32
        %parallel_loop3A_458 = arith.cmpi eq, %parallel_loop3A_456, %parallel_loop3A_457 : i32
        %parallel_loop3A_459 = arith.constant 1 : i32
        %parallel_loop3A_460 = arith.select %parallel_loop3A_458, %parallel_loop3A_459, %parallel_loop3A_456 : i32
        %parallel_loop3A_461 = vector.broadcast %parallel_loop3A_460 : i32 to vector<16xi32>
        %parallel_loop3A_462 = arith.remsi %parallel_loop3A_455, %parallel_loop3A_461 : vector<16xi32>
        %parallel_loop3A_463 = arith.constant 0 : i32
        %parallel_loop3A_464 = vector.broadcast %parallel_loop3A_463 : i32 to vector<16xi32>
        %parallel_loop3A_465 = arith.cmpi ne, %parallel_loop3A_462, %parallel_loop3A_464 : vector<16xi32>
        %parallel_loop3A_466 = arith.constant 0 : i32
        %parallel_loop3A_467 = vector.broadcast %parallel_loop3A_466 : i32 to vector<16xi32>
        %parallel_loop3A_468 = arith.cmpi slt, %parallel_loop3A_462, %parallel_loop3A_467 : vector<16xi32>
        %parallel_loop3A_469 = arith.constant 0 : i32
        %parallel_loop3A_470 = arith.cmpi slt, %parallel_loop3A_460, %parallel_loop3A_469 : i32
        %parallel_loop3A_471 = vector.broadcast %parallel_loop3A_470 : i1 to vector<16xi1>
        %parallel_loop3A_472 = vector.broadcast %parallel_loop3A_471 : vector<16xi1> to vector<16xi1>
        %parallel_loop3A_473 = arith.xori %parallel_loop3A_468, %parallel_loop3A_472 : vector<16xi1>
        %parallel_loop3A_474 = arith.andi %parallel_loop3A_473, %parallel_loop3A_465 : vector<16xi1>
        %parallel_loop3A_475 = vector.broadcast %parallel_loop3A_460 : i32 to vector<16xi32>
        %parallel_loop3A_476 = arith.addi %parallel_loop3A_462, %parallel_loop3A_475 : vector<16xi32>
        %parallel_loop3A_477 = arith.select %parallel_loop3A_474, %parallel_loop3A_476, %parallel_loop3A_462 : vector<16xi1>, vector<16xi32>
        %parallel_loop3A_478 = arith.constant 0 : i32
        %parallel_loop3A_479 = arith.constant 0 : i32
        %parallel_loop3A_480 = arith.constant 0 : i32
        %parallel_loop3A_481 = arith.constant 0 : i32
        %parallel_loop3A_482 = tpu.memref_slice %arg10[%parallel_loop3A_478, %parallel_loop3A_479, %parallel_loop3A_480, %parallel_loop3A_481] : memref<2x8x8x129xf32, #tpu.memory_space<vmem>> -> memref<1x8x8x129xf32, #tpu.memory_space<vmem>>
        %parallel_loop3A_483 = tpu.memref_squeeze %parallel_loop3A_482 : memref<1x8x8x129xf32, #tpu.memory_space<vmem>> -> memref<8x8x129xf32, #tpu.memory_space<vmem>>
        tpu.vector_store_idx %parallel_loop3A_483[%parallel_loop3A_452, %parallel_loop3A_477, %parallel_loop3A_413], %parallel_loop3A_418 : memref<8x8x129xf32, #tpu.memory_space<vmem>>[vector<16xi32>, vector<16xi32>, vector<16xi32>], vector<16xf32>,
        %parallel_loop3A_484 = arith.constant 0 : i32
        %parallel_loop3A_485 = arith.addi %parallel_loop3A_484, %parallel_loop3A_409 : i32
        %parallel_loop3A_486 = arith.index_cast %parallel_loop3A_485 : i32 to index
        %parallel_loop3A_487 = arith.constant 16 : index
        %parallel_loop3A_488 = tpu.vector_load %arg8[%parallel_loop3A_486, %parallel_loop3A_487] {strides = array<i32>} : memref<256x64xf32, #tpu.memory_space<vmem>>, vector<16xf32>,
        %parallel_loop3A_489 = arith.constant 16 : i32
        %parallel_loop3A_490 = vector.broadcast %parallel_loop3A_489 : i32 to vector<16xi32>
        %parallel_loop3A_491 = arith.addi %parallel_loop3A_490, %iota3A : vector<16xi32>
        %parallel_loop3A_492 = arith.constant 8 : i32
        %parallel_loop3A_493 = vector.broadcast %parallel_loop3A_492 : i32 to vector<16xi32>
        %parallel_loop3A_494 = arith.divsi %parallel_loop3A_491, %parallel_loop3A_493 : vector<16xi32>
        %parallel_loop3A_495 = arith.constant 0 : i32
        %parallel_loop3A_496 = vector.broadcast %parallel_loop3A_495 : i32 to vector<16xi32>
        %parallel_loop3A_497 = arith.cmpi sgt, %parallel_loop3A_491, %parallel_loop3A_496 : vector<16xi32>
        %parallel_loop3A_498 = arith.extui %parallel_loop3A_497 : vector<16xi1> to vector<16xi32>
        %parallel_loop3A_499 = arith.constant 0 : i32
        %parallel_loop3A_500 = vector.broadcast %parallel_loop3A_499 : i32 to vector<16xi32>
        %parallel_loop3A_501 = arith.cmpi slt, %parallel_loop3A_491, %parallel_loop3A_500 : vector<16xi32>
        %parallel_loop3A_502 = arith.extui %parallel_loop3A_501 : vector<16xi1> to vector<16xi32>
        %parallel_loop3A_503 = arith.subi %parallel_loop3A_498, %parallel_loop3A_502 : vector<16xi32>
        %parallel_loop3A_504 = arith.constant 0 : i32
        %parallel_loop3A_505 = arith.cmpi sgt, %parallel_loop3A_492, %parallel_loop3A_504 : i32
        %parallel_loop3A_506 = arith.extui %parallel_loop3A_505 : i1 to i32
        %parallel_loop3A_507 = arith.constant 0 : i32
        %parallel_loop3A_508 = arith.cmpi slt, %parallel_loop3A_492, %parallel_loop3A_507 : i32
        %parallel_loop3A_509 = arith.extui %parallel_loop3A_508 : i1 to i32
        %parallel_loop3A_510 = arith.subi %parallel_loop3A_506, %parallel_loop3A_509 : i32
        %parallel_loop3A_511 = vector.broadcast %parallel_loop3A_510 : i32 to vector<16xi32>
        %parallel_loop3A_512 = arith.cmpi ne, %parallel_loop3A_503, %parallel_loop3A_511 : vector<16xi32>
        %parallel_loop3A_513 = vector.broadcast %parallel_loop3A_492 : i32 to vector<16xi32>
        %parallel_loop3A_514 = arith.remsi %parallel_loop3A_491, %parallel_loop3A_513 : vector<16xi32>
        %parallel_loop3A_515 = arith.constant 0 : i32
        %parallel_loop3A_516 = vector.broadcast %parallel_loop3A_515 : i32 to vector<16xi32>
        %parallel_loop3A_517 = arith.cmpi ne, %parallel_loop3A_514, %parallel_loop3A_516 : vector<16xi32>
        %parallel_loop3A_518 = arith.andi %parallel_loop3A_512, %parallel_loop3A_517 : vector<16xi1>
        %parallel_loop3A_519 = arith.constant 1 : i32
        %parallel_loop3A_520 = vector.broadcast %parallel_loop3A_519 : i32 to vector<16xi32>
        %parallel_loop3A_521 = arith.subi %parallel_loop3A_494, %parallel_loop3A_520 : vector<16xi32>
        %parallel_loop3A_522 = arith.select %parallel_loop3A_518, %parallel_loop3A_521, %parallel_loop3A_494 : vector<16xi1>, vector<16xi32>
        %parallel_loop3A_523 = arith.constant 16 : i32
        %parallel_loop3A_524 = vector.broadcast %parallel_loop3A_523 : i32 to vector<16xi32>
        %parallel_loop3A_525 = arith.addi %parallel_loop3A_524, %iota3A : vector<16xi32>
        %parallel_loop3A_526 = arith.constant 8 : i32
        %parallel_loop3A_527 = arith.constant 0 : i32
        %parallel_loop3A_528 = arith.cmpi eq, %parallel_loop3A_526, %parallel_loop3A_527 : i32
        %parallel_loop3A_529 = arith.constant 1 : i32
        %parallel_loop3A_530 = arith.select %parallel_loop3A_528, %parallel_loop3A_529, %parallel_loop3A_526 : i32
        %parallel_loop3A_531 = vector.broadcast %parallel_loop3A_530 : i32 to vector<16xi32>
        %parallel_loop3A_532 = arith.remsi %parallel_loop3A_525, %parallel_loop3A_531 : vector<16xi32>
        %parallel_loop3A_533 = arith.constant 0 : i32
        %parallel_loop3A_534 = vector.broadcast %parallel_loop3A_533 : i32 to vector<16xi32>
        %parallel_loop3A_535 = arith.cmpi ne, %parallel_loop3A_532, %parallel_loop3A_534 : vector<16xi32>
        %parallel_loop3A_536 = arith.constant 0 : i32
        %parallel_loop3A_537 = vector.broadcast %parallel_loop3A_536 : i32 to vector<16xi32>
        %parallel_loop3A_538 = arith.cmpi slt, %parallel_loop3A_532, %parallel_loop3A_537 : vector<16xi32>
        %parallel_loop3A_539 = arith.constant 0 : i32
        %parallel_loop3A_540 = arith.cmpi slt, %parallel_loop3A_530, %parallel_loop3A_539 : i32
        %parallel_loop3A_541 = vector.broadcast %parallel_loop3A_540 : i1 to vector<16xi1>
        %parallel_loop3A_542 = vector.broadcast %parallel_loop3A_541 : vector<16xi1> to vector<16xi1>
        %parallel_loop3A_543 = arith.xori %parallel_loop3A_538, %parallel_loop3A_542 : vector<16xi1>
        %parallel_loop3A_544 = arith.andi %parallel_loop3A_543, %parallel_loop3A_535 : vector<16xi1>
        %parallel_loop3A_545 = vector.broadcast %parallel_loop3A_530 : i32 to vector<16xi32>
        %parallel_loop3A_546 = arith.addi %parallel_loop3A_532, %parallel_loop3A_545 : vector<16xi32>
        %parallel_loop3A_547 = arith.select %parallel_loop3A_544, %parallel_loop3A_546, %parallel_loop3A_532 : vector<16xi1>, vector<16xi32>
        %parallel_loop3A_548 = arith.constant 0 : i32
        %parallel_loop3A_549 = arith.constant 0 : i32
        %parallel_loop3A_550 = arith.constant 0 : i32
        %parallel_loop3A_551 = arith.constant 0 : i32
        %parallel_loop3A_552 = tpu.memref_slice %arg10[%parallel_loop3A_548, %parallel_loop3A_549, %parallel_loop3A_550, %parallel_loop3A_551] : memref<2x8x8x129xf32, #tpu.memory_space<vmem>> -> memref<1x8x8x129xf32, #tpu.memory_space<vmem>>
        %parallel_loop3A_553 = tpu.memref_squeeze %parallel_loop3A_552 : memref<1x8x8x129xf32, #tpu.memory_space<vmem>> -> memref<8x8x129xf32, #tpu.memory_space<vmem>>
        tpu.vector_store_idx %parallel_loop3A_553[%parallel_loop3A_522, %parallel_loop3A_547, %parallel_loop3A_413], %parallel_loop3A_488 : memref<8x8x129xf32, #tpu.memory_space<vmem>>[vector<16xi32>, vector<16xi32>, vector<16xi32>], vector<16xf32>,
        %parallel_loop3A_554 = arith.constant 0 : i32
        %parallel_loop3A_555 = arith.addi %parallel_loop3A_554, %parallel_loop3A_409 : i32
        %parallel_loop3A_556 = arith.index_cast %parallel_loop3A_555 : i32 to index
        %parallel_loop3A_557 = arith.constant 32 : index
        %parallel_loop3A_558 = tpu.vector_load %arg8[%parallel_loop3A_556, %parallel_loop3A_557] {strides = array<i32>} : memref<256x64xf32, #tpu.memory_space<vmem>>, vector<16xf32>,
        %parallel_loop3A_559 = arith.constant 32 : i32
        %parallel_loop3A_560 = vector.broadcast %parallel_loop3A_559 : i32 to vector<16xi32>
        %parallel_loop3A_561 = arith.addi %parallel_loop3A_560, %iota3A : vector<16xi32>
        %parallel_loop3A_562 = arith.constant 8 : i32
        %parallel_loop3A_563 = vector.broadcast %parallel_loop3A_562 : i32 to vector<16xi32>
        %parallel_loop3A_564 = arith.divsi %parallel_loop3A_561, %parallel_loop3A_563 : vector<16xi32>
        %parallel_loop3A_565 = arith.constant 0 : i32
        %parallel_loop3A_566 = vector.broadcast %parallel_loop3A_565 : i32 to vector<16xi32>
        %parallel_loop3A_567 = arith.cmpi sgt, %parallel_loop3A_561, %parallel_loop3A_566 : vector<16xi32>
        %parallel_loop3A_568 = arith.extui %parallel_loop3A_567 : vector<16xi1> to vector<16xi32>
        %parallel_loop3A_569 = arith.constant 0 : i32
        %parallel_loop3A_570 = vector.broadcast %parallel_loop3A_569 : i32 to vector<16xi32>
        %parallel_loop3A_571 = arith.cmpi slt, %parallel_loop3A_561, %parallel_loop3A_570 : vector<16xi32>
        %parallel_loop3A_572 = arith.extui %parallel_loop3A_571 : vector<16xi1> to vector<16xi32>
        %parallel_loop3A_573 = arith.subi %parallel_loop3A_568, %parallel_loop3A_572 : vector<16xi32>
        %parallel_loop3A_574 = arith.constant 0 : i32
        %parallel_loop3A_575 = arith.cmpi sgt, %parallel_loop3A_562, %parallel_loop3A_574 : i32
        %parallel_loop3A_576 = arith.extui %parallel_loop3A_575 : i1 to i32
        %parallel_loop3A_577 = arith.constant 0 : i32
        %parallel_loop3A_578 = arith.cmpi slt, %parallel_loop3A_562, %parallel_loop3A_577 : i32
        %parallel_loop3A_579 = arith.extui %parallel_loop3A_578 : i1 to i32
        %parallel_loop3A_580 = arith.subi %parallel_loop3A_576, %parallel_loop3A_579 : i32
        %parallel_loop3A_581 = vector.broadcast %parallel_loop3A_580 : i32 to vector<16xi32>
        %parallel_loop3A_582 = arith.cmpi ne, %parallel_loop3A_573, %parallel_loop3A_581 : vector<16xi32>
        %parallel_loop3A_583 = vector.broadcast %parallel_loop3A_562 : i32 to vector<16xi32>
        %parallel_loop3A_584 = arith.remsi %parallel_loop3A_561, %parallel_loop3A_583 : vector<16xi32>
        %parallel_loop3A_585 = arith.constant 0 : i32
        %parallel_loop3A_586 = vector.broadcast %parallel_loop3A_585 : i32 to vector<16xi32>
        %parallel_loop3A_587 = arith.cmpi ne, %parallel_loop3A_584, %parallel_loop3A_586 : vector<16xi32>
        %parallel_loop3A_588 = arith.andi %parallel_loop3A_582, %parallel_loop3A_587 : vector<16xi1>
        %parallel_loop3A_589 = arith.constant 1 : i32
        %parallel_loop3A_590 = vector.broadcast %parallel_loop3A_589 : i32 to vector<16xi32>
        %parallel_loop3A_591 = arith.subi %parallel_loop3A_564, %parallel_loop3A_590 : vector<16xi32>
        %parallel_loop3A_592 = arith.select %parallel_loop3A_588, %parallel_loop3A_591, %parallel_loop3A_564 : vector<16xi1>, vector<16xi32>
        %parallel_loop3A_593 = arith.constant 32 : i32
        %parallel_loop3A_594 = vector.broadcast %parallel_loop3A_593 : i32 to vector<16xi32>
        %parallel_loop3A_595 = arith.addi %parallel_loop3A_594, %iota3A : vector<16xi32>
        %parallel_loop3A_596 = arith.constant 8 : i32
        %parallel_loop3A_597 = arith.constant 0 : i32
        %parallel_loop3A_598 = arith.cmpi eq, %parallel_loop3A_596, %parallel_loop3A_597 : i32
        %parallel_loop3A_599 = arith.constant 1 : i32
        %parallel_loop3A_600 = arith.select %parallel_loop3A_598, %parallel_loop3A_599, %parallel_loop3A_596 : i32
        %parallel_loop3A_601 = vector.broadcast %parallel_loop3A_600 : i32 to vector<16xi32>
        %parallel_loop3A_602 = arith.remsi %parallel_loop3A_595, %parallel_loop3A_601 : vector<16xi32>
        %parallel_loop3A_603 = arith.constant 0 : i32
        %parallel_loop3A_604 = vector.broadcast %parallel_loop3A_603 : i32 to vector<16xi32>
        %parallel_loop3A_605 = arith.cmpi ne, %parallel_loop3A_602, %parallel_loop3A_604 : vector<16xi32>
        %parallel_loop3A_606 = arith.constant 0 : i32
        %parallel_loop3A_607 = vector.broadcast %parallel_loop3A_606 : i32 to vector<16xi32>
        %parallel_loop3A_608 = arith.cmpi slt, %parallel_loop3A_602, %parallel_loop3A_607 : vector<16xi32>
        %parallel_loop3A_609 = arith.constant 0 : i32
        %parallel_loop3A_610 = arith.cmpi slt, %parallel_loop3A_600, %parallel_loop3A_609 : i32
        %parallel_loop3A_611 = vector.broadcast %parallel_loop3A_610 : i1 to vector<16xi1>
        %parallel_loop3A_612 = vector.broadcast %parallel_loop3A_611 : vector<16xi1> to vector<16xi1>
        %parallel_loop3A_613 = arith.xori %parallel_loop3A_608, %parallel_loop3A_612 : vector<16xi1>
        %parallel_loop3A_614 = arith.andi %parallel_loop3A_613, %parallel_loop3A_605 : vector<16xi1>
        %parallel_loop3A_615 = vector.broadcast %parallel_loop3A_600 : i32 to vector<16xi32>
        %parallel_loop3A_616 = arith.addi %parallel_loop3A_602, %parallel_loop3A_615 : vector<16xi32>
        %parallel_loop3A_617 = arith.select %parallel_loop3A_614, %parallel_loop3A_616, %parallel_loop3A_602 : vector<16xi1>, vector<16xi32>
        %parallel_loop3A_618 = arith.constant 0 : i32
        %parallel_loop3A_619 = arith.constant 0 : i32
        %parallel_loop3A_620 = arith.constant 0 : i32
        %parallel_loop3A_621 = arith.constant 0 : i32
        %parallel_loop3A_622 = tpu.memref_slice %arg10[%parallel_loop3A_618, %parallel_loop3A_619, %parallel_loop3A_620, %parallel_loop3A_621] : memref<2x8x8x129xf32, #tpu.memory_space<vmem>> -> memref<1x8x8x129xf32, #tpu.memory_space<vmem>>
        %parallel_loop3A_623 = tpu.memref_squeeze %parallel_loop3A_622 : memref<1x8x8x129xf32, #tpu.memory_space<vmem>> -> memref<8x8x129xf32, #tpu.memory_space<vmem>>
        tpu.vector_store_idx %parallel_loop3A_623[%parallel_loop3A_592, %parallel_loop3A_617, %parallel_loop3A_413], %parallel_loop3A_558 : memref<8x8x129xf32, #tpu.memory_space<vmem>>[vector<16xi32>, vector<16xi32>, vector<16xi32>], vector<16xf32>,
        %parallel_loop3A_624 = arith.constant 0 : i32
        %parallel_loop3A_625 = arith.addi %parallel_loop3A_624, %parallel_loop3A_409 : i32
        %parallel_loop3A_626 = arith.index_cast %parallel_loop3A_625 : i32 to index
        %parallel_loop3A_627 = arith.constant 48 : index
        %parallel_loop3A_628 = tpu.vector_load %arg8[%parallel_loop3A_626, %parallel_loop3A_627] {strides = array<i32>} : memref<256x64xf32, #tpu.memory_space<vmem>>, vector<16xf32>,
        %parallel_loop3A_629 = arith.constant 48 : i32
        %parallel_loop3A_630 = vector.broadcast %parallel_loop3A_629 : i32 to vector<16xi32>
        %parallel_loop3A_631 = arith.addi %parallel_loop3A_630, %iota3A : vector<16xi32>
        %parallel_loop3A_632 = arith.constant 8 : i32
        %parallel_loop3A_633 = vector.broadcast %parallel_loop3A_632 : i32 to vector<16xi32>
        %parallel_loop3A_634 = arith.divsi %parallel_loop3A_631, %parallel_loop3A_633 : vector<16xi32>
        %parallel_loop3A_635 = arith.constant 0 : i32
        %parallel_loop3A_636 = vector.broadcast %parallel_loop3A_635 : i32 to vector<16xi32>
        %parallel_loop3A_637 = arith.cmpi sgt, %parallel_loop3A_631, %parallel_loop3A_636 : vector<16xi32>
        %parallel_loop3A_638 = arith.extui %parallel_loop3A_637 : vector<16xi1> to vector<16xi32>
        %parallel_loop3A_639 = arith.constant 0 : i32
        %parallel_loop3A_640 = vector.broadcast %parallel_loop3A_639 : i32 to vector<16xi32>
        %parallel_loop3A_641 = arith.cmpi slt, %parallel_loop3A_631, %parallel_loop3A_640 : vector<16xi32>
        %parallel_loop3A_642 = arith.extui %parallel_loop3A_641 : vector<16xi1> to vector<16xi32>
        %parallel_loop3A_643 = arith.subi %parallel_loop3A_638, %parallel_loop3A_642 : vector<16xi32>
        %parallel_loop3A_644 = arith.constant 0 : i32
        %parallel_loop3A_645 = arith.cmpi sgt, %parallel_loop3A_632, %parallel_loop3A_644 : i32
        %parallel_loop3A_646 = arith.extui %parallel_loop3A_645 : i1 to i32
        %parallel_loop3A_647 = arith.constant 0 : i32
        %parallel_loop3A_648 = arith.cmpi slt, %parallel_loop3A_632, %parallel_loop3A_647 : i32
        %parallel_loop3A_649 = arith.extui %parallel_loop3A_648 : i1 to i32
        %parallel_loop3A_650 = arith.subi %parallel_loop3A_646, %parallel_loop3A_649 : i32
        %parallel_loop3A_651 = vector.broadcast %parallel_loop3A_650 : i32 to vector<16xi32>
        %parallel_loop3A_652 = arith.cmpi ne, %parallel_loop3A_643, %parallel_loop3A_651 : vector<16xi32>
        %parallel_loop3A_653 = vector.broadcast %parallel_loop3A_632 : i32 to vector<16xi32>
        %parallel_loop3A_654 = arith.remsi %parallel_loop3A_631, %parallel_loop3A_653 : vector<16xi32>
        %parallel_loop3A_655 = arith.constant 0 : i32
        %parallel_loop3A_656 = vector.broadcast %parallel_loop3A_655 : i32 to vector<16xi32>
        %parallel_loop3A_657 = arith.cmpi ne, %parallel_loop3A_654, %parallel_loop3A_656 : vector<16xi32>
        %parallel_loop3A_658 = arith.andi %parallel_loop3A_652, %parallel_loop3A_657 : vector<16xi1>
        %parallel_loop3A_659 = arith.constant 1 : i32
        %parallel_loop3A_660 = vector.broadcast %parallel_loop3A_659 : i32 to vector<16xi32>
        %parallel_loop3A_661 = arith.subi %parallel_loop3A_634, %parallel_loop3A_660 : vector<16xi32>
        %parallel_loop3A_662 = arith.select %parallel_loop3A_658, %parallel_loop3A_661, %parallel_loop3A_634 : vector<16xi1>, vector<16xi32>
        %parallel_loop3A_663 = arith.constant 48 : i32
        %parallel_loop3A_664 = vector.broadcast %parallel_loop3A_663 : i32 to vector<16xi32>
        %parallel_loop3A_665 = arith.addi %parallel_loop3A_664, %iota3A : vector<16xi32>
        %parallel_loop3A_666 = arith.constant 8 : i32
        %parallel_loop3A_667 = arith.constant 0 : i32
        %parallel_loop3A_668 = arith.cmpi eq, %parallel_loop3A_666, %parallel_loop3A_667 : i32
        %parallel_loop3A_669 = arith.constant 1 : i32
        %parallel_loop3A_670 = arith.select %parallel_loop3A_668, %parallel_loop3A_669, %parallel_loop3A_666 : i32
        %parallel_loop3A_671 = vector.broadcast %parallel_loop3A_670 : i32 to vector<16xi32>
        %parallel_loop3A_672 = arith.remsi %parallel_loop3A_665, %parallel_loop3A_671 : vector<16xi32>
        %parallel_loop3A_673 = arith.constant 0 : i32
        %parallel_loop3A_674 = vector.broadcast %parallel_loop3A_673 : i32 to vector<16xi32>
        %parallel_loop3A_675 = arith.cmpi ne, %parallel_loop3A_672, %parallel_loop3A_674 : vector<16xi32>
        %parallel_loop3A_676 = arith.constant 0 : i32
        %parallel_loop3A_677 = vector.broadcast %parallel_loop3A_676 : i32 to vector<16xi32>
        %parallel_loop3A_678 = arith.cmpi slt, %parallel_loop3A_672, %parallel_loop3A_677 : vector<16xi32>
        %parallel_loop3A_679 = arith.constant 0 : i32
        %parallel_loop3A_680 = arith.cmpi slt, %parallel_loop3A_670, %parallel_loop3A_679 : i32
        %parallel_loop3A_681 = vector.broadcast %parallel_loop3A_680 : i1 to vector<16xi1>
        %parallel_loop3A_682 = vector.broadcast %parallel_loop3A_681 : vector<16xi1> to vector<16xi1>
        %parallel_loop3A_683 = arith.xori %parallel_loop3A_678, %parallel_loop3A_682 : vector<16xi1>
        %parallel_loop3A_684 = arith.andi %parallel_loop3A_683, %parallel_loop3A_675 : vector<16xi1>
        %parallel_loop3A_685 = vector.broadcast %parallel_loop3A_670 : i32 to vector<16xi32>
        %parallel_loop3A_686 = arith.addi %parallel_loop3A_672, %parallel_loop3A_685 : vector<16xi32>
        %parallel_loop3A_687 = arith.select %parallel_loop3A_684, %parallel_loop3A_686, %parallel_loop3A_672 : vector<16xi1>, vector<16xi32>
        %parallel_loop3A_688 = arith.constant 0 : i32
        %parallel_loop3A_689 = arith.constant 0 : i32
        %parallel_loop3A_690 = arith.constant 0 : i32
        %parallel_loop3A_691 = arith.constant 0 : i32
        %parallel_loop3A_692 = tpu.memref_slice %arg10[%parallel_loop3A_688, %parallel_loop3A_689, %parallel_loop3A_690, %parallel_loop3A_691] : memref<2x8x8x129xf32, #tpu.memory_space<vmem>> -> memref<1x8x8x129xf32, #tpu.memory_space<vmem>>
        %parallel_loop3A_693 = tpu.memref_squeeze %parallel_loop3A_692 : memref<1x8x8x129xf32, #tpu.memory_space<vmem>> -> memref<8x8x129xf32, #tpu.memory_space<vmem>>
        tpu.vector_store_idx %parallel_loop3A_693[%parallel_loop3A_662, %parallel_loop3A_687, %parallel_loop3A_413], %parallel_loop3A_628 : memref<8x8x129xf32, #tpu.memory_space<vmem>>[vector<16xi32>, vector<16xi32>, vector<16xi32>], vector<16xf32>,
      } {sc.loop_unroll_factor = 4 : i64, sc.parallel_access}
      %parallel_loop3A_267 = arith.constant 0 : i32
      %parallel_loop3A_268 = arith.constant 128 : i32
      %parallel_loop3A_269 = arith.constant 1 : i32
      scf.for %parallel_loop3A_409 = %parallel_loop3A_267 to %parallel_loop3A_268 step %parallel_loop3A_269  : i32 {
        %parallel_loop3A_410 = arith.constant 0 : i32
        %parallel_loop3A_411 = vector.broadcast %parallel_loop3A_410 : i32 to vector<16xi32>
        %parallel_loop3A_412 = vector.broadcast %parallel_loop3A_409 : i32 to vector<16xi32>
        %parallel_loop3A_413 = arith.addi %parallel_loop3A_411, %parallel_loop3A_412 : vector<16xi32>
        %parallel_loop3A_414 = arith.constant 128 : i32
        %parallel_loop3A_415 = arith.addi %parallel_loop3A_414, %parallel_loop3A_409 : i32
        %parallel_loop3A_416 = arith.index_cast %parallel_loop3A_415 : i32 to index
        %parallel_loop3A_417 = arith.constant 0 : index
        %parallel_loop3A_418 = tpu.vector_load %arg8[%parallel_loop3A_416, %parallel_loop3A_417] {strides = array<i32>} : memref<256x64xf32, #tpu.memory_space<vmem>>, vector<16xf32>,
        %parallel_loop3A_419 = arith.constant 0 : i32
        %parallel_loop3A_420 = vector.broadcast %parallel_loop3A_419 : i32 to vector<16xi32>
        %parallel_loop3A_421 = arith.addi %parallel_loop3A_420, %iota3A : vector<16xi32>
        %parallel_loop3A_422 = arith.constant 8 : i32
        %parallel_loop3A_423 = vector.broadcast %parallel_loop3A_422 : i32 to vector<16xi32>
        %parallel_loop3A_424 = arith.divsi %parallel_loop3A_421, %parallel_loop3A_423 : vector<16xi32>
        %parallel_loop3A_425 = arith.constant 0 : i32
        %parallel_loop3A_426 = vector.broadcast %parallel_loop3A_425 : i32 to vector<16xi32>
        %parallel_loop3A_427 = arith.cmpi sgt, %parallel_loop3A_421, %parallel_loop3A_426 : vector<16xi32>
        %parallel_loop3A_428 = arith.extui %parallel_loop3A_427 : vector<16xi1> to vector<16xi32>
        %parallel_loop3A_429 = arith.constant 0 : i32
        %parallel_loop3A_430 = vector.broadcast %parallel_loop3A_429 : i32 to vector<16xi32>
        %parallel_loop3A_431 = arith.cmpi slt, %parallel_loop3A_421, %parallel_loop3A_430 : vector<16xi32>
        %parallel_loop3A_432 = arith.extui %parallel_loop3A_431 : vector<16xi1> to vector<16xi32>
        %parallel_loop3A_433 = arith.subi %parallel_loop3A_428, %parallel_loop3A_432 : vector<16xi32>
        %parallel_loop3A_434 = arith.constant 0 : i32
        %parallel_loop3A_435 = arith.cmpi sgt, %parallel_loop3A_422, %parallel_loop3A_434 : i32
        %parallel_loop3A_436 = arith.extui %parallel_loop3A_435 : i1 to i32
        %parallel_loop3A_437 = arith.constant 0 : i32
        %parallel_loop3A_438 = arith.cmpi slt, %parallel_loop3A_422, %parallel_loop3A_437 : i32
        %parallel_loop3A_439 = arith.extui %parallel_loop3A_438 : i1 to i32
        %parallel_loop3A_440 = arith.subi %parallel_loop3A_436, %parallel_loop3A_439 : i32
        %parallel_loop3A_441 = vector.broadcast %parallel_loop3A_440 : i32 to vector<16xi32>
        %parallel_loop3A_442 = arith.cmpi ne, %parallel_loop3A_433, %parallel_loop3A_441 : vector<16xi32>
        %parallel_loop3A_443 = vector.broadcast %parallel_loop3A_422 : i32 to vector<16xi32>
        %parallel_loop3A_444 = arith.remsi %parallel_loop3A_421, %parallel_loop3A_443 : vector<16xi32>
        %parallel_loop3A_445 = arith.constant 0 : i32
        %parallel_loop3A_446 = vector.broadcast %parallel_loop3A_445 : i32 to vector<16xi32>
        %parallel_loop3A_447 = arith.cmpi ne, %parallel_loop3A_444, %parallel_loop3A_446 : vector<16xi32>
        %parallel_loop3A_448 = arith.andi %parallel_loop3A_442, %parallel_loop3A_447 : vector<16xi1>
        %parallel_loop3A_449 = arith.constant 1 : i32
        %parallel_loop3A_450 = vector.broadcast %parallel_loop3A_449 : i32 to vector<16xi32>
        %parallel_loop3A_451 = arith.subi %parallel_loop3A_424, %parallel_loop3A_450 : vector<16xi32>
        %parallel_loop3A_452 = arith.select %parallel_loop3A_448, %parallel_loop3A_451, %parallel_loop3A_424 : vector<16xi1>, vector<16xi32>
        %parallel_loop3A_453 = arith.constant 0 : i32
        %parallel_loop3A_454 = vector.broadcast %parallel_loop3A_453 : i32 to vector<16xi32>
        %parallel_loop3A_455 = arith.addi %parallel_loop3A_454, %iota3A : vector<16xi32>
        %parallel_loop3A_456 = arith.constant 8 : i32
        %parallel_loop3A_457 = arith.constant 0 : i32
        %parallel_loop3A_458 = arith.cmpi eq, %parallel_loop3A_456, %parallel_loop3A_457 : i32
        %parallel_loop3A_459 = arith.constant 1 : i32
        %parallel_loop3A_460 = arith.select %parallel_loop3A_458, %parallel_loop3A_459, %parallel_loop3A_456 : i32
        %parallel_loop3A_461 = vector.broadcast %parallel_loop3A_460 : i32 to vector<16xi32>
        %parallel_loop3A_462 = arith.remsi %parallel_loop3A_455, %parallel_loop3A_461 : vector<16xi32>
        %parallel_loop3A_463 = arith.constant 0 : i32
        %parallel_loop3A_464 = vector.broadcast %parallel_loop3A_463 : i32 to vector<16xi32>
        %parallel_loop3A_465 = arith.cmpi ne, %parallel_loop3A_462, %parallel_loop3A_464 : vector<16xi32>
        %parallel_loop3A_466 = arith.constant 0 : i32
        %parallel_loop3A_467 = vector.broadcast %parallel_loop3A_466 : i32 to vector<16xi32>
        %parallel_loop3A_468 = arith.cmpi slt, %parallel_loop3A_462, %parallel_loop3A_467 : vector<16xi32>
        %parallel_loop3A_469 = arith.constant 0 : i32
        %parallel_loop3A_470 = arith.cmpi slt, %parallel_loop3A_460, %parallel_loop3A_469 : i32
        %parallel_loop3A_471 = vector.broadcast %parallel_loop3A_470 : i1 to vector<16xi1>
        %parallel_loop3A_472 = vector.broadcast %parallel_loop3A_471 : vector<16xi1> to vector<16xi1>
        %parallel_loop3A_473 = arith.xori %parallel_loop3A_468, %parallel_loop3A_472 : vector<16xi1>
        %parallel_loop3A_474 = arith.andi %parallel_loop3A_473, %parallel_loop3A_465 : vector<16xi1>
        %parallel_loop3A_475 = vector.broadcast %parallel_loop3A_460 : i32 to vector<16xi32>
        %parallel_loop3A_476 = arith.addi %parallel_loop3A_462, %parallel_loop3A_475 : vector<16xi32>
        %parallel_loop3A_477 = arith.select %parallel_loop3A_474, %parallel_loop3A_476, %parallel_loop3A_462 : vector<16xi1>, vector<16xi32>
        %parallel_loop3A_478 = arith.constant 1 : i32
        %parallel_loop3A_479 = arith.constant 0 : i32
        %parallel_loop3A_480 = arith.constant 0 : i32
        %parallel_loop3A_481 = arith.constant 0 : i32
        %parallel_loop3A_482 = tpu.memref_slice %arg10[%parallel_loop3A_478, %parallel_loop3A_479, %parallel_loop3A_480, %parallel_loop3A_481] : memref<2x8x8x129xf32, #tpu.memory_space<vmem>> -> memref<1x8x8x129xf32, #tpu.memory_space<vmem>>
        %parallel_loop3A_483 = tpu.memref_squeeze %parallel_loop3A_482 : memref<1x8x8x129xf32, #tpu.memory_space<vmem>> -> memref<8x8x129xf32, #tpu.memory_space<vmem>>
        tpu.vector_store_idx %parallel_loop3A_483[%parallel_loop3A_452, %parallel_loop3A_477, %parallel_loop3A_413], %parallel_loop3A_418 : memref<8x8x129xf32, #tpu.memory_space<vmem>>[vector<16xi32>, vector<16xi32>, vector<16xi32>], vector<16xf32>,
        %parallel_loop3A_484 = arith.constant 128 : i32
        %parallel_loop3A_485 = arith.addi %parallel_loop3A_484, %parallel_loop3A_409 : i32
        %parallel_loop3A_486 = arith.index_cast %parallel_loop3A_485 : i32 to index
        %parallel_loop3A_487 = arith.constant 16 : index
        %parallel_loop3A_488 = tpu.vector_load %arg8[%parallel_loop3A_486, %parallel_loop3A_487] {strides = array<i32>} : memref<256x64xf32, #tpu.memory_space<vmem>>, vector<16xf32>,
        %parallel_loop3A_489 = arith.constant 16 : i32
        %parallel_loop3A_490 = vector.broadcast %parallel_loop3A_489 : i32 to vector<16xi32>
        %parallel_loop3A_491 = arith.addi %parallel_loop3A_490, %iota3A : vector<16xi32>
        %parallel_loop3A_492 = arith.constant 8 : i32
        %parallel_loop3A_493 = vector.broadcast %parallel_loop3A_492 : i32 to vector<16xi32>
        %parallel_loop3A_494 = arith.divsi %parallel_loop3A_491, %parallel_loop3A_493 : vector<16xi32>
        %parallel_loop3A_495 = arith.constant 0 : i32
        %parallel_loop3A_496 = vector.broadcast %parallel_loop3A_495 : i32 to vector<16xi32>
        %parallel_loop3A_497 = arith.cmpi sgt, %parallel_loop3A_491, %parallel_loop3A_496 : vector<16xi32>
        %parallel_loop3A_498 = arith.extui %parallel_loop3A_497 : vector<16xi1> to vector<16xi32>
        %parallel_loop3A_499 = arith.constant 0 : i32
        %parallel_loop3A_500 = vector.broadcast %parallel_loop3A_499 : i32 to vector<16xi32>
        %parallel_loop3A_501 = arith.cmpi slt, %parallel_loop3A_491, %parallel_loop3A_500 : vector<16xi32>
        %parallel_loop3A_502 = arith.extui %parallel_loop3A_501 : vector<16xi1> to vector<16xi32>
        %parallel_loop3A_503 = arith.subi %parallel_loop3A_498, %parallel_loop3A_502 : vector<16xi32>
        %parallel_loop3A_504 = arith.constant 0 : i32
        %parallel_loop3A_505 = arith.cmpi sgt, %parallel_loop3A_492, %parallel_loop3A_504 : i32
        %parallel_loop3A_506 = arith.extui %parallel_loop3A_505 : i1 to i32
        %parallel_loop3A_507 = arith.constant 0 : i32
        %parallel_loop3A_508 = arith.cmpi slt, %parallel_loop3A_492, %parallel_loop3A_507 : i32
        %parallel_loop3A_509 = arith.extui %parallel_loop3A_508 : i1 to i32
        %parallel_loop3A_510 = arith.subi %parallel_loop3A_506, %parallel_loop3A_509 : i32
        %parallel_loop3A_511 = vector.broadcast %parallel_loop3A_510 : i32 to vector<16xi32>
        %parallel_loop3A_512 = arith.cmpi ne, %parallel_loop3A_503, %parallel_loop3A_511 : vector<16xi32>
        %parallel_loop3A_513 = vector.broadcast %parallel_loop3A_492 : i32 to vector<16xi32>
        %parallel_loop3A_514 = arith.remsi %parallel_loop3A_491, %parallel_loop3A_513 : vector<16xi32>
        %parallel_loop3A_515 = arith.constant 0 : i32
        %parallel_loop3A_516 = vector.broadcast %parallel_loop3A_515 : i32 to vector<16xi32>
        %parallel_loop3A_517 = arith.cmpi ne, %parallel_loop3A_514, %parallel_loop3A_516 : vector<16xi32>
        %parallel_loop3A_518 = arith.andi %parallel_loop3A_512, %parallel_loop3A_517 : vector<16xi1>
        %parallel_loop3A_519 = arith.constant 1 : i32
        %parallel_loop3A_520 = vector.broadcast %parallel_loop3A_519 : i32 to vector<16xi32>
        %parallel_loop3A_521 = arith.subi %parallel_loop3A_494, %parallel_loop3A_520 : vector<16xi32>
        %parallel_loop3A_522 = arith.select %parallel_loop3A_518, %parallel_loop3A_521, %parallel_loop3A_494 : vector<16xi1>, vector<16xi32>
        %parallel_loop3A_523 = arith.constant 16 : i32
        %parallel_loop3A_524 = vector.broadcast %parallel_loop3A_523 : i32 to vector<16xi32>
        %parallel_loop3A_525 = arith.addi %parallel_loop3A_524, %iota3A : vector<16xi32>
        %parallel_loop3A_526 = arith.constant 8 : i32
        %parallel_loop3A_527 = arith.constant 0 : i32
        %parallel_loop3A_528 = arith.cmpi eq, %parallel_loop3A_526, %parallel_loop3A_527 : i32
        %parallel_loop3A_529 = arith.constant 1 : i32
        %parallel_loop3A_530 = arith.select %parallel_loop3A_528, %parallel_loop3A_529, %parallel_loop3A_526 : i32
        %parallel_loop3A_531 = vector.broadcast %parallel_loop3A_530 : i32 to vector<16xi32>
        %parallel_loop3A_532 = arith.remsi %parallel_loop3A_525, %parallel_loop3A_531 : vector<16xi32>
        %parallel_loop3A_533 = arith.constant 0 : i32
        %parallel_loop3A_534 = vector.broadcast %parallel_loop3A_533 : i32 to vector<16xi32>
        %parallel_loop3A_535 = arith.cmpi ne, %parallel_loop3A_532, %parallel_loop3A_534 : vector<16xi32>
        %parallel_loop3A_536 = arith.constant 0 : i32
        %parallel_loop3A_537 = vector.broadcast %parallel_loop3A_536 : i32 to vector<16xi32>
        %parallel_loop3A_538 = arith.cmpi slt, %parallel_loop3A_532, %parallel_loop3A_537 : vector<16xi32>
        %parallel_loop3A_539 = arith.constant 0 : i32
        %parallel_loop3A_540 = arith.cmpi slt, %parallel_loop3A_530, %parallel_loop3A_539 : i32
        %parallel_loop3A_541 = vector.broadcast %parallel_loop3A_540 : i1 to vector<16xi1>
        %parallel_loop3A_542 = vector.broadcast %parallel_loop3A_541 : vector<16xi1> to vector<16xi1>
        %parallel_loop3A_543 = arith.xori %parallel_loop3A_538, %parallel_loop3A_542 : vector<16xi1>
        %parallel_loop3A_544 = arith.andi %parallel_loop3A_543, %parallel_loop3A_535 : vector<16xi1>
        %parallel_loop3A_545 = vector.broadcast %parallel_loop3A_530 : i32 to vector<16xi32>
        %parallel_loop3A_546 = arith.addi %parallel_loop3A_532, %parallel_loop3A_545 : vector<16xi32>
        %parallel_loop3A_547 = arith.select %parallel_loop3A_544, %parallel_loop3A_546, %parallel_loop3A_532 : vector<16xi1>, vector<16xi32>
        %parallel_loop3A_548 = arith.constant 1 : i32
        %parallel_loop3A_549 = arith.constant 0 : i32
        %parallel_loop3A_550 = arith.constant 0 : i32
        %parallel_loop3A_551 = arith.constant 0 : i32
        %parallel_loop3A_552 = tpu.memref_slice %arg10[%parallel_loop3A_548, %parallel_loop3A_549, %parallel_loop3A_550, %parallel_loop3A_551] : memref<2x8x8x129xf32, #tpu.memory_space<vmem>> -> memref<1x8x8x129xf32, #tpu.memory_space<vmem>>
        %parallel_loop3A_553 = tpu.memref_squeeze %parallel_loop3A_552 : memref<1x8x8x129xf32, #tpu.memory_space<vmem>> -> memref<8x8x129xf32, #tpu.memory_space<vmem>>
        tpu.vector_store_idx %parallel_loop3A_553[%parallel_loop3A_522, %parallel_loop3A_547, %parallel_loop3A_413], %parallel_loop3A_488 : memref<8x8x129xf32, #tpu.memory_space<vmem>>[vector<16xi32>, vector<16xi32>, vector<16xi32>], vector<16xf32>,
        %parallel_loop3A_554 = arith.constant 128 : i32
        %parallel_loop3A_555 = arith.addi %parallel_loop3A_554, %parallel_loop3A_409 : i32
        %parallel_loop3A_556 = arith.index_cast %parallel_loop3A_555 : i32 to index
        %parallel_loop3A_557 = arith.constant 32 : index
        %parallel_loop3A_558 = tpu.vector_load %arg8[%parallel_loop3A_556, %parallel_loop3A_557] {strides = array<i32>} : memref<256x64xf32, #tpu.memory_space<vmem>>, vector<16xf32>,
        %parallel_loop3A_559 = arith.constant 32 : i32
        %parallel_loop3A_560 = vector.broadcast %parallel_loop3A_559 : i32 to vector<16xi32>
        %parallel_loop3A_561 = arith.addi %parallel_loop3A_560, %iota3A : vector<16xi32>
        %parallel_loop3A_562 = arith.constant 8 : i32
        %parallel_loop3A_563 = vector.broadcast %parallel_loop3A_562 : i32 to vector<16xi32>
        %parallel_loop3A_564 = arith.divsi %parallel_loop3A_561, %parallel_loop3A_563 : vector<16xi32>
        %parallel_loop3A_565 = arith.constant 0 : i32
        %parallel_loop3A_566 = vector.broadcast %parallel_loop3A_565 : i32 to vector<16xi32>
        %parallel_loop3A_567 = arith.cmpi sgt, %parallel_loop3A_561, %parallel_loop3A_566 : vector<16xi32>
        %parallel_loop3A_568 = arith.extui %parallel_loop3A_567 : vector<16xi1> to vector<16xi32>
        %parallel_loop3A_569 = arith.constant 0 : i32
        %parallel_loop3A_570 = vector.broadcast %parallel_loop3A_569 : i32 to vector<16xi32>
        %parallel_loop3A_571 = arith.cmpi slt, %parallel_loop3A_561, %parallel_loop3A_570 : vector<16xi32>
        %parallel_loop3A_572 = arith.extui %parallel_loop3A_571 : vector<16xi1> to vector<16xi32>
        %parallel_loop3A_573 = arith.subi %parallel_loop3A_568, %parallel_loop3A_572 : vector<16xi32>
        %parallel_loop3A_574 = arith.constant 0 : i32
        %parallel_loop3A_575 = arith.cmpi sgt, %parallel_loop3A_562, %parallel_loop3A_574 : i32
        %parallel_loop3A_576 = arith.extui %parallel_loop3A_575 : i1 to i32
        %parallel_loop3A_577 = arith.constant 0 : i32
        %parallel_loop3A_578 = arith.cmpi slt, %parallel_loop3A_562, %parallel_loop3A_577 : i32
        %parallel_loop3A_579 = arith.extui %parallel_loop3A_578 : i1 to i32
        %parallel_loop3A_580 = arith.subi %parallel_loop3A_576, %parallel_loop3A_579 : i32
        %parallel_loop3A_581 = vector.broadcast %parallel_loop3A_580 : i32 to vector<16xi32>
        %parallel_loop3A_582 = arith.cmpi ne, %parallel_loop3A_573, %parallel_loop3A_581 : vector<16xi32>
        %parallel_loop3A_583 = vector.broadcast %parallel_loop3A_562 : i32 to vector<16xi32>
        %parallel_loop3A_584 = arith.remsi %parallel_loop3A_561, %parallel_loop3A_583 : vector<16xi32>
        %parallel_loop3A_585 = arith.constant 0 : i32
        %parallel_loop3A_586 = vector.broadcast %parallel_loop3A_585 : i32 to vector<16xi32>
        %parallel_loop3A_587 = arith.cmpi ne, %parallel_loop3A_584, %parallel_loop3A_586 : vector<16xi32>
        %parallel_loop3A_588 = arith.andi %parallel_loop3A_582, %parallel_loop3A_587 : vector<16xi1>
        %parallel_loop3A_589 = arith.constant 1 : i32
        %parallel_loop3A_590 = vector.broadcast %parallel_loop3A_589 : i32 to vector<16xi32>
        %parallel_loop3A_591 = arith.subi %parallel_loop3A_564, %parallel_loop3A_590 : vector<16xi32>
        %parallel_loop3A_592 = arith.select %parallel_loop3A_588, %parallel_loop3A_591, %parallel_loop3A_564 : vector<16xi1>, vector<16xi32>
        %parallel_loop3A_593 = arith.constant 32 : i32
        %parallel_loop3A_594 = vector.broadcast %parallel_loop3A_593 : i32 to vector<16xi32>
        %parallel_loop3A_595 = arith.addi %parallel_loop3A_594, %iota3A : vector<16xi32>
        %parallel_loop3A_596 = arith.constant 8 : i32
        %parallel_loop3A_597 = arith.constant 0 : i32
        %parallel_loop3A_598 = arith.cmpi eq, %parallel_loop3A_596, %parallel_loop3A_597 : i32
        %parallel_loop3A_599 = arith.constant 1 : i32
        %parallel_loop3A_600 = arith.select %parallel_loop3A_598, %parallel_loop3A_599, %parallel_loop3A_596 : i32
        %parallel_loop3A_601 = vector.broadcast %parallel_loop3A_600 : i32 to vector<16xi32>
        %parallel_loop3A_602 = arith.remsi %parallel_loop3A_595, %parallel_loop3A_601 : vector<16xi32>
        %parallel_loop3A_603 = arith.constant 0 : i32
        %parallel_loop3A_604 = vector.broadcast %parallel_loop3A_603 : i32 to vector<16xi32>
        %parallel_loop3A_605 = arith.cmpi ne, %parallel_loop3A_602, %parallel_loop3A_604 : vector<16xi32>
        %parallel_loop3A_606 = arith.constant 0 : i32
        %parallel_loop3A_607 = vector.broadcast %parallel_loop3A_606 : i32 to vector<16xi32>
        %parallel_loop3A_608 = arith.cmpi slt, %parallel_loop3A_602, %parallel_loop3A_607 : vector<16xi32>
        %parallel_loop3A_609 = arith.constant 0 : i32
        %parallel_loop3A_610 = arith.cmpi slt, %parallel_loop3A_600, %parallel_loop3A_609 : i32
        %parallel_loop3A_611 = vector.broadcast %parallel_loop3A_610 : i1 to vector<16xi1>
        %parallel_loop3A_612 = vector.broadcast %parallel_loop3A_611 : vector<16xi1> to vector<16xi1>
        %parallel_loop3A_613 = arith.xori %parallel_loop3A_608, %parallel_loop3A_612 : vector<16xi1>
        %parallel_loop3A_614 = arith.andi %parallel_loop3A_613, %parallel_loop3A_605 : vector<16xi1>
        %parallel_loop3A_615 = vector.broadcast %parallel_loop3A_600 : i32 to vector<16xi32>
        %parallel_loop3A_616 = arith.addi %parallel_loop3A_602, %parallel_loop3A_615 : vector<16xi32>
        %parallel_loop3A_617 = arith.select %parallel_loop3A_614, %parallel_loop3A_616, %parallel_loop3A_602 : vector<16xi1>, vector<16xi32>
        %parallel_loop3A_618 = arith.constant 1 : i32
        %parallel_loop3A_619 = arith.constant 0 : i32
        %parallel_loop3A_620 = arith.constant 0 : i32
        %parallel_loop3A_621 = arith.constant 0 : i32
        %parallel_loop3A_622 = tpu.memref_slice %arg10[%parallel_loop3A_618, %parallel_loop3A_619, %parallel_loop3A_620, %parallel_loop3A_621] : memref<2x8x8x129xf32, #tpu.memory_space<vmem>> -> memref<1x8x8x129xf32, #tpu.memory_space<vmem>>
        %parallel_loop3A_623 = tpu.memref_squeeze %parallel_loop3A_622 : memref<1x8x8x129xf32, #tpu.memory_space<vmem>> -> memref<8x8x129xf32, #tpu.memory_space<vmem>>
        tpu.vector_store_idx %parallel_loop3A_623[%parallel_loop3A_592, %parallel_loop3A_617, %parallel_loop3A_413], %parallel_loop3A_558 : memref<8x8x129xf32, #tpu.memory_space<vmem>>[vector<16xi32>, vector<16xi32>, vector<16xi32>], vector<16xf32>,
        %parallel_loop3A_624 = arith.constant 128 : i32
        %parallel_loop3A_625 = arith.addi %parallel_loop3A_624, %parallel_loop3A_409 : i32
        %parallel_loop3A_626 = arith.index_cast %parallel_loop3A_625 : i32 to index
        %parallel_loop3A_627 = arith.constant 48 : index
        %parallel_loop3A_628 = tpu.vector_load %arg8[%parallel_loop3A_626, %parallel_loop3A_627] {strides = array<i32>} : memref<256x64xf32, #tpu.memory_space<vmem>>, vector<16xf32>,
        %parallel_loop3A_629 = arith.constant 48 : i32
        %parallel_loop3A_630 = vector.broadcast %parallel_loop3A_629 : i32 to vector<16xi32>
        %parallel_loop3A_631 = arith.addi %parallel_loop3A_630, %iota3A : vector<16xi32>
        %parallel_loop3A_632 = arith.constant 8 : i32
        %parallel_loop3A_633 = vector.broadcast %parallel_loop3A_632 : i32 to vector<16xi32>
        %parallel_loop3A_634 = arith.divsi %parallel_loop3A_631, %parallel_loop3A_633 : vector<16xi32>
        %parallel_loop3A_635 = arith.constant 0 : i32
        %parallel_loop3A_636 = vector.broadcast %parallel_loop3A_635 : i32 to vector<16xi32>
        %parallel_loop3A_637 = arith.cmpi sgt, %parallel_loop3A_631, %parallel_loop3A_636 : vector<16xi32>
        %parallel_loop3A_638 = arith.extui %parallel_loop3A_637 : vector<16xi1> to vector<16xi32>
        %parallel_loop3A_639 = arith.constant 0 : i32
        %parallel_loop3A_640 = vector.broadcast %parallel_loop3A_639 : i32 to vector<16xi32>
        %parallel_loop3A_641 = arith.cmpi slt, %parallel_loop3A_631, %parallel_loop3A_640 : vector<16xi32>
        %parallel_loop3A_642 = arith.extui %parallel_loop3A_641 : vector<16xi1> to vector<16xi32>
        %parallel_loop3A_643 = arith.subi %parallel_loop3A_638, %parallel_loop3A_642 : vector<16xi32>
        %parallel_loop3A_644 = arith.constant 0 : i32
        %parallel_loop3A_645 = arith.cmpi sgt, %parallel_loop3A_632, %parallel_loop3A_644 : i32
        %parallel_loop3A_646 = arith.extui %parallel_loop3A_645 : i1 to i32
        %parallel_loop3A_647 = arith.constant 0 : i32
        %parallel_loop3A_648 = arith.cmpi slt, %parallel_loop3A_632, %parallel_loop3A_647 : i32
        %parallel_loop3A_649 = arith.extui %parallel_loop3A_648 : i1 to i32
        %parallel_loop3A_650 = arith.subi %parallel_loop3A_646, %parallel_loop3A_649 : i32
        %parallel_loop3A_651 = vector.broadcast %parallel_loop3A_650 : i32 to vector<16xi32>
        %parallel_loop3A_652 = arith.cmpi ne, %parallel_loop3A_643, %parallel_loop3A_651 : vector<16xi32>
        %parallel_loop3A_653 = vector.broadcast %parallel_loop3A_632 : i32 to vector<16xi32>
        %parallel_loop3A_654 = arith.remsi %parallel_loop3A_631, %parallel_loop3A_653 : vector<16xi32>
        %parallel_loop3A_655 = arith.constant 0 : i32
        %parallel_loop3A_656 = vector.broadcast %parallel_loop3A_655 : i32 to vector<16xi32>
        %parallel_loop3A_657 = arith.cmpi ne, %parallel_loop3A_654, %parallel_loop3A_656 : vector<16xi32>
        %parallel_loop3A_658 = arith.andi %parallel_loop3A_652, %parallel_loop3A_657 : vector<16xi1>
        %parallel_loop3A_659 = arith.constant 1 : i32
        %parallel_loop3A_660 = vector.broadcast %parallel_loop3A_659 : i32 to vector<16xi32>
        %parallel_loop3A_661 = arith.subi %parallel_loop3A_634, %parallel_loop3A_660 : vector<16xi32>
        %parallel_loop3A_662 = arith.select %parallel_loop3A_658, %parallel_loop3A_661, %parallel_loop3A_634 : vector<16xi1>, vector<16xi32>
        %parallel_loop3A_663 = arith.constant 48 : i32
        %parallel_loop3A_664 = vector.broadcast %parallel_loop3A_663 : i32 to vector<16xi32>
        %parallel_loop3A_665 = arith.addi %parallel_loop3A_664, %iota3A : vector<16xi32>
        %parallel_loop3A_666 = arith.constant 8 : i32
        %parallel_loop3A_667 = arith.constant 0 : i32
        %parallel_loop3A_668 = arith.cmpi eq, %parallel_loop3A_666, %parallel_loop3A_667 : i32
        %parallel_loop3A_669 = arith.constant 1 : i32
        %parallel_loop3A_670 = arith.select %parallel_loop3A_668, %parallel_loop3A_669, %parallel_loop3A_666 : i32
        %parallel_loop3A_671 = vector.broadcast %parallel_loop3A_670 : i32 to vector<16xi32>
        %parallel_loop3A_672 = arith.remsi %parallel_loop3A_665, %parallel_loop3A_671 : vector<16xi32>
        %parallel_loop3A_673 = arith.constant 0 : i32
        %parallel_loop3A_674 = vector.broadcast %parallel_loop3A_673 : i32 to vector<16xi32>
        %parallel_loop3A_675 = arith.cmpi ne, %parallel_loop3A_672, %parallel_loop3A_674 : vector<16xi32>
        %parallel_loop3A_676 = arith.constant 0 : i32
        %parallel_loop3A_677 = vector.broadcast %parallel_loop3A_676 : i32 to vector<16xi32>
        %parallel_loop3A_678 = arith.cmpi slt, %parallel_loop3A_672, %parallel_loop3A_677 : vector<16xi32>
        %parallel_loop3A_679 = arith.constant 0 : i32
        %parallel_loop3A_680 = arith.cmpi slt, %parallel_loop3A_670, %parallel_loop3A_679 : i32
        %parallel_loop3A_681 = vector.broadcast %parallel_loop3A_680 : i1 to vector<16xi1>
        %parallel_loop3A_682 = vector.broadcast %parallel_loop3A_681 : vector<16xi1> to vector<16xi1>
        %parallel_loop3A_683 = arith.xori %parallel_loop3A_678, %parallel_loop3A_682 : vector<16xi1>
        %parallel_loop3A_684 = arith.andi %parallel_loop3A_683, %parallel_loop3A_675 : vector<16xi1>
        %parallel_loop3A_685 = vector.broadcast %parallel_loop3A_670 : i32 to vector<16xi32>
        %parallel_loop3A_686 = arith.addi %parallel_loop3A_672, %parallel_loop3A_685 : vector<16xi32>
        %parallel_loop3A_687 = arith.select %parallel_loop3A_684, %parallel_loop3A_686, %parallel_loop3A_672 : vector<16xi1>, vector<16xi32>
        %parallel_loop3A_688 = arith.constant 1 : i32
        %parallel_loop3A_689 = arith.constant 0 : i32
        %parallel_loop3A_690 = arith.constant 0 : i32
        %parallel_loop3A_691 = arith.constant 0 : i32
        %parallel_loop3A_692 = tpu.memref_slice %arg10[%parallel_loop3A_688, %parallel_loop3A_689, %parallel_loop3A_690, %parallel_loop3A_691] : memref<2x8x8x129xf32, #tpu.memory_space<vmem>> -> memref<1x8x8x129xf32, #tpu.memory_space<vmem>>
        %parallel_loop3A_693 = tpu.memref_squeeze %parallel_loop3A_692 : memref<1x8x8x129xf32, #tpu.memory_space<vmem>> -> memref<8x8x129xf32, #tpu.memory_space<vmem>>
        tpu.vector_store_idx %parallel_loop3A_693[%parallel_loop3A_662, %parallel_loop3A_687, %parallel_loop3A_413], %parallel_loop3A_628 : memref<8x8x129xf32, #tpu.memory_space<vmem>>[vector<16xi32>, vector<16xi32>, vector<16xi32>], vector<16xf32>,
      } {sc.loop_unroll_factor = 4 : i64, sc.parallel_access}
      %jit3A = arith.constant 100 : i32
      %div3A = arith.divsi %add3A_233, %jit3A : i32
      %sign3A = arith.constant 0 : i32
      %sign3A_270 = arith.cmpi sgt, %add3A_233, %sign3A : i32
      %sign3A_271 = arith.extui %sign3A_270 : i1 to i32
      %sign3A_272 = arith.constant 0 : i32
      %sign3A_273 = arith.cmpi slt, %add3A_233, %sign3A_272 : i32
      %sign3A_274 = arith.extui %sign3A_273 : i1 to i32
      %sign3A_275 = arith.subi %sign3A_271, %sign3A_274 : i32
      %sign3A_276 = arith.constant 0 : i32
      %sign3A_277 = arith.cmpi sgt, %jit3A, %sign3A_276 : i32
      %sign3A_278 = arith.extui %sign3A_277 : i1 to i32
      %sign3A_279 = arith.constant 0 : i32
      %sign3A_280 = arith.cmpi slt, %jit3A, %sign3A_279 : i32
      %sign3A_281 = arith.extui %sign3A_280 : i1 to i32
      %sign3A_282 = arith.subi %sign3A_278, %sign3A_281 : i32
      %ne3A = arith.cmpi ne, %sign3A_275, %sign3A_282 : i32
      %rem3A = arith.remsi %add3A_233, %jit3A : i32
      %ne3A_283 = arith.constant 0 : i32
      %ne3A_284 = arith.cmpi ne, %rem3A, %ne3A_283 : i32
      %and3A = arith.andi %ne3A, %ne3A_284 : i1
      %sub3A = arith.constant 1 : i32
      %sub3A_285 = arith.subi %div3A, %sub3A : i32
      %select_n3A = arith.select %and3A, %sub3A_285, %div3A : i32
      %mul3A_286 = arith.constant 100 : i32
      %mul3A_287 = arith.muli %select_n3A, %mul3A_286 : i32
      %sub3A_288 = arith.subi %add3A_233, %mul3A_287 : i32
      %mul3A_289 = arith.constant 4 : i32
      %mul3A_290 = arith.muli %add3A, %mul3A_289 : i32
      %add3A_291 = arith.addi %mul3A_290, %select_n3A : i32
      %mul3A_292 = arith.constant 2 : i32
      %mul3A_293 = arith.muli %sub3A_288, %mul3A_292 : i32
      %dma_start3A_294 = arith.constant 0 : i32
      %dma_start3A_295 = arith.constant 0 : i32
      %dma_start3A_296 = arith.constant 0 : i32
      %dma_start3A_297 = arith.constant 0 : i32
      %dma_start3A_298 = tpu.memref_slice %arg10[%dma_start3A_294, %dma_start3A_295, %dma_start3A_296, %dma_start3A_297] : memref<2x8x8x129xf32, #tpu.memory_space<vmem>> -> memref<2x8x8x128xf32, #tpu.memory_space<vmem>>
      %dma_start3A_299 = arith.constant 0 : i32
      %dma_start3A_300 = arith.constant 0 : i32
      %dma_start3A_301 = arith.constant 0 : i32
      %dma_start3A_302 = tpu.memref_slice %arg4[%mul3A_293, %dma_start3A_299, %add3A_291, %dma_start3A_300, %dma_start3A_301] : memref<200x8x128x8x128xf32, #tpu.memory_space<hbm>> -> memref<2x8x1x8x128xf32, #tpu.memory_space<hbm>>
      %dma_start3A_303 = tpu.memref_squeeze %dma_start3A_302 : memref<2x8x1x8x128xf32, #tpu.memory_space<hbm>> -> memref<2x8x8x128xf32, #tpu.memory_space<hbm>>
      %dma_start3A_304 = arith.constant 0 : i32
      %dma_start3A_305 = arith.constant 0 : i32
      %dma_start3A_306 = arith.constant 0 : i32
      %dma_start3A_307 = tpu.memref_slice %arg4[%mul3A_293, %dma_start3A_304, %add3A_291, %dma_start3A_305, %dma_start3A_306] : memref<200x8x128x8x128xf32, #tpu.memory_space<hbm>> -> memref<2x8x1x8x128xf32, #tpu.memory_space<hbm>>
      %dma_start3A_308 = tpu.memref_squeeze %dma_start3A_307 : memref<2x8x1x8x128xf32, #tpu.memory_space<hbm>> -> memref<2x8x8x128xf32, #tpu.memory_space<hbm>>
      %dma_start3A_309 = arith.constant 0 : i32
      %dma_start3A_310 = arith.constant 0 : i32
      %dma_start3A_311 = arith.constant 0 : i32
      %dma_start3A_312 = arith.constant 0 : i32
      %dma_start3A_313 = tpu.memref_slice %arg10[%dma_start3A_309, %dma_start3A_310, %dma_start3A_311, %dma_start3A_312] : memref<2x8x8x129xf32, #tpu.memory_space<vmem>> -> memref<2x8x8x128xf32, #tpu.memory_space<vmem>>
      tpu.enqueue_dma source(%dma_start3A_313 : memref<2x8x8x128xf32, #tpu.memory_space<vmem>>) target(%dma_start3A_308 : memref<2x8x8x128xf32, #tpu.memory_space<hbm>>) target_semaphore(%arg14 : memref<!tpu.dma_semaphore, #tpu.memory_space<semaphore_mem>>)
      %add3A_314 = arith.constant 1 : i32
      %add3A_315 = arith.addi %add3A_231, %add3A_314 : i32
      %add3A_316 = arith.constant 1 : i32
      %add3A_317 = arith.addi %add3A_315, %add3A_316 : i32
      %lt3A_318 = arith.constant 400 : i32
      %lt3A_319 = arith.cmpi slt, %add3A_317, %lt3A_318 : i32
      %convert_element_type3A_320 = arith.extui %lt3A_319 : i1 to i32
      %cond3A_321 = arith.constant 0 : i32
      %cond3A_322 = arith.cmpi ne, %convert_element_type3A_320, %cond3A_321 : i32
      scf.if %cond3A_322 {
        %add3A_409 = arith.constant 1 : i32
        %add3A_410 = arith.addi %add3A_315, %add3A_409 : i32
        %jit3A_411 = arith.constant 100 : i32
        %div3A_412 = arith.divsi %add3A_410, %jit3A_411 : i32
        %sign3A_413 = arith.constant 0 : i32
        %sign3A_414 = arith.cmpi sgt, %add3A_410, %sign3A_413 : i32
        %sign3A_415 = arith.extui %sign3A_414 : i1 to i32
        %sign3A_416 = arith.constant 0 : i32
        %sign3A_417 = arith.cmpi slt, %add3A_410, %sign3A_416 : i32
        %sign3A_418 = arith.extui %sign3A_417 : i1 to i32
        %sign3A_419 = arith.subi %sign3A_415, %sign3A_418 : i32
        %sign3A_420 = arith.constant 0 : i32
        %sign3A_421 = arith.cmpi sgt, %jit3A_411, %sign3A_420 : i32
        %sign3A_422 = arith.extui %sign3A_421 : i1 to i32
        %sign3A_423 = arith.constant 0 : i32
        %sign3A_424 = arith.cmpi slt, %jit3A_411, %sign3A_423 : i32
        %sign3A_425 = arith.extui %sign3A_424 : i1 to i32
        %sign3A_426 = arith.subi %sign3A_422, %sign3A_425 : i32
        %ne3A_427 = arith.cmpi ne, %sign3A_419, %sign3A_426 : i32
        %rem3A_428 = arith.remsi %add3A_410, %jit3A_411 : i32
        %ne3A_429 = arith.constant 0 : i32
        %ne3A_430 = arith.cmpi ne, %rem3A_428, %ne3A_429 : i32
        %and3A_431 = arith.andi %ne3A_427, %ne3A_430 : i1
        %sub3A_432 = arith.constant 1 : i32
        %sub3A_433 = arith.subi %div3A_412, %sub3A_432 : i32
        %select_n3A_434 = arith.select %and3A_431, %sub3A_433, %div3A_412 : i32
        %mul3A_435 = arith.constant 100 : i32
        %mul3A_436 = arith.muli %select_n3A_434, %mul3A_435 : i32
        %sub3A_437 = arith.subi %add3A_410, %mul3A_436 : i32
        %mul3A_438 = arith.constant 4 : i32
        %mul3A_439 = arith.muli %add3A, %mul3A_438 : i32
        %add3A_440 = arith.addi %mul3A_439, %select_n3A_434 : i32
        %mul3A_441 = arith.constant 2 : i32
        %mul3A_442 = arith.muli %sub3A_437, %mul3A_441 : i32
        %eq3A = arith.constant 0 : i32
        %eq3A_443 = arith.cmpi eq, %sub3A_437, %eq3A : i32
        %convert_element_type3A_444 = arith.extui %eq3A_443 : i1 to i32
        %cond3A_445 = arith.constant 0 : i32
        %cond3A_446 = arith.cmpi ne, %convert_element_type3A_444, %cond3A_445 : i32
        scf.if %cond3A_446 {
          "tpu.region"() ({
            %run_scoped3A = tpu.sem_alloc : memref<!tpu.dma_semaphore, #tpu.memory_space<semaphore_mem>>
            %dma_start3A_687 = arith.constant 0 : i32
            %dma_start3A_688 = arith.constant 0 : i32
            %dma_start3A_689 = arith.constant 0 : i32
            %dma_start3A_690 = tpu.memref_slice %arg5[%dma_start3A_687, %dma_start3A_688, %dma_start3A_689] : memref<25x8x128xi32, #tpu.memory_space<vmem>> -> memref<25x8x128xi32, #tpu.memory_space<vmem>>
            %dma_start3A_691 = arith.constant 0 : i32
            %dma_start3A_692 = arith.constant 0 : i32
            %dma_start3A_693 = arith.constant 0 : i32
            %dma_start3A_694 = tpu.memref_slice %arg2[%dma_start3A_691, %add3A_440, %dma_start3A_692, %dma_start3A_693] : memref<25x128x8x128xi32, #tpu.memory_space<hbm>> -> memref<25x1x8x128xi32, #tpu.memory_space<hbm>>
            %dma_start3A_695 = tpu.memref_squeeze %dma_start3A_694 : memref<25x1x8x128xi32, #tpu.memory_space<hbm>> -> memref<25x8x128xi32, #tpu.memory_space<hbm>>
            %dma_start3A_696 = arith.constant 0 : i32
            %dma_start3A_697 = arith.constant 0 : i32
            %dma_start3A_698 = arith.constant 0 : i32
            %dma_start3A_699 = tpu.memref_slice %arg5[%dma_start3A_696, %dma_start3A_697, %dma_start3A_698] : memref<25x8x128xi32, #tpu.memory_space<vmem>> -> memref<25x8x128xi32, #tpu.memory_space<vmem>>
            %dma_start3A_700 = arith.constant 0 : i32
            %dma_start3A_701 = arith.constant 0 : i32
            %dma_start3A_702 = arith.constant 0 : i32
            %dma_start3A_703 = tpu.memref_slice %arg2[%dma_start3A_700, %add3A_440, %dma_start3A_701, %dma_start3A_702] : memref<25x128x8x128xi32, #tpu.memory_space<hbm>> -> memref<25x1x8x128xi32, #tpu.memory_space<hbm>>
            %dma_start3A_704 = tpu.memref_squeeze %dma_start3A_703 : memref<25x1x8x128xi32, #tpu.memory_space<hbm>> -> memref<25x8x128xi32, #tpu.memory_space<hbm>>
            tpu.enqueue_dma source(%dma_start3A_704 : memref<25x8x128xi32, #tpu.memory_space<hbm>>) target(%dma_start3A_699 : memref<25x8x128xi32, #tpu.memory_space<vmem>>) target_semaphore(%run_scoped3A : memref<!tpu.dma_semaphore, #tpu.memory_space<semaphore_mem>>)
            %dma_wait3A_705 = arith.constant 0 : i32
            %dma_wait3A_706 = arith.constant 0 : i32
            %dma_wait3A_707 = arith.constant 0 : i32
            %dma_wait3A_708 = tpu.memref_slice %arg5[%dma_wait3A_705, %dma_wait3A_706, %dma_wait3A_707] : memref<25x8x128xi32, #tpu.memory_space<vmem>> -> memref<25x8x128xi32, #tpu.memory_space<vmem>>
            %dma_wait3A_709 = arith.constant 0 : i32
            %dma_wait3A_710 = arith.constant 0 : i32
            %dma_wait3A_711 = arith.constant 0 : i32
            %dma_wait3A_712 = tpu.memref_slice %arg2[%dma_wait3A_709, %add3A_440, %dma_wait3A_710, %dma_wait3A_711] : memref<25x128x8x128xi32, #tpu.memory_space<hbm>> -> memref<25x1x8x128xi32, #tpu.memory_space<hbm>>
            %dma_wait3A_713 = tpu.memref_squeeze %dma_wait3A_712 : memref<25x1x8x128xi32, #tpu.memory_space<hbm>> -> memref<25x8x128xi32, #tpu.memory_space<hbm>>
            %dma_wait3A_714 = arith.constant 0 : i32
            %dma_wait3A_715 = arith.constant 0 : i32
            %dma_wait3A_716 = arith.constant 0 : i32
            %dma_wait3A_717 = tpu.memref_slice %arg5[%dma_wait3A_714, %dma_wait3A_715, %dma_wait3A_716] : memref<25x8x128xi32, #tpu.memory_space<vmem>> -> memref<25x8x128xi32, #tpu.memory_space<vmem>>
            %dma_wait3A_718 = arith.constant 0 : i32
            %dma_wait3A_719 = arith.constant 0 : i32
            %dma_wait3A_720 = arith.constant 0 : i32
            %dma_wait3A_721 = tpu.memref_slice %arg2[%dma_wait3A_718, %add3A_440, %dma_wait3A_719, %dma_wait3A_720] : memref<25x128x8x128xi32, #tpu.memory_space<hbm>> -> memref<25x1x8x128xi32, #tpu.memory_space<hbm>>
            %dma_wait3A_722 = tpu.memref_squeeze %dma_wait3A_721 : memref<25x1x8x128xi32, #tpu.memory_space<hbm>> -> memref<25x8x128xi32, #tpu.memory_space<hbm>>
            tpu.wait_dma2 semaphore(%run_scoped3A : memref<!tpu.dma_semaphore, #tpu.memory_space<semaphore_mem>>) src(%dma_wait3A_722 : memref<25x8x128xi32, #tpu.memory_space<hbm>>) dst(%dma_wait3A_717 : memref<25x8x128xi32, #tpu.memory_space<vmem>>)
            tpu.yield
          }) : () -> ()
        } else {
        }
        %add3A_447 = arith.constant 1 : i32
        %add3A_448 = arith.addi %add3A_315, %add3A_447 : i32
        %jit3A_449 = arith.constant 100 : i32
        %div3A_450 = arith.divsi %add3A_448, %jit3A_449 : i32
        %sign3A_451 = arith.constant 0 : i32
        %sign3A_452 = arith.cmpi sgt, %add3A_448, %sign3A_451 : i32
        %sign3A_453 = arith.extui %sign3A_452 : i1 to i32
        %sign3A_454 = arith.constant 0 : i32
        %sign3A_455 = arith.cmpi slt, %add3A_448, %sign3A_454 : i32
        %sign3A_456 = arith.extui %sign3A_455 : i1 to i32
        %sign3A_457 = arith.subi %sign3A_453, %sign3A_456 : i32
        %sign3A_458 = arith.constant 0 : i32
        %sign3A_459 = arith.cmpi sgt, %jit3A_449, %sign3A_458 : i32
        %sign3A_460 = arith.extui %sign3A_459 : i1 to i32
        %sign3A_461 = arith.constant 0 : i32
        %sign3A_462 = arith.cmpi slt, %jit3A_449, %sign3A_461 : i32
        %sign3A_463 = arith.extui %sign3A_462 : i1 to i32
        %sign3A_464 = arith.subi %sign3A_460, %sign3A_463 : i32
        %ne3A_465 = arith.cmpi ne, %sign3A_457, %sign3A_464 : i32
        %rem3A_466 = arith.remsi %add3A_448, %jit3A_449 : i32
        %ne3A_467 = arith.constant 0 : i32
        %ne3A_468 = arith.cmpi ne, %rem3A_466, %ne3A_467 : i32
        %and3A_469 = arith.andi %ne3A_465, %ne3A_468 : i1
        %sub3A_470 = arith.constant 1 : i32
        %sub3A_471 = arith.subi %div3A_450, %sub3A_470 : i32
        %select_n3A_472 = arith.select %and3A_469, %sub3A_471, %div3A_450 : i32
        %mul3A_473 = arith.constant 100 : i32
        %mul3A_474 = arith.muli %select_n3A_472, %mul3A_473 : i32
        %sub3A_475 = arith.subi %add3A_448, %mul3A_474 : i32
        %mul3A_476 = arith.constant 4 : i32
        %mul3A_477 = arith.muli %add3A, %mul3A_476 : i32
        %add3A_478 = arith.addi %mul3A_477, %select_n3A_472 : i32
        %mul3A_479 = arith.constant 2 : i32
        %mul3A_480 = arith.muli %sub3A_475, %mul3A_479 : i32
        %add3A_481 = arith.constant 0 : i32
        %add3A_482 = arith.addi %mul3A_480, %add3A_481 : i32
        %jit3A_483 = arith.constant 8 : i32
        %div3A_484 = arith.divsi %add3A_482, %jit3A_483 : i32
        %sign3A_485 = arith.constant 0 : i32
        %sign3A_486 = arith.cmpi sgt, %add3A_482, %sign3A_485 : i32
        %sign3A_487 = arith.extui %sign3A_486 : i1 to i32
        %sign3A_488 = arith.constant 0 : i32
        %sign3A_489 = arith.cmpi slt, %add3A_482, %sign3A_488 : i32
        %sign3A_490 = arith.extui %sign3A_489 : i1 to i32
        %sign3A_491 = arith.subi %sign3A_487, %sign3A_490 : i32
        %sign3A_492 = arith.constant 0 : i32
        %sign3A_493 = arith.cmpi sgt, %jit3A_483, %sign3A_492 : i32
        %sign3A_494 = arith.extui %sign3A_493 : i1 to i32
        %sign3A_495 = arith.constant 0 : i32
        %sign3A_496 = arith.cmpi slt, %jit3A_483, %sign3A_495 : i32
        %sign3A_497 = arith.extui %sign3A_496 : i1 to i32
        %sign3A_498 = arith.subi %sign3A_494, %sign3A_497 : i32
        %ne3A_499 = arith.cmpi ne, %sign3A_491, %sign3A_498 : i32
        %rem3A_500 = arith.remsi %add3A_482, %jit3A_483 : i32
        %ne3A_501 = arith.constant 0 : i32
        %ne3A_502 = arith.cmpi ne, %rem3A_500, %ne3A_501 : i32
        %and3A_503 = arith.andi %ne3A_499, %ne3A_502 : i1
        %sub3A_504 = arith.constant 1 : i32
        %sub3A_505 = arith.subi %div3A_484, %sub3A_504 : i32
        %select_n3A_506 = arith.select %and3A_503, %sub3A_505, %div3A_484 : i32
        %add3A_507 = arith.constant 0 : i32
        %add3A_508 = arith.addi %mul3A_480, %add3A_507 : i32
        %mul3A_509 = arith.constant 8 : i32
        %mul3A_510 = arith.muli %select_n3A_506, %mul3A_509 : i32
        %sub3A_511 = arith.subi %add3A_508, %mul3A_510 : i32
        %get3A_512 = arith.index_cast %select_n3A_506 : i32 to index
        %get3A_513 = arith.index_cast %sub3A_511 : i32 to index
        %get3A_514 = arith.constant 0 : index
        %get3A_515 = tpu.vector_load %arg5[%get3A_512, %get3A_513, %get3A_514] {strides = array<i32>} : memref<25x8x128xi32, #tpu.memory_space<vmem>>, vector<16xi32>,
        %add3A_516 = arith.constant 1 : i32
        %add3A_517 = vector.broadcast %add3A_516 : i32 to vector<16xi32>
        %add3A_518 = arith.addi %get3A_515, %add3A_517 : vector<16xi32>
        %get3A_519 = arith.index_cast %select_n3A_506 : i32 to index
        %get3A_520 = arith.index_cast %sub3A_511 : i32 to index
        %get3A_521 = arith.constant 16 : index
        %get3A_522 = tpu.vector_load %arg5[%get3A_519, %get3A_520, %get3A_521] {strides = array<i32>} : memref<25x8x128xi32, #tpu.memory_space<vmem>>, vector<16xi32>,
        %add3A_523 = arith.constant 1 : i32
        %add3A_524 = vector.broadcast %add3A_523 : i32 to vector<16xi32>
        %add3A_525 = arith.addi %get3A_522, %add3A_524 : vector<16xi32>
        %get3A_526 = arith.index_cast %select_n3A_506 : i32 to index
        %get3A_527 = arith.index_cast %sub3A_511 : i32 to index
        %get3A_528 = arith.constant 32 : index
        %get3A_529 = tpu.vector_load %arg5[%get3A_526, %get3A_527, %get3A_528] {strides = array<i32>} : memref<25x8x128xi32, #tpu.memory_space<vmem>>, vector<16xi32>,
        %add3A_530 = arith.constant 1 : i32
        %add3A_531 = vector.broadcast %add3A_530 : i32 to vector<16xi32>
        %add3A_532 = arith.addi %get3A_529, %add3A_531 : vector<16xi32>
        %get3A_533 = arith.index_cast %select_n3A_506 : i32 to index
        %get3A_534 = arith.index_cast %sub3A_511 : i32 to index
        %get3A_535 = arith.constant 48 : index
        %get3A_536 = tpu.vector_load %arg5[%get3A_533, %get3A_534, %get3A_535] {strides = array<i32>} : memref<25x8x128xi32, #tpu.memory_space<vmem>>, vector<16xi32>,
        %add3A_537 = arith.constant 1 : i32
        %add3A_538 = vector.broadcast %add3A_537 : i32 to vector<16xi32>
        %add3A_539 = arith.addi %get3A_536, %add3A_538 : vector<16xi32>
        %get3A_540 = arith.index_cast %select_n3A_506 : i32 to index
        %get3A_541 = arith.index_cast %sub3A_511 : i32 to index
        %get3A_542 = arith.constant 64 : index
        %get3A_543 = tpu.vector_load %arg5[%get3A_540, %get3A_541, %get3A_542] {strides = array<i32>} : memref<25x8x128xi32, #tpu.memory_space<vmem>>, vector<16xi32>,
        %add3A_544 = arith.constant 1 : i32
        %add3A_545 = vector.broadcast %add3A_544 : i32 to vector<16xi32>
        %add3A_546 = arith.addi %get3A_543, %add3A_545 : vector<16xi32>
        %get3A_547 = arith.index_cast %select_n3A_506 : i32 to index
        %get3A_548 = arith.index_cast %sub3A_511 : i32 to index
        %get3A_549 = arith.constant 80 : index
        %get3A_550 = tpu.vector_load %arg5[%get3A_547, %get3A_548, %get3A_549] {strides = array<i32>} : memref<25x8x128xi32, #tpu.memory_space<vmem>>, vector<16xi32>,
        %add3A_551 = arith.constant 1 : i32
        %add3A_552 = vector.broadcast %add3A_551 : i32 to vector<16xi32>
        %add3A_553 = arith.addi %get3A_550, %add3A_552 : vector<16xi32>
        %get3A_554 = arith.index_cast %select_n3A_506 : i32 to index
        %get3A_555 = arith.index_cast %sub3A_511 : i32 to index
        %get3A_556 = arith.constant 96 : index
        %get3A_557 = tpu.vector_load %arg5[%get3A_554, %get3A_555, %get3A_556] {strides = array<i32>} : memref<25x8x128xi32, #tpu.memory_space<vmem>>, vector<16xi32>,
        %add3A_558 = arith.constant 1 : i32
        %add3A_559 = vector.broadcast %add3A_558 : i32 to vector<16xi32>
        %add3A_560 = arith.addi %get3A_557, %add3A_559 : vector<16xi32>
        %get3A_561 = arith.index_cast %select_n3A_506 : i32 to index
        %get3A_562 = arith.index_cast %sub3A_511 : i32 to index
        %get3A_563 = arith.constant 112 : index
        %get3A_564 = tpu.vector_load %arg5[%get3A_561, %get3A_562, %get3A_563] {strides = array<i32>} : memref<25x8x128xi32, #tpu.memory_space<vmem>>, vector<16xi32>,
        %add3A_565 = arith.constant 1 : i32
        %add3A_566 = vector.broadcast %add3A_565 : i32 to vector<16xi32>
        %add3A_567 = arith.addi %get3A_564, %add3A_566 : vector<16xi32>
        %add3A_568 = arith.constant 1 : i32
        %add3A_569 = arith.addi %mul3A_480, %add3A_568 : i32
        %jit3A_570 = arith.constant 8 : i32
        %div3A_571 = arith.divsi %add3A_569, %jit3A_570 : i32
        %sign3A_572 = arith.constant 0 : i32
        %sign3A_573 = arith.cmpi sgt, %add3A_569, %sign3A_572 : i32
        %sign3A_574 = arith.extui %sign3A_573 : i1 to i32
        %sign3A_575 = arith.constant 0 : i32
        %sign3A_576 = arith.cmpi slt, %add3A_569, %sign3A_575 : i32
        %sign3A_577 = arith.extui %sign3A_576 : i1 to i32
        %sign3A_578 = arith.subi %sign3A_574, %sign3A_577 : i32
        %sign3A_579 = arith.constant 0 : i32
        %sign3A_580 = arith.cmpi sgt, %jit3A_570, %sign3A_579 : i32
        %sign3A_581 = arith.extui %sign3A_580 : i1 to i32
        %sign3A_582 = arith.constant 0 : i32
        %sign3A_583 = arith.cmpi slt, %jit3A_570, %sign3A_582 : i32
        %sign3A_584 = arith.extui %sign3A_583 : i1 to i32
        %sign3A_585 = arith.subi %sign3A_581, %sign3A_584 : i32
        %ne3A_586 = arith.cmpi ne, %sign3A_578, %sign3A_585 : i32
        %rem3A_587 = arith.remsi %add3A_569, %jit3A_570 : i32
        %ne3A_588 = arith.constant 0 : i32
        %ne3A_589 = arith.cmpi ne, %rem3A_587, %ne3A_588 : i32
        %and3A_590 = arith.andi %ne3A_586, %ne3A_589 : i1
        %sub3A_591 = arith.constant 1 : i32
        %sub3A_592 = arith.subi %div3A_571, %sub3A_591 : i32
        %select_n3A_593 = arith.select %and3A_590, %sub3A_592, %div3A_571 : i32
        %add3A_594 = arith.constant 1 : i32
        %add3A_595 = arith.addi %mul3A_480, %add3A_594 : i32
        %mul3A_596 = arith.constant 8 : i32
        %mul3A_597 = arith.muli %select_n3A_593, %mul3A_596 : i32
        %sub3A_598 = arith.subi %add3A_595, %mul3A_597 : i32
        %get3A_599 = arith.index_cast %select_n3A_593 : i32 to index
        %get3A_600 = arith.index_cast %sub3A_598 : i32 to index
        %get3A_601 = arith.constant 0 : index
        %get3A_602 = tpu.vector_load %arg5[%get3A_599, %get3A_600, %get3A_601] {strides = array<i32>} : memref<25x8x128xi32, #tpu.memory_space<vmem>>, vector<16xi32>,
        %add3A_603 = arith.constant 1 : i32
        %add3A_604 = vector.broadcast %add3A_603 : i32 to vector<16xi32>
        %add3A_605 = arith.addi %get3A_602, %add3A_604 : vector<16xi32>
        %get3A_606 = arith.index_cast %select_n3A_593 : i32 to index
        %get3A_607 = arith.index_cast %sub3A_598 : i32 to index
        %get3A_608 = arith.constant 16 : index
        %get3A_609 = tpu.vector_load %arg5[%get3A_606, %get3A_607, %get3A_608] {strides = array<i32>} : memref<25x8x128xi32, #tpu.memory_space<vmem>>, vector<16xi32>,
        %add3A_610 = arith.constant 1 : i32
        %add3A_611 = vector.broadcast %add3A_610 : i32 to vector<16xi32>
        %add3A_612 = arith.addi %get3A_609, %add3A_611 : vector<16xi32>
        %get3A_613 = arith.index_cast %select_n3A_593 : i32 to index
        %get3A_614 = arith.index_cast %sub3A_598 : i32 to index
        %get3A_615 = arith.constant 32 : index
        %get3A_616 = tpu.vector_load %arg5[%get3A_613, %get3A_614, %get3A_615] {strides = array<i32>} : memref<25x8x128xi32, #tpu.memory_space<vmem>>, vector<16xi32>,
        %add3A_617 = arith.constant 1 : i32
        %add3A_618 = vector.broadcast %add3A_617 : i32 to vector<16xi32>
        %add3A_619 = arith.addi %get3A_616, %add3A_618 : vector<16xi32>
        %get3A_620 = arith.index_cast %select_n3A_593 : i32 to index
        %get3A_621 = arith.index_cast %sub3A_598 : i32 to index
        %get3A_622 = arith.constant 48 : index
        %get3A_623 = tpu.vector_load %arg5[%get3A_620, %get3A_621, %get3A_622] {strides = array<i32>} : memref<25x8x128xi32, #tpu.memory_space<vmem>>, vector<16xi32>,
        %add3A_624 = arith.constant 1 : i32
        %add3A_625 = vector.broadcast %add3A_624 : i32 to vector<16xi32>
        %add3A_626 = arith.addi %get3A_623, %add3A_625 : vector<16xi32>
        %get3A_627 = arith.index_cast %select_n3A_593 : i32 to index
        %get3A_628 = arith.index_cast %sub3A_598 : i32 to index
        %get3A_629 = arith.constant 64 : index
        %get3A_630 = tpu.vector_load %arg5[%get3A_627, %get3A_628, %get3A_629] {strides = array<i32>} : memref<25x8x128xi32, #tpu.memory_space<vmem>>, vector<16xi32>,
        %add3A_631 = arith.constant 1 : i32
        %add3A_632 = vector.broadcast %add3A_631 : i32 to vector<16xi32>
        %add3A_633 = arith.addi %get3A_630, %add3A_632 : vector<16xi32>
        %get3A_634 = arith.index_cast %select_n3A_593 : i32 to index
        %get3A_635 = arith.index_cast %sub3A_598 : i32 to index
        %get3A_636 = arith.constant 80 : index
        %get3A_637 = tpu.vector_load %arg5[%get3A_634, %get3A_635, %get3A_636] {strides = array<i32>} : memref<25x8x128xi32, #tpu.memory_space<vmem>>, vector<16xi32>,
        %add3A_638 = arith.constant 1 : i32
        %add3A_639 = vector.broadcast %add3A_638 : i32 to vector<16xi32>
        %add3A_640 = arith.addi %get3A_637, %add3A_639 : vector<16xi32>
        %get3A_641 = arith.index_cast %select_n3A_593 : i32 to index
        %get3A_642 = arith.index_cast %sub3A_598 : i32 to index
        %get3A_643 = arith.constant 96 : index
        %get3A_644 = tpu.vector_load %arg5[%get3A_641, %get3A_642, %get3A_643] {strides = array<i32>} : memref<25x8x128xi32, #tpu.memory_space<vmem>>, vector<16xi32>,
        %add3A_645 = arith.constant 1 : i32
        %add3A_646 = vector.broadcast %add3A_645 : i32 to vector<16xi32>
        %add3A_647 = arith.addi %get3A_644, %add3A_646 : vector<16xi32>
        %get3A_648 = arith.index_cast %select_n3A_593 : i32 to index
        %get3A_649 = arith.index_cast %sub3A_598 : i32 to index
        %get3A_650 = arith.constant 112 : index
        %get3A_651 = tpu.vector_load %arg5[%get3A_648, %get3A_649, %get3A_650] {strides = array<i32>} : memref<25x8x128xi32, #tpu.memory_space<vmem>>, vector<16xi32>,
        %add3A_652 = arith.constant 1 : i32
        %add3A_653 = vector.broadcast %add3A_652 : i32 to vector<16xi32>
        %add3A_654 = arith.addi %get3A_651, %add3A_653 : vector<16xi32>
        %swap3A_655 = arith.constant 0 : index
        %swap3A_656 = tpu.vector_load %arg6[%swap3A_655] {strides = array<i32>} : memref<256xi32, #tpu.memory_space<vmem>>, vector<16xi32>,
        tpu.vector_store %arg6[%swap3A_655], %add3A_518 {strides = array<i32>} : memref<256xi32, #tpu.memory_space<vmem>>, vector<16xi32>,
        %swap3A_657 = arith.constant 16 : index
        %swap3A_658 = tpu.vector_load %arg6[%swap3A_657] {strides = array<i32>} : memref<256xi32, #tpu.memory_space<vmem>>, vector<16xi32>,
        tpu.vector_store %arg6[%swap3A_657], %add3A_525 {strides = array<i32>} : memref<256xi32, #tpu.memory_space<vmem>>, vector<16xi32>,
        %swap3A_659 = arith.constant 32 : index
        %swap3A_660 = tpu.vector_load %arg6[%swap3A_659] {strides = array<i32>} : memref<256xi32, #tpu.memory_space<vmem>>, vector<16xi32>,
        tpu.vector_store %arg6[%swap3A_659], %add3A_532 {strides = array<i32>} : memref<256xi32, #tpu.memory_space<vmem>>, vector<16xi32>,
        %swap3A_661 = arith.constant 48 : index
        %swap3A_662 = tpu.vector_load %arg6[%swap3A_661] {strides = array<i32>} : memref<256xi32, #tpu.memory_space<vmem>>, vector<16xi32>,
        tpu.vector_store %arg6[%swap3A_661], %add3A_539 {strides = array<i32>} : memref<256xi32, #tpu.memory_space<vmem>>, vector<16xi32>,
        %swap3A_663 = arith.constant 64 : index
        %swap3A_664 = tpu.vector_load %arg6[%swap3A_663] {strides = array<i32>} : memref<256xi32, #tpu.memory_space<vmem>>, vector<16xi32>,
        tpu.vector_store %arg6[%swap3A_663], %add3A_546 {strides = array<i32>} : memref<256xi32, #tpu.memory_space<vmem>>, vector<16xi32>,
        %swap3A_665 = arith.constant 80 : index
        %swap3A_666 = tpu.vector_load %arg6[%swap3A_665] {strides = array<i32>} : memref<256xi32, #tpu.memory_space<vmem>>, vector<16xi32>,
        tpu.vector_store %arg6[%swap3A_665], %add3A_553 {strides = array<i32>} : memref<256xi32, #tpu.memory_space<vmem>>, vector<16xi32>,
        %swap3A_667 = arith.constant 96 : index
        %swap3A_668 = tpu.vector_load %arg6[%swap3A_667] {strides = array<i32>} : memref<256xi32, #tpu.memory_space<vmem>>, vector<16xi32>,
        tpu.vector_store %arg6[%swap3A_667], %add3A_560 {strides = array<i32>} : memref<256xi32, #tpu.memory_space<vmem>>, vector<16xi32>,
        %swap3A_669 = arith.constant 112 : index
        %swap3A_670 = tpu.vector_load %arg6[%swap3A_669] {strides = array<i32>} : memref<256xi32, #tpu.memory_space<vmem>>, vector<16xi32>,
        tpu.vector_store %arg6[%swap3A_669], %add3A_567 {strides = array<i32>} : memref<256xi32, #tpu.memory_space<vmem>>, vector<16xi32>,
        %swap3A_671 = arith.constant 128 : index
        %swap3A_672 = tpu.vector_load %arg6[%swap3A_671] {strides = array<i32>} : memref<256xi32, #tpu.memory_space<vmem>>, vector<16xi32>,
        tpu.vector_store %arg6[%swap3A_671], %add3A_605 {strides = array<i32>} : memref<256xi32, #tpu.memory_space<vmem>>, vector<16xi32>,
        %swap3A_673 = arith.constant 144 : index
        %swap3A_674 = tpu.vector_load %arg6[%swap3A_673] {strides = array<i32>} : memref<256xi32, #tpu.memory_space<vmem>>, vector<16xi32>,
        tpu.vector_store %arg6[%swap3A_673], %add3A_612 {strides = array<i32>} : memref<256xi32, #tpu.memory_space<vmem>>, vector<16xi32>,
        %swap3A_675 = arith.constant 160 : index
        %swap3A_676 = tpu.vector_load %arg6[%swap3A_675] {strides = array<i32>} : memref<256xi32, #tpu.memory_space<vmem>>, vector<16xi32>,
        tpu.vector_store %arg6[%swap3A_675], %add3A_619 {strides = array<i32>} : memref<256xi32, #tpu.memory_space<vmem>>, vector<16xi32>,
        %swap3A_677 = arith.constant 176 : index
        %swap3A_678 = tpu.vector_load %arg6[%swap3A_677] {strides = array<i32>} : memref<256xi32, #tpu.memory_space<vmem>>, vector<16xi32>,
        tpu.vector_store %arg6[%swap3A_677], %add3A_626 {strides = array<i32>} : memref<256xi32, #tpu.memory_space<vmem>>, vector<16xi32>,
        %swap3A_679 = arith.constant 192 : index
        %swap3A_680 = tpu.vector_load %arg6[%swap3A_679] {strides = array<i32>} : memref<256xi32, #tpu.memory_space<vmem>>, vector<16xi32>,
        tpu.vector_store %arg6[%swap3A_679], %add3A_633 {strides = array<i32>} : memref<256xi32, #tpu.memory_space<vmem>>, vector<16xi32>,
        %swap3A_681 = arith.constant 208 : index
        %swap3A_682 = tpu.vector_load %arg6[%swap3A_681] {strides = array<i32>} : memref<256xi32, #tpu.memory_space<vmem>>, vector<16xi32>,
        tpu.vector_store %arg6[%swap3A_681], %add3A_640 {strides = array<i32>} : memref<256xi32, #tpu.memory_space<vmem>>, vector<16xi32>,
        %swap3A_683 = arith.constant 224 : index
        %swap3A_684 = tpu.vector_load %arg6[%swap3A_683] {strides = array<i32>} : memref<256xi32, #tpu.memory_space<vmem>>, vector<16xi32>,
        tpu.vector_store %arg6[%swap3A_683], %add3A_647 {strides = array<i32>} : memref<256xi32, #tpu.memory_space<vmem>>, vector<16xi32>,
        %swap3A_685 = arith.constant 240 : index
        %swap3A_686 = tpu.vector_load %arg6[%swap3A_685] {strides = array<i32>} : memref<256xi32, #tpu.memory_space<vmem>>, vector<16xi32>,
        tpu.vector_store %arg6[%swap3A_685], %add3A_654 {strides = array<i32>} : memref<256xi32, #tpu.memory_space<vmem>>, vector<16xi32>,
      } else {
      }
      %ge3A_323 = arith.constant 1 : i32
      %ge3A_324 = arith.cmpi sge, %add3A_315, %ge3A_323 : i32
      %convert_element_type3A_325 = arith.extui %ge3A_324 : i1 to i32
      %cond3A_326 = arith.constant 0 : i32
      %cond3A_327 = arith.cmpi ne, %convert_element_type3A_325, %cond3A_326 : i32
      scf.if %cond3A_327 {
        %sub3A_409 = arith.constant 1 : i32
        %sub3A_410 = arith.subi %add3A_315, %sub3A_409 : i32
        %jit3A_411 = arith.constant 100 : i32
        %div3A_412 = arith.divsi %sub3A_410, %jit3A_411 : i32
        %sign3A_413 = arith.constant 0 : i32
        %sign3A_414 = arith.cmpi sgt, %sub3A_410, %sign3A_413 : i32
        %sign3A_415 = arith.extui %sign3A_414 : i1 to i32
        %sign3A_416 = arith.constant 0 : i32
        %sign3A_417 = arith.cmpi slt, %sub3A_410, %sign3A_416 : i32
        %sign3A_418 = arith.extui %sign3A_417 : i1 to i32
        %sign3A_419 = arith.subi %sign3A_415, %sign3A_418 : i32
        %sign3A_420 = arith.constant 0 : i32
        %sign3A_421 = arith.cmpi sgt, %jit3A_411, %sign3A_420 : i32
        %sign3A_422 = arith.extui %sign3A_421 : i1 to i32
        %sign3A_423 = arith.constant 0 : i32
        %sign3A_424 = arith.cmpi slt, %jit3A_411, %sign3A_423 : i32
        %sign3A_425 = arith.extui %sign3A_424 : i1 to i32
        %sign3A_426 = arith.subi %sign3A_422, %sign3A_425 : i32
        %ne3A_427 = arith.cmpi ne, %sign3A_419, %sign3A_426 : i32
        %rem3A_428 = arith.remsi %sub3A_410, %jit3A_411 : i32
        %ne3A_429 = arith.constant 0 : i32
        %ne3A_430 = arith.cmpi ne, %rem3A_428, %ne3A_429 : i32
        %and3A_431 = arith.andi %ne3A_427, %ne3A_430 : i1
        %sub3A_432 = arith.constant 1 : i32
        %sub3A_433 = arith.subi %div3A_412, %sub3A_432 : i32
        %select_n3A_434 = arith.select %and3A_431, %sub3A_433, %div3A_412 : i32
        %mul3A_435 = arith.constant 100 : i32
        %mul3A_436 = arith.muli %select_n3A_434, %mul3A_435 : i32
        %sub3A_437 = arith.subi %sub3A_410, %mul3A_436 : i32
        %mul3A_438 = arith.constant 4 : i32
        %mul3A_439 = arith.muli %add3A, %mul3A_438 : i32
        %add3A_440 = arith.addi %mul3A_439, %select_n3A_434 : i32
        %mul3A_441 = arith.constant 2 : i32
        %mul3A_442 = arith.muli %sub3A_437, %mul3A_441 : i32
        %dma_wait3A_443 = arith.constant 0 : i32
        %dma_wait3A_444 = arith.constant 0 : i32
        %dma_wait3A_445 = arith.constant 0 : i32
        %dma_wait3A_446 = arith.constant 0 : i32
        %dma_wait3A_447 = tpu.memref_slice %arg10[%dma_wait3A_443, %dma_wait3A_444, %dma_wait3A_445, %dma_wait3A_446] : memref<2x8x8x129xf32, #tpu.memory_space<vmem>> -> memref<2x8x8x128xf32, #tpu.memory_space<vmem>>
        %dma_wait3A_448 = arith.constant 0 : i32
        %dma_wait3A_449 = arith.constant 0 : i32
        %dma_wait3A_450 = arith.constant 0 : i32
        %dma_wait3A_451 = tpu.memref_slice %arg4[%mul3A_442, %dma_wait3A_448, %add3A_440, %dma_wait3A_449, %dma_wait3A_450] : memref<200x8x128x8x128xf32, #tpu.memory_space<hbm>> -> memref<2x8x1x8x128xf32, #tpu.memory_space<hbm>>
        %dma_wait3A_452 = tpu.memref_squeeze %dma_wait3A_451 : memref<2x8x1x8x128xf32, #tpu.memory_space<hbm>> -> memref<2x8x8x128xf32, #tpu.memory_space<hbm>>
        %dma_wait3A_453 = arith.constant 0 : i32
        %dma_wait3A_454 = arith.constant 0 : i32
        %dma_wait3A_455 = arith.constant 0 : i32
        %dma_wait3A_456 = tpu.memref_slice %arg4[%mul3A_442, %dma_wait3A_453, %add3A_440, %dma_wait3A_454, %dma_wait3A_455] : memref<200x8x128x8x128xf32, #tpu.memory_space<hbm>> -> memref<2x8x1x8x128xf32, #tpu.memory_space<hbm>>
        %dma_wait3A_457 = tpu.memref_squeeze %dma_wait3A_456 : memref<2x8x1x8x128xf32, #tpu.memory_space<hbm>> -> memref<2x8x8x128xf32, #tpu.memory_space<hbm>>
        %dma_wait3A_458 = arith.constant 0 : i32
        %dma_wait3A_459 = arith.constant 0 : i32
        %dma_wait3A_460 = arith.constant 0 : i32
        %dma_wait3A_461 = arith.constant 0 : i32
        %dma_wait3A_462 = tpu.memref_slice %arg10[%dma_wait3A_458, %dma_wait3A_459, %dma_wait3A_460, %dma_wait3A_461] : memref<2x8x8x129xf32, #tpu.memory_space<vmem>> -> memref<2x8x8x128xf32, #tpu.memory_space<vmem>>
        tpu.wait_dma2 semaphore(%arg14 : memref<!tpu.dma_semaphore, #tpu.memory_space<semaphore_mem>>) src(%dma_wait3A_462 : memref<2x8x8x128xf32, #tpu.memory_space<vmem>>) dst(%dma_wait3A_457 : memref<2x8x8x128xf32, #tpu.memory_space<hbm>>)
      } else {
      }
      %add3A_328 = arith.constant 1 : i32
      %add3A_329 = arith.addi %add3A_315, %add3A_328 : i32
      %lt3A_330 = arith.constant 400 : i32
      %lt3A_331 = arith.cmpi slt, %add3A_329, %lt3A_330 : i32
      %convert_element_type3A_332 = arith.extui %lt3A_331 : i1 to i32
      %cond3A_333 = arith.constant 0 : i32
      %cond3A_334 = arith.cmpi ne, %convert_element_type3A_332, %cond3A_333 : i32
      scf.if %cond3A_334 {
        %dma_start3A_409 = arith.constant 0 : i32
        %dma_start3A_410 = arith.constant 0 : i32
        %dma_start3A_411 = tpu.memref_slice %arg8[%dma_start3A_409, %dma_start3A_410] : memref<256x64xf32, #tpu.memory_space<vmem>> -> memref<128x64xf32, #tpu.memory_space<vmem>>
        %dma_start3A_412 = arith.constant 0 : i32
        %dma_start3A_413 = tpu.memref_slice %arg6[%dma_start3A_412] : memref<256xi32, #tpu.memory_space<vmem>> -> memref<128xi32, #tpu.memory_space<vmem>>
        %dma_start3A_414 = arith.constant 0 : i32
        %dma_start3A_415 = arith.constant 0 : i32
        %dma_start3A_416 = tpu.memref_slice %arg3[%dma_start3A_414, %dma_start3A_415] : memref<100001x64xf32, #tpu.memory_space<hbm>> -> memref<100001x64xf32, #tpu.memory_space<hbm>>
        tpu.enqueue_indirect_dma source(%dma_start3A_416 : memref<100001x64xf32, #tpu.memory_space<hbm>>) target(%dma_start3A_411 : memref<128x64xf32, #tpu.memory_space<vmem>>) offsets(%dma_start3A_413 : memref<128xi32, #tpu.memory_space<vmem>>) semaphore(%arg12 : memref<!tpu.dma_semaphore, #tpu.memory_space<semaphore_mem>>)
        %dma_start3A_417 = arith.constant 128 : i32
        %dma_start3A_418 = arith.constant 0 : i32
        %dma_start3A_419 = tpu.memref_slice %arg8[%dma_start3A_417, %dma_start3A_418] : memref<256x64xf32, #tpu.memory_space<vmem>> -> memref<128x64xf32, #tpu.memory_space<vmem>>
        %dma_start3A_420 = arith.constant 128 : i32
        %dma_start3A_421 = tpu.memref_slice %arg6[%dma_start3A_420] : memref<256xi32, #tpu.memory_space<vmem>> -> memref<128xi32, #tpu.memory_space<vmem>>
        %dma_start3A_422 = arith.constant 0 : i32
        %dma_start3A_423 = arith.constant 0 : i32
        %dma_start3A_424 = tpu.memref_slice %arg3[%dma_start3A_422, %dma_start3A_423] : memref<100001x64xf32, #tpu.memory_space<hbm>> -> memref<100001x64xf32, #tpu.memory_space<hbm>>
        tpu.enqueue_indirect_dma source(%dma_start3A_424 : memref<100001x64xf32, #tpu.memory_space<hbm>>) target(%dma_start3A_419 : memref<128x64xf32, #tpu.memory_space<vmem>>) offsets(%dma_start3A_421 : memref<128xi32, #tpu.memory_space<vmem>>) semaphore(%arg12 : memref<!tpu.dma_semaphore, #tpu.memory_space<semaphore_mem>>)
      } else {
      }
      %dma_wait3A_335 = arith.constant 0 : i32
      %dma_wait3A_336 = arith.constant 0 : i32
      %dma_wait3A_337 = tpu.memref_slice %arg9[%dma_wait3A_335, %dma_wait3A_336] : memref<256x64xf32, #tpu.memory_space<vmem>> -> memref<128x64xf32, #tpu.memory_space<vmem>>
      %dma_wait3A_338 = arith.constant 0 : i32
      %dma_wait3A_339 = tpu.memref_slice %arg7[%dma_wait3A_338] : memref<256xi32, #tpu.memory_space<vmem>> -> memref<128xi32, #tpu.memory_space<vmem>>
      %dma_wait3A_340 = arith.constant 0 : i32
      %dma_wait3A_341 = arith.constant 0 : i32
      %dma_wait3A_342 = tpu.memref_slice %arg3[%dma_wait3A_340, %dma_wait3A_341] : memref<100001x64xf32, #tpu.memory_space<hbm>> -> memref<100001x64xf32, #tpu.memory_space<hbm>>
      tpu.wait_indirect_dma semaphore(%arg13 : memref<!tpu.dma_semaphore, #tpu.memory_space<semaphore_mem>>) src(%dma_wait3A_342 : memref<100001x64xf32, #tpu.memory_space<hbm>>) dst(%dma_wait3A_337 : memref<128x64xf32, #tpu.memory_space<vmem>>)
      %dma_wait3A_343 = arith.constant 128 : i32
      %dma_wait3A_344 = arith.constant 0 : i32
      %dma_wait3A_345 = tpu.memref_slice %arg9[%dma_wait3A_343, %dma_wait3A_344] : memref<256x64xf32, #tpu.memory_space<vmem>> -> memref<128x64xf32, #tpu.memory_space<vmem>>
      %dma_wait3A_346 = arith.constant 128 : i32
      %dma_wait3A_347 = tpu.memref_slice %arg7[%dma_wait3A_346] : memref<256xi32, #tpu.memory_space<vmem>> -> memref<128xi32, #tpu.memory_space<vmem>>
      %dma_wait3A_348 = arith.constant 0 : i32
      %dma_wait3A_349 = arith.constant 0 : i32
      %dma_wait3A_350 = tpu.memref_slice %arg3[%dma_wait3A_348, %dma_wait3A_349] : memref<100001x64xf32, #tpu.memory_space<hbm>> -> memref<100001x64xf32, #tpu.memory_space<hbm>>
      tpu.wait_indirect_dma semaphore(%arg13 : memref<!tpu.dma_semaphore, #tpu.memory_space<semaphore_mem>>) src(%dma_wait3A_350 : memref<100001x64xf32, #tpu.memory_space<hbm>>) dst(%dma_wait3A_345 : memref<128x64xf32, #tpu.memory_space<vmem>>)
      %parallel_loop3A_351 = arith.constant 0 : i32
      %parallel_loop3A_352 = arith.constant 128 : i32
      %parallel_loop3A_353 = arith.constant 1 : i32
      scf.for %parallel_loop3A_409 = %parallel_loop3A_351 to %parallel_loop3A_352 step %parallel_loop3A_353  : i32 {
        %parallel_loop3A_410 = arith.constant 0 : i32
        %parallel_loop3A_411 = vector.broadcast %parallel_loop3A_410 : i32 to vector<16xi32>
        %parallel_loop3A_412 = vector.broadcast %parallel_loop3A_409 : i32 to vector<16xi32>
        %parallel_loop3A_413 = arith.addi %parallel_loop3A_411, %parallel_loop3A_412 : vector<16xi32>
        %parallel_loop3A_414 = arith.constant 0 : i32
        %parallel_loop3A_415 = arith.addi %parallel_loop3A_414, %parallel_loop3A_409 : i32
        %parallel_loop3A_416 = arith.index_cast %parallel_loop3A_415 : i32 to index
        %parallel_loop3A_417 = arith.constant 0 : index
        %parallel_loop3A_418 = tpu.vector_load %arg9[%parallel_loop3A_416, %parallel_loop3A_417] {strides = array<i32>} : memref<256x64xf32, #tpu.memory_space<vmem>>, vector<16xf32>,
        %parallel_loop3A_419 = arith.constant 0 : i32
        %parallel_loop3A_420 = vector.broadcast %parallel_loop3A_419 : i32 to vector<16xi32>
        %parallel_loop3A_421 = arith.addi %parallel_loop3A_420, %iota3A : vector<16xi32>
        %parallel_loop3A_422 = arith.constant 8 : i32
        %parallel_loop3A_423 = vector.broadcast %parallel_loop3A_422 : i32 to vector<16xi32>
        %parallel_loop3A_424 = arith.divsi %parallel_loop3A_421, %parallel_loop3A_423 : vector<16xi32>
        %parallel_loop3A_425 = arith.constant 0 : i32
        %parallel_loop3A_426 = vector.broadcast %parallel_loop3A_425 : i32 to vector<16xi32>
        %parallel_loop3A_427 = arith.cmpi sgt, %parallel_loop3A_421, %parallel_loop3A_426 : vector<16xi32>
        %parallel_loop3A_428 = arith.extui %parallel_loop3A_427 : vector<16xi1> to vector<16xi32>
        %parallel_loop3A_429 = arith.constant 0 : i32
        %parallel_loop3A_430 = vector.broadcast %parallel_loop3A_429 : i32 to vector<16xi32>
        %parallel_loop3A_431 = arith.cmpi slt, %parallel_loop3A_421, %parallel_loop3A_430 : vector<16xi32>
        %parallel_loop3A_432 = arith.extui %parallel_loop3A_431 : vector<16xi1> to vector<16xi32>
        %parallel_loop3A_433 = arith.subi %parallel_loop3A_428, %parallel_loop3A_432 : vector<16xi32>
        %parallel_loop3A_434 = arith.constant 0 : i32
        %parallel_loop3A_435 = arith.cmpi sgt, %parallel_loop3A_422, %parallel_loop3A_434 : i32
        %parallel_loop3A_436 = arith.extui %parallel_loop3A_435 : i1 to i32
        %parallel_loop3A_437 = arith.constant 0 : i32
        %parallel_loop3A_438 = arith.cmpi slt, %parallel_loop3A_422, %parallel_loop3A_437 : i32
        %parallel_loop3A_439 = arith.extui %parallel_loop3A_438 : i1 to i32
        %parallel_loop3A_440 = arith.subi %parallel_loop3A_436, %parallel_loop3A_439 : i32
        %parallel_loop3A_441 = vector.broadcast %parallel_loop3A_440 : i32 to vector<16xi32>
        %parallel_loop3A_442 = arith.cmpi ne, %parallel_loop3A_433, %parallel_loop3A_441 : vector<16xi32>
        %parallel_loop3A_443 = vector.broadcast %parallel_loop3A_422 : i32 to vector<16xi32>
        %parallel_loop3A_444 = arith.remsi %parallel_loop3A_421, %parallel_loop3A_443 : vector<16xi32>
        %parallel_loop3A_445 = arith.constant 0 : i32
        %parallel_loop3A_446 = vector.broadcast %parallel_loop3A_445 : i32 to vector<16xi32>
        %parallel_loop3A_447 = arith.cmpi ne, %parallel_loop3A_444, %parallel_loop3A_446 : vector<16xi32>
        %parallel_loop3A_448 = arith.andi %parallel_loop3A_442, %parallel_loop3A_447 : vector<16xi1>
        %parallel_loop3A_449 = arith.constant 1 : i32
        %parallel_loop3A_450 = vector.broadcast %parallel_loop3A_449 : i32 to vector<16xi32>
        %parallel_loop3A_451 = arith.subi %parallel_loop3A_424, %parallel_loop3A_450 : vector<16xi32>
        %parallel_loop3A_452 = arith.select %parallel_loop3A_448, %parallel_loop3A_451, %parallel_loop3A_424 : vector<16xi1>, vector<16xi32>
        %parallel_loop3A_453 = arith.constant 0 : i32
        %parallel_loop3A_454 = vector.broadcast %parallel_loop3A_453 : i32 to vector<16xi32>
        %parallel_loop3A_455 = arith.addi %parallel_loop3A_454, %iota3A : vector<16xi32>
        %parallel_loop3A_456 = arith.constant 8 : i32
        %parallel_loop3A_457 = arith.constant 0 : i32
        %parallel_loop3A_458 = arith.cmpi eq, %parallel_loop3A_456, %parallel_loop3A_457 : i32
        %parallel_loop3A_459 = arith.constant 1 : i32
        %parallel_loop3A_460 = arith.select %parallel_loop3A_458, %parallel_loop3A_459, %parallel_loop3A_456 : i32
        %parallel_loop3A_461 = vector.broadcast %parallel_loop3A_460 : i32 to vector<16xi32>
        %parallel_loop3A_462 = arith.remsi %parallel_loop3A_455, %parallel_loop3A_461 : vector<16xi32>
        %parallel_loop3A_463 = arith.constant 0 : i32
        %parallel_loop3A_464 = vector.broadcast %parallel_loop3A_463 : i32 to vector<16xi32>
        %parallel_loop3A_465 = arith.cmpi ne, %parallel_loop3A_462, %parallel_loop3A_464 : vector<16xi32>
        %parallel_loop3A_466 = arith.constant 0 : i32
        %parallel_loop3A_467 = vector.broadcast %parallel_loop3A_466 : i32 to vector<16xi32>
        %parallel_loop3A_468 = arith.cmpi slt, %parallel_loop3A_462, %parallel_loop3A_467 : vector<16xi32>
        %parallel_loop3A_469 = arith.constant 0 : i32
        %parallel_loop3A_470 = arith.cmpi slt, %parallel_loop3A_460, %parallel_loop3A_469 : i32
        %parallel_loop3A_471 = vector.broadcast %parallel_loop3A_470 : i1 to vector<16xi1>
        %parallel_loop3A_472 = vector.broadcast %parallel_loop3A_471 : vector<16xi1> to vector<16xi1>
        %parallel_loop3A_473 = arith.xori %parallel_loop3A_468, %parallel_loop3A_472 : vector<16xi1>
        %parallel_loop3A_474 = arith.andi %parallel_loop3A_473, %parallel_loop3A_465 : vector<16xi1>
        %parallel_loop3A_475 = vector.broadcast %parallel_loop3A_460 : i32 to vector<16xi32>
        %parallel_loop3A_476 = arith.addi %parallel_loop3A_462, %parallel_loop3A_475 : vector<16xi32>
        %parallel_loop3A_477 = arith.select %parallel_loop3A_474, %parallel_loop3A_476, %parallel_loop3A_462 : vector<16xi1>, vector<16xi32>
        %parallel_loop3A_478 = arith.constant 0 : i32
        %parallel_loop3A_479 = arith.constant 0 : i32
        %parallel_loop3A_480 = arith.constant 0 : i32
        %parallel_loop3A_481 = arith.constant 0 : i32
        %parallel_loop3A_482 = tpu.memref_slice %arg11[%parallel_loop3A_478, %parallel_loop3A_479, %parallel_loop3A_480, %parallel_loop3A_481] : memref<2x8x8x129xf32, #tpu.memory_space<vmem>> -> memref<1x8x8x129xf32, #tpu.memory_space<vmem>>
        %parallel_loop3A_483 = tpu.memref_squeeze %parallel_loop3A_482 : memref<1x8x8x129xf32, #tpu.memory_space<vmem>> -> memref<8x8x129xf32, #tpu.memory_space<vmem>>
        tpu.vector_store_idx %parallel_loop3A_483[%parallel_loop3A_452, %parallel_loop3A_477, %parallel_loop3A_413], %parallel_loop3A_418 : memref<8x8x129xf32, #tpu.memory_space<vmem>>[vector<16xi32>, vector<16xi32>, vector<16xi32>], vector<16xf32>,
        %parallel_loop3A_484 = arith.constant 0 : i32
        %parallel_loop3A_485 = arith.addi %parallel_loop3A_484, %parallel_loop3A_409 : i32
        %parallel_loop3A_486 = arith.index_cast %parallel_loop3A_485 : i32 to index
        %parallel_loop3A_487 = arith.constant 16 : index
        %parallel_loop3A_488 = tpu.vector_load %arg9[%parallel_loop3A_486, %parallel_loop3A_487] {strides = array<i32>} : memref<256x64xf32, #tpu.memory_space<vmem>>, vector<16xf32>,
        %parallel_loop3A_489 = arith.constant 16 : i32
        %parallel_loop3A_490 = vector.broadcast %parallel_loop3A_489 : i32 to vector<16xi32>
        %parallel_loop3A_491 = arith.addi %parallel_loop3A_490, %iota3A : vector<16xi32>
        %parallel_loop3A_492 = arith.constant 8 : i32
        %parallel_loop3A_493 = vector.broadcast %parallel_loop3A_492 : i32 to vector<16xi32>
        %parallel_loop3A_494 = arith.divsi %parallel_loop3A_491, %parallel_loop3A_493 : vector<16xi32>
        %parallel_loop3A_495 = arith.constant 0 : i32
        %parallel_loop3A_496 = vector.broadcast %parallel_loop3A_495 : i32 to vector<16xi32>
        %parallel_loop3A_497 = arith.cmpi sgt, %parallel_loop3A_491, %parallel_loop3A_496 : vector<16xi32>
        %parallel_loop3A_498 = arith.extui %parallel_loop3A_497 : vector<16xi1> to vector<16xi32>
        %parallel_loop3A_499 = arith.constant 0 : i32
        %parallel_loop3A_500 = vector.broadcast %parallel_loop3A_499 : i32 to vector<16xi32>
        %parallel_loop3A_501 = arith.cmpi slt, %parallel_loop3A_491, %parallel_loop3A_500 : vector<16xi32>
        %parallel_loop3A_502 = arith.extui %parallel_loop3A_501 : vector<16xi1> to vector<16xi32>
        %parallel_loop3A_503 = arith.subi %parallel_loop3A_498, %parallel_loop3A_502 : vector<16xi32>
        %parallel_loop3A_504 = arith.constant 0 : i32
        %parallel_loop3A_505 = arith.cmpi sgt, %parallel_loop3A_492, %parallel_loop3A_504 : i32
        %parallel_loop3A_506 = arith.extui %parallel_loop3A_505 : i1 to i32
        %parallel_loop3A_507 = arith.constant 0 : i32
        %parallel_loop3A_508 = arith.cmpi slt, %parallel_loop3A_492, %parallel_loop3A_507 : i32
        %parallel_loop3A_509 = arith.extui %parallel_loop3A_508 : i1 to i32
        %parallel_loop3A_510 = arith.subi %parallel_loop3A_506, %parallel_loop3A_509 : i32
        %parallel_loop3A_511 = vector.broadcast %parallel_loop3A_510 : i32 to vector<16xi32>
        %parallel_loop3A_512 = arith.cmpi ne, %parallel_loop3A_503, %parallel_loop3A_511 : vector<16xi32>
        %parallel_loop3A_513 = vector.broadcast %parallel_loop3A_492 : i32 to vector<16xi32>
        %parallel_loop3A_514 = arith.remsi %parallel_loop3A_491, %parallel_loop3A_513 : vector<16xi32>
        %parallel_loop3A_515 = arith.constant 0 : i32
        %parallel_loop3A_516 = vector.broadcast %parallel_loop3A_515 : i32 to vector<16xi32>
        %parallel_loop3A_517 = arith.cmpi ne, %parallel_loop3A_514, %parallel_loop3A_516 : vector<16xi32>
        %parallel_loop3A_518 = arith.andi %parallel_loop3A_512, %parallel_loop3A_517 : vector<16xi1>
        %parallel_loop3A_519 = arith.constant 1 : i32
        %parallel_loop3A_520 = vector.broadcast %parallel_loop3A_519 : i32 to vector<16xi32>
        %parallel_loop3A_521 = arith.subi %parallel_loop3A_494, %parallel_loop3A_520 : vector<16xi32>
        %parallel_loop3A_522 = arith.select %parallel_loop3A_518, %parallel_loop3A_521, %parallel_loop3A_494 : vector<16xi1>, vector<16xi32>
        %parallel_loop3A_523 = arith.constant 16 : i32
        %parallel_loop3A_524 = vector.broadcast %parallel_loop3A_523 : i32 to vector<16xi32>
        %parallel_loop3A_525 = arith.addi %parallel_loop3A_524, %iota3A : vector<16xi32>
        %parallel_loop3A_526 = arith.constant 8 : i32
        %parallel_loop3A_527 = arith.constant 0 : i32
        %parallel_loop3A_528 = arith.cmpi eq, %parallel_loop3A_526, %parallel_loop3A_527 : i32
        %parallel_loop3A_529 = arith.constant 1 : i32
        %parallel_loop3A_530 = arith.select %parallel_loop3A_528, %parallel_loop3A_529, %parallel_loop3A_526 : i32
        %parallel_loop3A_531 = vector.broadcast %parallel_loop3A_530 : i32 to vector<16xi32>
        %parallel_loop3A_532 = arith.remsi %parallel_loop3A_525, %parallel_loop3A_531 : vector<16xi32>
        %parallel_loop3A_533 = arith.constant 0 : i32
        %parallel_loop3A_534 = vector.broadcast %parallel_loop3A_533 : i32 to vector<16xi32>
        %parallel_loop3A_535 = arith.cmpi ne, %parallel_loop3A_532, %parallel_loop3A_534 : vector<16xi32>
        %parallel_loop3A_536 = arith.constant 0 : i32
        %parallel_loop3A_537 = vector.broadcast %parallel_loop3A_536 : i32 to vector<16xi32>
        %parallel_loop3A_538 = arith.cmpi slt, %parallel_loop3A_532, %parallel_loop3A_537 : vector<16xi32>
        %parallel_loop3A_539 = arith.constant 0 : i32
        %parallel_loop3A_540 = arith.cmpi slt, %parallel_loop3A_530, %parallel_loop3A_539 : i32
        %parallel_loop3A_541 = vector.broadcast %parallel_loop3A_540 : i1 to vector<16xi1>
        %parallel_loop3A_542 = vector.broadcast %parallel_loop3A_541 : vector<16xi1> to vector<16xi1>
        %parallel_loop3A_543 = arith.xori %parallel_loop3A_538, %parallel_loop3A_542 : vector<16xi1>
        %parallel_loop3A_544 = arith.andi %parallel_loop3A_543, %parallel_loop3A_535 : vector<16xi1>
        %parallel_loop3A_545 = vector.broadcast %parallel_loop3A_530 : i32 to vector<16xi32>
        %parallel_loop3A_546 = arith.addi %parallel_loop3A_532, %parallel_loop3A_545 : vector<16xi32>
        %parallel_loop3A_547 = arith.select %parallel_loop3A_544, %parallel_loop3A_546, %parallel_loop3A_532 : vector<16xi1>, vector<16xi32>
        %parallel_loop3A_548 = arith.constant 0 : i32
        %parallel_loop3A_549 = arith.constant 0 : i32
        %parallel_loop3A_550 = arith.constant 0 : i32
        %parallel_loop3A_551 = arith.constant 0 : i32
        %parallel_loop3A_552 = tpu.memref_slice %arg11[%parallel_loop3A_548, %parallel_loop3A_549, %parallel_loop3A_550, %parallel_loop3A_551] : memref<2x8x8x129xf32, #tpu.memory_space<vmem>> -> memref<1x8x8x129xf32, #tpu.memory_space<vmem>>
        %parallel_loop3A_553 = tpu.memref_squeeze %parallel_loop3A_552 : memref<1x8x8x129xf32, #tpu.memory_space<vmem>> -> memref<8x8x129xf32, #tpu.memory_space<vmem>>
        tpu.vector_store_idx %parallel_loop3A_553[%parallel_loop3A_522, %parallel_loop3A_547, %parallel_loop3A_413], %parallel_loop3A_488 : memref<8x8x129xf32, #tpu.memory_space<vmem>>[vector<16xi32>, vector<16xi32>, vector<16xi32>], vector<16xf32>,
        %parallel_loop3A_554 = arith.constant 0 : i32
        %parallel_loop3A_555 = arith.addi %parallel_loop3A_554, %parallel_loop3A_409 : i32
        %parallel_loop3A_556 = arith.index_cast %parallel_loop3A_555 : i32 to index
        %parallel_loop3A_557 = arith.constant 32 : index
        %parallel_loop3A_558 = tpu.vector_load %arg9[%parallel_loop3A_556, %parallel_loop3A_557] {strides = array<i32>} : memref<256x64xf32, #tpu.memory_space<vmem>>, vector<16xf32>,
        %parallel_loop3A_559 = arith.constant 32 : i32
        %parallel_loop3A_560 = vector.broadcast %parallel_loop3A_559 : i32 to vector<16xi32>
        %parallel_loop3A_561 = arith.addi %parallel_loop3A_560, %iota3A : vector<16xi32>
        %parallel_loop3A_562 = arith.constant 8 : i32
        %parallel_loop3A_563 = vector.broadcast %parallel_loop3A_562 : i32 to vector<16xi32>
        %parallel_loop3A_564 = arith.divsi %parallel_loop3A_561, %parallel_loop3A_563 : vector<16xi32>
        %parallel_loop3A_565 = arith.constant 0 : i32
        %parallel_loop3A_566 = vector.broadcast %parallel_loop3A_565 : i32 to vector<16xi32>
        %parallel_loop3A_567 = arith.cmpi sgt, %parallel_loop3A_561, %parallel_loop3A_566 : vector<16xi32>
        %parallel_loop3A_568 = arith.extui %parallel_loop3A_567 : vector<16xi1> to vector<16xi32>
        %parallel_loop3A_569 = arith.constant 0 : i32
        %parallel_loop3A_570 = vector.broadcast %parallel_loop3A_569 : i32 to vector<16xi32>
        %parallel_loop3A_571 = arith.cmpi slt, %parallel_loop3A_561, %parallel_loop3A_570 : vector<16xi32>
        %parallel_loop3A_572 = arith.extui %parallel_loop3A_571 : vector<16xi1> to vector<16xi32>
        %parallel_loop3A_573 = arith.subi %parallel_loop3A_568, %parallel_loop3A_572 : vector<16xi32>
        %parallel_loop3A_574 = arith.constant 0 : i32
        %parallel_loop3A_575 = arith.cmpi sgt, %parallel_loop3A_562, %parallel_loop3A_574 : i32
        %parallel_loop3A_576 = arith.extui %parallel_loop3A_575 : i1 to i32
        %parallel_loop3A_577 = arith.constant 0 : i32
        %parallel_loop3A_578 = arith.cmpi slt, %parallel_loop3A_562, %parallel_loop3A_577 : i32
        %parallel_loop3A_579 = arith.extui %parallel_loop3A_578 : i1 to i32
        %parallel_loop3A_580 = arith.subi %parallel_loop3A_576, %parallel_loop3A_579 : i32
        %parallel_loop3A_581 = vector.broadcast %parallel_loop3A_580 : i32 to vector<16xi32>
        %parallel_loop3A_582 = arith.cmpi ne, %parallel_loop3A_573, %parallel_loop3A_581 : vector<16xi32>
        %parallel_loop3A_583 = vector.broadcast %parallel_loop3A_562 : i32 to vector<16xi32>
        %parallel_loop3A_584 = arith.remsi %parallel_loop3A_561, %parallel_loop3A_583 : vector<16xi32>
        %parallel_loop3A_585 = arith.constant 0 : i32
        %parallel_loop3A_586 = vector.broadcast %parallel_loop3A_585 : i32 to vector<16xi32>
        %parallel_loop3A_587 = arith.cmpi ne, %parallel_loop3A_584, %parallel_loop3A_586 : vector<16xi32>
        %parallel_loop3A_588 = arith.andi %parallel_loop3A_582, %parallel_loop3A_587 : vector<16xi1>
        %parallel_loop3A_589 = arith.constant 1 : i32
        %parallel_loop3A_590 = vector.broadcast %parallel_loop3A_589 : i32 to vector<16xi32>
        %parallel_loop3A_591 = arith.subi %parallel_loop3A_564, %parallel_loop3A_590 : vector<16xi32>
        %parallel_loop3A_592 = arith.select %parallel_loop3A_588, %parallel_loop3A_591, %parallel_loop3A_564 : vector<16xi1>, vector<16xi32>
        %parallel_loop3A_593 = arith.constant 32 : i32
        %parallel_loop3A_594 = vector.broadcast %parallel_loop3A_593 : i32 to vector<16xi32>
        %parallel_loop3A_595 = arith.addi %parallel_loop3A_594, %iota3A : vector<16xi32>
        %parallel_loop3A_596 = arith.constant 8 : i32
        %parallel_loop3A_597 = arith.constant 0 : i32
        %parallel_loop3A_598 = arith.cmpi eq, %parallel_loop3A_596, %parallel_loop3A_597 : i32
        %parallel_loop3A_599 = arith.constant 1 : i32
        %parallel_loop3A_600 = arith.select %parallel_loop3A_598, %parallel_loop3A_599, %parallel_loop3A_596 : i32
        %parallel_loop3A_601 = vector.broadcast %parallel_loop3A_600 : i32 to vector<16xi32>
        %parallel_loop3A_602 = arith.remsi %parallel_loop3A_595, %parallel_loop3A_601 : vector<16xi32>
        %parallel_loop3A_603 = arith.constant 0 : i32
        %parallel_loop3A_604 = vector.broadcast %parallel_loop3A_603 : i32 to vector<16xi32>
        %parallel_loop3A_605 = arith.cmpi ne, %parallel_loop3A_602, %parallel_loop3A_604 : vector<16xi32>
        %parallel_loop3A_606 = arith.constant 0 : i32
        %parallel_loop3A_607 = vector.broadcast %parallel_loop3A_606 : i32 to vector<16xi32>
        %parallel_loop3A_608 = arith.cmpi slt, %parallel_loop3A_602, %parallel_loop3A_607 : vector<16xi32>
        %parallel_loop3A_609 = arith.constant 0 : i32
        %parallel_loop3A_610 = arith.cmpi slt, %parallel_loop3A_600, %parallel_loop3A_609 : i32
        %parallel_loop3A_611 = vector.broadcast %parallel_loop3A_610 : i1 to vector<16xi1>
        %parallel_loop3A_612 = vector.broadcast %parallel_loop3A_611 : vector<16xi1> to vector<16xi1>
        %parallel_loop3A_613 = arith.xori %parallel_loop3A_608, %parallel_loop3A_612 : vector<16xi1>
        %parallel_loop3A_614 = arith.andi %parallel_loop3A_613, %parallel_loop3A_605 : vector<16xi1>
        %parallel_loop3A_615 = vector.broadcast %parallel_loop3A_600 : i32 to vector<16xi32>
        %parallel_loop3A_616 = arith.addi %parallel_loop3A_602, %parallel_loop3A_615 : vector<16xi32>
        %parallel_loop3A_617 = arith.select %parallel_loop3A_614, %parallel_loop3A_616, %parallel_loop3A_602 : vector<16xi1>, vector<16xi32>
        %parallel_loop3A_618 = arith.constant 0 : i32
        %parallel_loop3A_619 = arith.constant 0 : i32
        %parallel_loop3A_620 = arith.constant 0 : i32
        %parallel_loop3A_621 = arith.constant 0 : i32
        %parallel_loop3A_622 = tpu.memref_slice %arg11[%parallel_loop3A_618, %parallel_loop3A_619, %parallel_loop3A_620, %parallel_loop3A_621] : memref<2x8x8x129xf32, #tpu.memory_space<vmem>> -> memref<1x8x8x129xf32, #tpu.memory_space<vmem>>
        %parallel_loop3A_623 = tpu.memref_squeeze %parallel_loop3A_622 : memref<1x8x8x129xf32, #tpu.memory_space<vmem>> -> memref<8x8x129xf32, #tpu.memory_space<vmem>>
        tpu.vector_store_idx %parallel_loop3A_623[%parallel_loop3A_592, %parallel_loop3A_617, %parallel_loop3A_413], %parallel_loop3A_558 : memref<8x8x129xf32, #tpu.memory_space<vmem>>[vector<16xi32>, vector<16xi32>, vector<16xi32>], vector<16xf32>,
        %parallel_loop3A_624 = arith.constant 0 : i32
        %parallel_loop3A_625 = arith.addi %parallel_loop3A_624, %parallel_loop3A_409 : i32
        %parallel_loop3A_626 = arith.index_cast %parallel_loop3A_625 : i32 to index
        %parallel_loop3A_627 = arith.constant 48 : index
        %parallel_loop3A_628 = tpu.vector_load %arg9[%parallel_loop3A_626, %parallel_loop3A_627] {strides = array<i32>} : memref<256x64xf32, #tpu.memory_space<vmem>>, vector<16xf32>,
        %parallel_loop3A_629 = arith.constant 48 : i32
        %parallel_loop3A_630 = vector.broadcast %parallel_loop3A_629 : i32 to vector<16xi32>
        %parallel_loop3A_631 = arith.addi %parallel_loop3A_630, %iota3A : vector<16xi32>
        %parallel_loop3A_632 = arith.constant 8 : i32
        %parallel_loop3A_633 = vector.broadcast %parallel_loop3A_632 : i32 to vector<16xi32>
        %parallel_loop3A_634 = arith.divsi %parallel_loop3A_631, %parallel_loop3A_633 : vector<16xi32>
        %parallel_loop3A_635 = arith.constant 0 : i32
        %parallel_loop3A_636 = vector.broadcast %parallel_loop3A_635 : i32 to vector<16xi32>
        %parallel_loop3A_637 = arith.cmpi sgt, %parallel_loop3A_631, %parallel_loop3A_636 : vector<16xi32>
        %parallel_loop3A_638 = arith.extui %parallel_loop3A_637 : vector<16xi1> to vector<16xi32>
        %parallel_loop3A_639 = arith.constant 0 : i32
        %parallel_loop3A_640 = vector.broadcast %parallel_loop3A_639 : i32 to vector<16xi32>
        %parallel_loop3A_641 = arith.cmpi slt, %parallel_loop3A_631, %parallel_loop3A_640 : vector<16xi32>
        %parallel_loop3A_642 = arith.extui %parallel_loop3A_641 : vector<16xi1> to vector<16xi32>
        %parallel_loop3A_643 = arith.subi %parallel_loop3A_638, %parallel_loop3A_642 : vector<16xi32>
        %parallel_loop3A_644 = arith.constant 0 : i32
        %parallel_loop3A_645 = arith.cmpi sgt, %parallel_loop3A_632, %parallel_loop3A_644 : i32
        %parallel_loop3A_646 = arith.extui %parallel_loop3A_645 : i1 to i32
        %parallel_loop3A_647 = arith.constant 0 : i32
        %parallel_loop3A_648 = arith.cmpi slt, %parallel_loop3A_632, %parallel_loop3A_647 : i32
        %parallel_loop3A_649 = arith.extui %parallel_loop3A_648 : i1 to i32
        %parallel_loop3A_650 = arith.subi %parallel_loop3A_646, %parallel_loop3A_649 : i32
        %parallel_loop3A_651 = vector.broadcast %parallel_loop3A_650 : i32 to vector<16xi32>
        %parallel_loop3A_652 = arith.cmpi ne, %parallel_loop3A_643, %parallel_loop3A_651 : vector<16xi32>
        %parallel_loop3A_653 = vector.broadcast %parallel_loop3A_632 : i32 to vector<16xi32>
        %parallel_loop3A_654 = arith.remsi %parallel_loop3A_631, %parallel_loop3A_653 : vector<16xi32>
        %parallel_loop3A_655 = arith.constant 0 : i32
        %parallel_loop3A_656 = vector.broadcast %parallel_loop3A_655 : i32 to vector<16xi32>
        %parallel_loop3A_657 = arith.cmpi ne, %parallel_loop3A_654, %parallel_loop3A_656 : vector<16xi32>
        %parallel_loop3A_658 = arith.andi %parallel_loop3A_652, %parallel_loop3A_657 : vector<16xi1>
        %parallel_loop3A_659 = arith.constant 1 : i32
        %parallel_loop3A_660 = vector.broadcast %parallel_loop3A_659 : i32 to vector<16xi32>
        %parallel_loop3A_661 = arith.subi %parallel_loop3A_634, %parallel_loop3A_660 : vector<16xi32>
        %parallel_loop3A_662 = arith.select %parallel_loop3A_658, %parallel_loop3A_661, %parallel_loop3A_634 : vector<16xi1>, vector<16xi32>
        %parallel_loop3A_663 = arith.constant 48 : i32
        %parallel_loop3A_664 = vector.broadcast %parallel_loop3A_663 : i32 to vector<16xi32>
        %parallel_loop3A_665 = arith.addi %parallel_loop3A_664, %iota3A : vector<16xi32>
        %parallel_loop3A_666 = arith.constant 8 : i32
        %parallel_loop3A_667 = arith.constant 0 : i32
        %parallel_loop3A_668 = arith.cmpi eq, %parallel_loop3A_666, %parallel_loop3A_667 : i32
        %parallel_loop3A_669 = arith.constant 1 : i32
        %parallel_loop3A_670 = arith.select %parallel_loop3A_668, %parallel_loop3A_669, %parallel_loop3A_666 : i32
        %parallel_loop3A_671 = vector.broadcast %parallel_loop3A_670 : i32 to vector<16xi32>
        %parallel_loop3A_672 = arith.remsi %parallel_loop3A_665, %parallel_loop3A_671 : vector<16xi32>
        %parallel_loop3A_673 = arith.constant 0 : i32
        %parallel_loop3A_674 = vector.broadcast %parallel_loop3A_673 : i32 to vector<16xi32>
        %parallel_loop3A_675 = arith.cmpi ne, %parallel_loop3A_672, %parallel_loop3A_674 : vector<16xi32>
        %parallel_loop3A_676 = arith.constant 0 : i32
        %parallel_loop3A_677 = vector.broadcast %parallel_loop3A_676 : i32 to vector<16xi32>
        %parallel_loop3A_678 = arith.cmpi slt, %parallel_loop3A_672, %parallel_loop3A_677 : vector<16xi32>
        %parallel_loop3A_679 = arith.constant 0 : i32
        %parallel_loop3A_680 = arith.cmpi slt, %parallel_loop3A_670, %parallel_loop3A_679 : i32
        %parallel_loop3A_681 = vector.broadcast %parallel_loop3A_680 : i1 to vector<16xi1>
        %parallel_loop3A_682 = vector.broadcast %parallel_loop3A_681 : vector<16xi1> to vector<16xi1>
        %parallel_loop3A_683 = arith.xori %parallel_loop3A_678, %parallel_loop3A_682 : vector<16xi1>
        %parallel_loop3A_684 = arith.andi %parallel_loop3A_683, %parallel_loop3A_675 : vector<16xi1>
        %parallel_loop3A_685 = vector.broadcast %parallel_loop3A_670 : i32 to vector<16xi32>
        %parallel_loop3A_686 = arith.addi %parallel_loop3A_672, %parallel_loop3A_685 : vector<16xi32>
        %parallel_loop3A_687 = arith.select %parallel_loop3A_684, %parallel_loop3A_686, %parallel_loop3A_672 : vector<16xi1>, vector<16xi32>
        %parallel_loop3A_688 = arith.constant 0 : i32
        %parallel_loop3A_689 = arith.constant 0 : i32
        %parallel_loop3A_690 = arith.constant 0 : i32
        %parallel_loop3A_691 = arith.constant 0 : i32
        %parallel_loop3A_692 = tpu.memref_slice %arg11[%parallel_loop3A_688, %parallel_loop3A_689, %parallel_loop3A_690, %parallel_loop3A_691] : memref<2x8x8x129xf32, #tpu.memory_space<vmem>> -> memref<1x8x8x129xf32, #tpu.memory_space<vmem>>
        %parallel_loop3A_693 = tpu.memref_squeeze %parallel_loop3A_692 : memref<1x8x8x129xf32, #tpu.memory_space<vmem>> -> memref<8x8x129xf32, #tpu.memory_space<vmem>>
        tpu.vector_store_idx %parallel_loop3A_693[%parallel_loop3A_662, %parallel_loop3A_687, %parallel_loop3A_413], %parallel_loop3A_628 : memref<8x8x129xf32, #tpu.memory_space<vmem>>[vector<16xi32>, vector<16xi32>, vector<16xi32>], vector<16xf32>,
      } {sc.loop_unroll_factor = 4 : i64, sc.parallel_access}
      %parallel_loop3A_354 = arith.constant 0 : i32
      %parallel_loop3A_355 = arith.constant 128 : i32
      %parallel_loop3A_356 = arith.constant 1 : i32
      scf.for %parallel_loop3A_409 = %parallel_loop3A_354 to %parallel_loop3A_355 step %parallel_loop3A_356  : i32 {
        %parallel_loop3A_410 = arith.constant 0 : i32
        %parallel_loop3A_411 = vector.broadcast %parallel_loop3A_410 : i32 to vector<16xi32>
        %parallel_loop3A_412 = vector.broadcast %parallel_loop3A_409 : i32 to vector<16xi32>
        %parallel_loop3A_413 = arith.addi %parallel_loop3A_411, %parallel_loop3A_412 : vector<16xi32>
        %parallel_loop3A_414 = arith.constant 128 : i32
        %parallel_loop3A_415 = arith.addi %parallel_loop3A_414, %parallel_loop3A_409 : i32
        %parallel_loop3A_416 = arith.index_cast %parallel_loop3A_415 : i32 to index
        %parallel_loop3A_417 = arith.constant 0 : index
        %parallel_loop3A_418 = tpu.vector_load %arg9[%parallel_loop3A_416, %parallel_loop3A_417] {strides = array<i32>} : memref<256x64xf32, #tpu.memory_space<vmem>>, vector<16xf32>,
        %parallel_loop3A_419 = arith.constant 0 : i32
        %parallel_loop3A_420 = vector.broadcast %parallel_loop3A_419 : i32 to vector<16xi32>
        %parallel_loop3A_421 = arith.addi %parallel_loop3A_420, %iota3A : vector<16xi32>
        %parallel_loop3A_422 = arith.constant 8 : i32
        %parallel_loop3A_423 = vector.broadcast %parallel_loop3A_422 : i32 to vector<16xi32>
        %parallel_loop3A_424 = arith.divsi %parallel_loop3A_421, %parallel_loop3A_423 : vector<16xi32>
        %parallel_loop3A_425 = arith.constant 0 : i32
        %parallel_loop3A_426 = vector.broadcast %parallel_loop3A_425 : i32 to vector<16xi32>
        %parallel_loop3A_427 = arith.cmpi sgt, %parallel_loop3A_421, %parallel_loop3A_426 : vector<16xi32>
        %parallel_loop3A_428 = arith.extui %parallel_loop3A_427 : vector<16xi1> to vector<16xi32>
        %parallel_loop3A_429 = arith.constant 0 : i32
        %parallel_loop3A_430 = vector.broadcast %parallel_loop3A_429 : i32 to vector<16xi32>
        %parallel_loop3A_431 = arith.cmpi slt, %parallel_loop3A_421, %parallel_loop3A_430 : vector<16xi32>
        %parallel_loop3A_432 = arith.extui %parallel_loop3A_431 : vector<16xi1> to vector<16xi32>
        %parallel_loop3A_433 = arith.subi %parallel_loop3A_428, %parallel_loop3A_432 : vector<16xi32>
        %parallel_loop3A_434 = arith.constant 0 : i32
        %parallel_loop3A_435 = arith.cmpi sgt, %parallel_loop3A_422, %parallel_loop3A_434 : i32
        %parallel_loop3A_436 = arith.extui %parallel_loop3A_435 : i1 to i32
        %parallel_loop3A_437 = arith.constant 0 : i32
        %parallel_loop3A_438 = arith.cmpi slt, %parallel_loop3A_422, %parallel_loop3A_437 : i32
        %parallel_loop3A_439 = arith.extui %parallel_loop3A_438 : i1 to i32
        %parallel_loop3A_440 = arith.subi %parallel_loop3A_436, %parallel_loop3A_439 : i32
        %parallel_loop3A_441 = vector.broadcast %parallel_loop3A_440 : i32 to vector<16xi32>
        %parallel_loop3A_442 = arith.cmpi ne, %parallel_loop3A_433, %parallel_loop3A_441 : vector<16xi32>
        %parallel_loop3A_443 = vector.broadcast %parallel_loop3A_422 : i32 to vector<16xi32>
        %parallel_loop3A_444 = arith.remsi %parallel_loop3A_421, %parallel_loop3A_443 : vector<16xi32>
        %parallel_loop3A_445 = arith.constant 0 : i32
        %parallel_loop3A_446 = vector.broadcast %parallel_loop3A_445 : i32 to vector<16xi32>
        %parallel_loop3A_447 = arith.cmpi ne, %parallel_loop3A_444, %parallel_loop3A_446 : vector<16xi32>
        %parallel_loop3A_448 = arith.andi %parallel_loop3A_442, %parallel_loop3A_447 : vector<16xi1>
        %parallel_loop3A_449 = arith.constant 1 : i32
        %parallel_loop3A_450 = vector.broadcast %parallel_loop3A_449 : i32 to vector<16xi32>
        %parallel_loop3A_451 = arith.subi %parallel_loop3A_424, %parallel_loop3A_450 : vector<16xi32>
        %parallel_loop3A_452 = arith.select %parallel_loop3A_448, %parallel_loop3A_451, %parallel_loop3A_424 : vector<16xi1>, vector<16xi32>
        %parallel_loop3A_453 = arith.constant 0 : i32
        %parallel_loop3A_454 = vector.broadcast %parallel_loop3A_453 : i32 to vector<16xi32>
        %parallel_loop3A_455 = arith.addi %parallel_loop3A_454, %iota3A : vector<16xi32>
        %parallel_loop3A_456 = arith.constant 8 : i32
        %parallel_loop3A_457 = arith.constant 0 : i32
        %parallel_loop3A_458 = arith.cmpi eq, %parallel_loop3A_456, %parallel_loop3A_457 : i32
        %parallel_loop3A_459 = arith.constant 1 : i32
        %parallel_loop3A_460 = arith.select %parallel_loop3A_458, %parallel_loop3A_459, %parallel_loop3A_456 : i32
        %parallel_loop3A_461 = vector.broadcast %parallel_loop3A_460 : i32 to vector<16xi32>
        %parallel_loop3A_462 = arith.remsi %parallel_loop3A_455, %parallel_loop3A_461 : vector<16xi32>
        %parallel_loop3A_463 = arith.constant 0 : i32
        %parallel_loop3A_464 = vector.broadcast %parallel_loop3A_463 : i32 to vector<16xi32>
        %parallel_loop3A_465 = arith.cmpi ne, %parallel_loop3A_462, %parallel_loop3A_464 : vector<16xi32>
        %parallel_loop3A_466 = arith.constant 0 : i32
        %parallel_loop3A_467 = vector.broadcast %parallel_loop3A_466 : i32 to vector<16xi32>
        %parallel_loop3A_468 = arith.cmpi slt, %parallel_loop3A_462, %parallel_loop3A_467 : vector<16xi32>
        %parallel_loop3A_469 = arith.constant 0 : i32
        %parallel_loop3A_470 = arith.cmpi slt, %parallel_loop3A_460, %parallel_loop3A_469 : i32
        %parallel_loop3A_471 = vector.broadcast %parallel_loop3A_470 : i1 to vector<16xi1>
        %parallel_loop3A_472 = vector.broadcast %parallel_loop3A_471 : vector<16xi1> to vector<16xi1>
        %parallel_loop3A_473 = arith.xori %parallel_loop3A_468, %parallel_loop3A_472 : vector<16xi1>
        %parallel_loop3A_474 = arith.andi %parallel_loop3A_473, %parallel_loop3A_465 : vector<16xi1>
        %parallel_loop3A_475 = vector.broadcast %parallel_loop3A_460 : i32 to vector<16xi32>
        %parallel_loop3A_476 = arith.addi %parallel_loop3A_462, %parallel_loop3A_475 : vector<16xi32>
        %parallel_loop3A_477 = arith.select %parallel_loop3A_474, %parallel_loop3A_476, %parallel_loop3A_462 : vector<16xi1>, vector<16xi32>
        %parallel_loop3A_478 = arith.constant 1 : i32
        %parallel_loop3A_479 = arith.constant 0 : i32
        %parallel_loop3A_480 = arith.constant 0 : i32
        %parallel_loop3A_481 = arith.constant 0 : i32
        %parallel_loop3A_482 = tpu.memref_slice %arg11[%parallel_loop3A_478, %parallel_loop3A_479, %parallel_loop3A_480, %parallel_loop3A_481] : memref<2x8x8x129xf32, #tpu.memory_space<vmem>> -> memref<1x8x8x129xf32, #tpu.memory_space<vmem>>
        %parallel_loop3A_483 = tpu.memref_squeeze %parallel_loop3A_482 : memref<1x8x8x129xf32, #tpu.memory_space<vmem>> -> memref<8x8x129xf32, #tpu.memory_space<vmem>>
        tpu.vector_store_idx %parallel_loop3A_483[%parallel_loop3A_452, %parallel_loop3A_477, %parallel_loop3A_413], %parallel_loop3A_418 : memref<8x8x129xf32, #tpu.memory_space<vmem>>[vector<16xi32>, vector<16xi32>, vector<16xi32>], vector<16xf32>,
        %parallel_loop3A_484 = arith.constant 128 : i32
        %parallel_loop3A_485 = arith.addi %parallel_loop3A_484, %parallel_loop3A_409 : i32
        %parallel_loop3A_486 = arith.index_cast %parallel_loop3A_485 : i32 to index
        %parallel_loop3A_487 = arith.constant 16 : index
        %parallel_loop3A_488 = tpu.vector_load %arg9[%parallel_loop3A_486, %parallel_loop3A_487] {strides = array<i32>} : memref<256x64xf32, #tpu.memory_space<vmem>>, vector<16xf32>,
        %parallel_loop3A_489 = arith.constant 16 : i32
        %parallel_loop3A_490 = vector.broadcast %parallel_loop3A_489 : i32 to vector<16xi32>
        %parallel_loop3A_491 = arith.addi %parallel_loop3A_490, %iota3A : vector<16xi32>
        %parallel_loop3A_492 = arith.constant 8 : i32
        %parallel_loop3A_493 = vector.broadcast %parallel_loop3A_492 : i32 to vector<16xi32>
        %parallel_loop3A_494 = arith.divsi %parallel_loop3A_491, %parallel_loop3A_493 : vector<16xi32>
        %parallel_loop3A_495 = arith.constant 0 : i32
        %parallel_loop3A_496 = vector.broadcast %parallel_loop3A_495 : i32 to vector<16xi32>
        %parallel_loop3A_497 = arith.cmpi sgt, %parallel_loop3A_491, %parallel_loop3A_496 : vector<16xi32>
        %parallel_loop3A_498 = arith.extui %parallel_loop3A_497 : vector<16xi1> to vector<16xi32>
        %parallel_loop3A_499 = arith.constant 0 : i32
        %parallel_loop3A_500 = vector.broadcast %parallel_loop3A_499 : i32 to vector<16xi32>
        %parallel_loop3A_501 = arith.cmpi slt, %parallel_loop3A_491, %parallel_loop3A_500 : vector<16xi32>
        %parallel_loop3A_502 = arith.extui %parallel_loop3A_501 : vector<16xi1> to vector<16xi32>
        %parallel_loop3A_503 = arith.subi %parallel_loop3A_498, %parallel_loop3A_502 : vector<16xi32>
        %parallel_loop3A_504 = arith.constant 0 : i32
        %parallel_loop3A_505 = arith.cmpi sgt, %parallel_loop3A_492, %parallel_loop3A_504 : i32
        %parallel_loop3A_506 = arith.extui %parallel_loop3A_505 : i1 to i32
        %parallel_loop3A_507 = arith.constant 0 : i32
        %parallel_loop3A_508 = arith.cmpi slt, %parallel_loop3A_492, %parallel_loop3A_507 : i32
        %parallel_loop3A_509 = arith.extui %parallel_loop3A_508 : i1 to i32
        %parallel_loop3A_510 = arith.subi %parallel_loop3A_506, %parallel_loop3A_509 : i32
        %parallel_loop3A_511 = vector.broadcast %parallel_loop3A_510 : i32 to vector<16xi32>
        %parallel_loop3A_512 = arith.cmpi ne, %parallel_loop3A_503, %parallel_loop3A_511 : vector<16xi32>
        %parallel_loop3A_513 = vector.broadcast %parallel_loop3A_492 : i32 to vector<16xi32>
        %parallel_loop3A_514 = arith.remsi %parallel_loop3A_491, %parallel_loop3A_513 : vector<16xi32>
        %parallel_loop3A_515 = arith.constant 0 : i32
        %parallel_loop3A_516 = vector.broadcast %parallel_loop3A_515 : i32 to vector<16xi32>
        %parallel_loop3A_517 = arith.cmpi ne, %parallel_loop3A_514, %parallel_loop3A_516 : vector<16xi32>
        %parallel_loop3A_518 = arith.andi %parallel_loop3A_512, %parallel_loop3A_517 : vector<16xi1>
        %parallel_loop3A_519 = arith.constant 1 : i32
        %parallel_loop3A_520 = vector.broadcast %parallel_loop3A_519 : i32 to vector<16xi32>
        %parallel_loop3A_521 = arith.subi %parallel_loop3A_494, %parallel_loop3A_520 : vector<16xi32>
        %parallel_loop3A_522 = arith.select %parallel_loop3A_518, %parallel_loop3A_521, %parallel_loop3A_494 : vector<16xi1>, vector<16xi32>
        %parallel_loop3A_523 = arith.constant 16 : i32
        %parallel_loop3A_524 = vector.broadcast %parallel_loop3A_523 : i32 to vector<16xi32>
        %parallel_loop3A_525 = arith.addi %parallel_loop3A_524, %iota3A : vector<16xi32>
        %parallel_loop3A_526 = arith.constant 8 : i32
        %parallel_loop3A_527 = arith.constant 0 : i32
        %parallel_loop3A_528 = arith.cmpi eq, %parallel_loop3A_526, %parallel_loop3A_527 : i32
        %parallel_loop3A_529 = arith.constant 1 : i32
        %parallel_loop3A_530 = arith.select %parallel_loop3A_528, %parallel_loop3A_529, %parallel_loop3A_526 : i32
        %parallel_loop3A_531 = vector.broadcast %parallel_loop3A_530 : i32 to vector<16xi32>
        %parallel_loop3A_532 = arith.remsi %parallel_loop3A_525, %parallel_loop3A_531 : vector<16xi32>
        %parallel_loop3A_533 = arith.constant 0 : i32
        %parallel_loop3A_534 = vector.broadcast %parallel_loop3A_533 : i32 to vector<16xi32>
        %parallel_loop3A_535 = arith.cmpi ne, %parallel_loop3A_532, %parallel_loop3A_534 : vector<16xi32>
        %parallel_loop3A_536 = arith.constant 0 : i32
        %parallel_loop3A_537 = vector.broadcast %parallel_loop3A_536 : i32 to vector<16xi32>
        %parallel_loop3A_538 = arith.cmpi slt, %parallel_loop3A_532, %parallel_loop3A_537 : vector<16xi32>
        %parallel_loop3A_539 = arith.constant 0 : i32
        %parallel_loop3A_540 = arith.cmpi slt, %parallel_loop3A_530, %parallel_loop3A_539 : i32
        %parallel_loop3A_541 = vector.broadcast %parallel_loop3A_540 : i1 to vector<16xi1>
        %parallel_loop3A_542 = vector.broadcast %parallel_loop3A_541 : vector<16xi1> to vector<16xi1>
        %parallel_loop3A_543 = arith.xori %parallel_loop3A_538, %parallel_loop3A_542 : vector<16xi1>
        %parallel_loop3A_544 = arith.andi %parallel_loop3A_543, %parallel_loop3A_535 : vector<16xi1>
        %parallel_loop3A_545 = vector.broadcast %parallel_loop3A_530 : i32 to vector<16xi32>
        %parallel_loop3A_546 = arith.addi %parallel_loop3A_532, %parallel_loop3A_545 : vector<16xi32>
        %parallel_loop3A_547 = arith.select %parallel_loop3A_544, %parallel_loop3A_546, %parallel_loop3A_532 : vector<16xi1>, vector<16xi32>
        %parallel_loop3A_548 = arith.constant 1 : i32
        %parallel_loop3A_549 = arith.constant 0 : i32
        %parallel_loop3A_550 = arith.constant 0 : i32
        %parallel_loop3A_551 = arith.constant 0 : i32
        %parallel_loop3A_552 = tpu.memref_slice %arg11[%parallel_loop3A_548, %parallel_loop3A_549, %parallel_loop3A_550, %parallel_loop3A_551] : memref<2x8x8x129xf32, #tpu.memory_space<vmem>> -> memref<1x8x8x129xf32, #tpu.memory_space<vmem>>
        %parallel_loop3A_553 = tpu.memref_squeeze %parallel_loop3A_552 : memref<1x8x8x129xf32, #tpu.memory_space<vmem>> -> memref<8x8x129xf32, #tpu.memory_space<vmem>>
        tpu.vector_store_idx %parallel_loop3A_553[%parallel_loop3A_522, %parallel_loop3A_547, %parallel_loop3A_413], %parallel_loop3A_488 : memref<8x8x129xf32, #tpu.memory_space<vmem>>[vector<16xi32>, vector<16xi32>, vector<16xi32>], vector<16xf32>,
        %parallel_loop3A_554 = arith.constant 128 : i32
        %parallel_loop3A_555 = arith.addi %parallel_loop3A_554, %parallel_loop3A_409 : i32
        %parallel_loop3A_556 = arith.index_cast %parallel_loop3A_555 : i32 to index
        %parallel_loop3A_557 = arith.constant 32 : index
        %parallel_loop3A_558 = tpu.vector_load %arg9[%parallel_loop3A_556, %parallel_loop3A_557] {strides = array<i32>} : memref<256x64xf32, #tpu.memory_space<vmem>>, vector<16xf32>,
        %parallel_loop3A_559 = arith.constant 32 : i32
        %parallel_loop3A_560 = vector.broadcast %parallel_loop3A_559 : i32 to vector<16xi32>
        %parallel_loop3A_561 = arith.addi %parallel_loop3A_560, %iota3A : vector<16xi32>
        %parallel_loop3A_562 = arith.constant 8 : i32
        %parallel_loop3A_563 = vector.broadcast %parallel_loop3A_562 : i32 to vector<16xi32>
        %parallel_loop3A_564 = arith.divsi %parallel_loop3A_561, %parallel_loop3A_563 : vector<16xi32>
        %parallel_loop3A_565 = arith.constant 0 : i32
        %parallel_loop3A_566 = vector.broadcast %parallel_loop3A_565 : i32 to vector<16xi32>
        %parallel_loop3A_567 = arith.cmpi sgt, %parallel_loop3A_561, %parallel_loop3A_566 : vector<16xi32>
        %parallel_loop3A_568 = arith.extui %parallel_loop3A_567 : vector<16xi1> to vector<16xi32>
        %parallel_loop3A_569 = arith.constant 0 : i32
        %parallel_loop3A_570 = vector.broadcast %parallel_loop3A_569 : i32 to vector<16xi32>
        %parallel_loop3A_571 = arith.cmpi slt, %parallel_loop3A_561, %parallel_loop3A_570 : vector<16xi32>
        %parallel_loop3A_572 = arith.extui %parallel_loop3A_571 : vector<16xi1> to vector<16xi32>
        %parallel_loop3A_573 = arith.subi %parallel_loop3A_568, %parallel_loop3A_572 : vector<16xi32>
        %parallel_loop3A_574 = arith.constant 0 : i32
        %parallel_loop3A_575 = arith.cmpi sgt, %parallel_loop3A_562, %parallel_loop3A_574 : i32
        %parallel_loop3A_576 = arith.extui %parallel_loop3A_575 : i1 to i32
        %parallel_loop3A_577 = arith.constant 0 : i32
        %parallel_loop3A_578 = arith.cmpi slt, %parallel_loop3A_562, %parallel_loop3A_577 : i32
        %parallel_loop3A_579 = arith.extui %parallel_loop3A_578 : i1 to i32
        %parallel_loop3A_580 = arith.subi %parallel_loop3A_576, %parallel_loop3A_579 : i32
        %parallel_loop3A_581 = vector.broadcast %parallel_loop3A_580 : i32 to vector<16xi32>
        %parallel_loop3A_582 = arith.cmpi ne, %parallel_loop3A_573, %parallel_loop3A_581 : vector<16xi32>
        %parallel_loop3A_583 = vector.broadcast %parallel_loop3A_562 : i32 to vector<16xi32>
        %parallel_loop3A_584 = arith.remsi %parallel_loop3A_561, %parallel_loop3A_583 : vector<16xi32>
        %parallel_loop3A_585 = arith.constant 0 : i32
        %parallel_loop3A_586 = vector.broadcast %parallel_loop3A_585 : i32 to vector<16xi32>
        %parallel_loop3A_587 = arith.cmpi ne, %parallel_loop3A_584, %parallel_loop3A_586 : vector<16xi32>
        %parallel_loop3A_588 = arith.andi %parallel_loop3A_582, %parallel_loop3A_587 : vector<16xi1>
        %parallel_loop3A_589 = arith.constant 1 : i32
        %parallel_loop3A_590 = vector.broadcast %parallel_loop3A_589 : i32 to vector<16xi32>
        %parallel_loop3A_591 = arith.subi %parallel_loop3A_564, %parallel_loop3A_590 : vector<16xi32>
        %parallel_loop3A_592 = arith.select %parallel_loop3A_588, %parallel_loop3A_591, %parallel_loop3A_564 : vector<16xi1>, vector<16xi32>
        %parallel_loop3A_593 = arith.constant 32 : i32
        %parallel_loop3A_594 = vector.broadcast %parallel_loop3A_593 : i32 to vector<16xi32>
        %parallel_loop3A_595 = arith.addi %parallel_loop3A_594, %iota3A : vector<16xi32>
        %parallel_loop3A_596 = arith.constant 8 : i32
        %parallel_loop3A_597 = arith.constant 0 : i32
        %parallel_loop3A_598 = arith.cmpi eq, %parallel_loop3A_596, %parallel_loop3A_597 : i32
        %parallel_loop3A_599 = arith.constant 1 : i32
        %parallel_loop3A_600 = arith.select %parallel_loop3A_598, %parallel_loop3A_599, %parallel_loop3A_596 : i32
        %parallel_loop3A_601 = vector.broadcast %parallel_loop3A_600 : i32 to vector<16xi32>
        %parallel_loop3A_602 = arith.remsi %parallel_loop3A_595, %parallel_loop3A_601 : vector<16xi32>
        %parallel_loop3A_603 = arith.constant 0 : i32
        %parallel_loop3A_604 = vector.broadcast %parallel_loop3A_603 : i32 to vector<16xi32>
        %parallel_loop3A_605 = arith.cmpi ne, %parallel_loop3A_602, %parallel_loop3A_604 : vector<16xi32>
        %parallel_loop3A_606 = arith.constant 0 : i32
        %parallel_loop3A_607 = vector.broadcast %parallel_loop3A_606 : i32 to vector<16xi32>
        %parallel_loop3A_608 = arith.cmpi slt, %parallel_loop3A_602, %parallel_loop3A_607 : vector<16xi32>
        %parallel_loop3A_609 = arith.constant 0 : i32
        %parallel_loop3A_610 = arith.cmpi slt, %parallel_loop3A_600, %parallel_loop3A_609 : i32
        %parallel_loop3A_611 = vector.broadcast %parallel_loop3A_610 : i1 to vector<16xi1>
        %parallel_loop3A_612 = vector.broadcast %parallel_loop3A_611 : vector<16xi1> to vector<16xi1>
        %parallel_loop3A_613 = arith.xori %parallel_loop3A_608, %parallel_loop3A_612 : vector<16xi1>
        %parallel_loop3A_614 = arith.andi %parallel_loop3A_613, %parallel_loop3A_605 : vector<16xi1>
        %parallel_loop3A_615 = vector.broadcast %parallel_loop3A_600 : i32 to vector<16xi32>
        %parallel_loop3A_616 = arith.addi %parallel_loop3A_602, %parallel_loop3A_615 : vector<16xi32>
        %parallel_loop3A_617 = arith.select %parallel_loop3A_614, %parallel_loop3A_616, %parallel_loop3A_602 : vector<16xi1>, vector<16xi32>
        %parallel_loop3A_618 = arith.constant 1 : i32
        %parallel_loop3A_619 = arith.constant 0 : i32
        %parallel_loop3A_620 = arith.constant 0 : i32
        %parallel_loop3A_621 = arith.constant 0 : i32
        %parallel_loop3A_622 = tpu.memref_slice %arg11[%parallel_loop3A_618, %parallel_loop3A_619, %parallel_loop3A_620, %parallel_loop3A_621] : memref<2x8x8x129xf32, #tpu.memory_space<vmem>> -> memref<1x8x8x129xf32, #tpu.memory_space<vmem>>
        %parallel_loop3A_623 = tpu.memref_squeeze %parallel_loop3A_622 : memref<1x8x8x129xf32, #tpu.memory_space<vmem>> -> memref<8x8x129xf32, #tpu.memory_space<vmem>>
        tpu.vector_store_idx %parallel_loop3A_623[%parallel_loop3A_592, %parallel_loop3A_617, %parallel_loop3A_413], %parallel_loop3A_558 : memref<8x8x129xf32, #tpu.memory_space<vmem>>[vector<16xi32>, vector<16xi32>, vector<16xi32>], vector<16xf32>,
        %parallel_loop3A_624 = arith.constant 128 : i32
        %parallel_loop3A_625 = arith.addi %parallel_loop3A_624, %parallel_loop3A_409 : i32
        %parallel_loop3A_626 = arith.index_cast %parallel_loop3A_625 : i32 to index
        %parallel_loop3A_627 = arith.constant 48 : index
        %parallel_loop3A_628 = tpu.vector_load %arg9[%parallel_loop3A_626, %parallel_loop3A_627] {strides = array<i32>} : memref<256x64xf32, #tpu.memory_space<vmem>>, vector<16xf32>,
        %parallel_loop3A_629 = arith.constant 48 : i32
        %parallel_loop3A_630 = vector.broadcast %parallel_loop3A_629 : i32 to vector<16xi32>
        %parallel_loop3A_631 = arith.addi %parallel_loop3A_630, %iota3A : vector<16xi32>
        %parallel_loop3A_632 = arith.constant 8 : i32
        %parallel_loop3A_633 = vector.broadcast %parallel_loop3A_632 : i32 to vector<16xi32>
        %parallel_loop3A_634 = arith.divsi %parallel_loop3A_631, %parallel_loop3A_633 : vector<16xi32>
        %parallel_loop3A_635 = arith.constant 0 : i32
        %parallel_loop3A_636 = vector.broadcast %parallel_loop3A_635 : i32 to vector<16xi32>
        %parallel_loop3A_637 = arith.cmpi sgt, %parallel_loop3A_631, %parallel_loop3A_636 : vector<16xi32>
        %parallel_loop3A_638 = arith.extui %parallel_loop3A_637 : vector<16xi1> to vector<16xi32>
        %parallel_loop3A_639 = arith.constant 0 : i32
        %parallel_loop3A_640 = vector.broadcast %parallel_loop3A_639 : i32 to vector<16xi32>
        %parallel_loop3A_641 = arith.cmpi slt, %parallel_loop3A_631, %parallel_loop3A_640 : vector<16xi32>
        %parallel_loop3A_642 = arith.extui %parallel_loop3A_641 : vector<16xi1> to vector<16xi32>
        %parallel_loop3A_643 = arith.subi %parallel_loop3A_638, %parallel_loop3A_642 : vector<16xi32>
        %parallel_loop3A_644 = arith.constant 0 : i32
        %parallel_loop3A_645 = arith.cmpi sgt, %parallel_loop3A_632, %parallel_loop3A_644 : i32
        %parallel_loop3A_646 = arith.extui %parallel_loop3A_645 : i1 to i32
        %parallel_loop3A_647 = arith.constant 0 : i32
        %parallel_loop3A_648 = arith.cmpi slt, %parallel_loop3A_632, %parallel_loop3A_647 : i32
        %parallel_loop3A_649 = arith.extui %parallel_loop3A_648 : i1 to i32
        %parallel_loop3A_650 = arith.subi %parallel_loop3A_646, %parallel_loop3A_649 : i32
        %parallel_loop3A_651 = vector.broadcast %parallel_loop3A_650 : i32 to vector<16xi32>
        %parallel_loop3A_652 = arith.cmpi ne, %parallel_loop3A_643, %parallel_loop3A_651 : vector<16xi32>
        %parallel_loop3A_653 = vector.broadcast %parallel_loop3A_632 : i32 to vector<16xi32>
        %parallel_loop3A_654 = arith.remsi %parallel_loop3A_631, %parallel_loop3A_653 : vector<16xi32>
        %parallel_loop3A_655 = arith.constant 0 : i32
        %parallel_loop3A_656 = vector.broadcast %parallel_loop3A_655 : i32 to vector<16xi32>
        %parallel_loop3A_657 = arith.cmpi ne, %parallel_loop3A_654, %parallel_loop3A_656 : vector<16xi32>
        %parallel_loop3A_658 = arith.andi %parallel_loop3A_652, %parallel_loop3A_657 : vector<16xi1>
        %parallel_loop3A_659 = arith.constant 1 : i32
        %parallel_loop3A_660 = vector.broadcast %parallel_loop3A_659 : i32 to vector<16xi32>
        %parallel_loop3A_661 = arith.subi %parallel_loop3A_634, %parallel_loop3A_660 : vector<16xi32>
        %parallel_loop3A_662 = arith.select %parallel_loop3A_658, %parallel_loop3A_661, %parallel_loop3A_634 : vector<16xi1>, vector<16xi32>
        %parallel_loop3A_663 = arith.constant 48 : i32
        %parallel_loop3A_664 = vector.broadcast %parallel_loop3A_663 : i32 to vector<16xi32>
        %parallel_loop3A_665 = arith.addi %parallel_loop3A_664, %iota3A : vector<16xi32>
        %parallel_loop3A_666 = arith.constant 8 : i32
        %parallel_loop3A_667 = arith.constant 0 : i32
        %parallel_loop3A_668 = arith.cmpi eq, %parallel_loop3A_666, %parallel_loop3A_667 : i32
        %parallel_loop3A_669 = arith.constant 1 : i32
        %parallel_loop3A_670 = arith.select %parallel_loop3A_668, %parallel_loop3A_669, %parallel_loop3A_666 : i32
        %parallel_loop3A_671 = vector.broadcast %parallel_loop3A_670 : i32 to vector<16xi32>
        %parallel_loop3A_672 = arith.remsi %parallel_loop3A_665, %parallel_loop3A_671 : vector<16xi32>
        %parallel_loop3A_673 = arith.constant 0 : i32
        %parallel_loop3A_674 = vector.broadcast %parallel_loop3A_673 : i32 to vector<16xi32>
        %parallel_loop3A_675 = arith.cmpi ne, %parallel_loop3A_672, %parallel_loop3A_674 : vector<16xi32>
        %parallel_loop3A_676 = arith.constant 0 : i32
        %parallel_loop3A_677 = vector.broadcast %parallel_loop3A_676 : i32 to vector<16xi32>
        %parallel_loop3A_678 = arith.cmpi slt, %parallel_loop3A_672, %parallel_loop3A_677 : vector<16xi32>
        %parallel_loop3A_679 = arith.constant 0 : i32
        %parallel_loop3A_680 = arith.cmpi slt, %parallel_loop3A_670, %parallel_loop3A_679 : i32
        %parallel_loop3A_681 = vector.broadcast %parallel_loop3A_680 : i1 to vector<16xi1>
        %parallel_loop3A_682 = vector.broadcast %parallel_loop3A_681 : vector<16xi1> to vector<16xi1>
        %parallel_loop3A_683 = arith.xori %parallel_loop3A_678, %parallel_loop3A_682 : vector<16xi1>
        %parallel_loop3A_684 = arith.andi %parallel_loop3A_683, %parallel_loop3A_675 : vector<16xi1>
        %parallel_loop3A_685 = vector.broadcast %parallel_loop3A_670 : i32 to vector<16xi32>
        %parallel_loop3A_686 = arith.addi %parallel_loop3A_672, %parallel_loop3A_685 : vector<16xi32>
        %parallel_loop3A_687 = arith.select %parallel_loop3A_684, %parallel_loop3A_686, %parallel_loop3A_672 : vector<16xi1>, vector<16xi32>
        %parallel_loop3A_688 = arith.constant 1 : i32
        %parallel_loop3A_689 = arith.constant 0 : i32
        %parallel_loop3A_690 = arith.constant 0 : i32
        %parallel_loop3A_691 = arith.constant 0 : i32
        %parallel_loop3A_692 = tpu.memref_slice %arg11[%parallel_loop3A_688, %parallel_loop3A_689, %parallel_loop3A_690, %parallel_loop3A_691] : memref<2x8x8x129xf32, #tpu.memory_space<vmem>> -> memref<1x8x8x129xf32, #tpu.memory_space<vmem>>
        %parallel_loop3A_693 = tpu.memref_squeeze %parallel_loop3A_692 : memref<1x8x8x129xf32, #tpu.memory_space<vmem>> -> memref<8x8x129xf32, #tpu.memory_space<vmem>>
        tpu.vector_store_idx %parallel_loop3A_693[%parallel_loop3A_662, %parallel_loop3A_687, %parallel_loop3A_413], %parallel_loop3A_628 : memref<8x8x129xf32, #tpu.memory_space<vmem>>[vector<16xi32>, vector<16xi32>, vector<16xi32>], vector<16xf32>,
      } {sc.loop_unroll_factor = 4 : i64, sc.parallel_access}
      %jit3A_357 = arith.constant 100 : i32
      %div3A_358 = arith.divsi %add3A_315, %jit3A_357 : i32
      %sign3A_359 = arith.constant 0 : i32
      %sign3A_360 = arith.cmpi sgt, %add3A_315, %sign3A_359 : i32
      %sign3A_361 = arith.extui %sign3A_360 : i1 to i32
      %sign3A_362 = arith.constant 0 : i32
      %sign3A_363 = arith.cmpi slt, %add3A_315, %sign3A_362 : i32
      %sign3A_364 = arith.extui %sign3A_363 : i1 to i32
      %sign3A_365 = arith.subi %sign3A_361, %sign3A_364 : i32
      %sign3A_366 = arith.constant 0 : i32
      %sign3A_367 = arith.cmpi sgt, %jit3A_357, %sign3A_366 : i32
      %sign3A_368 = arith.extui %sign3A_367 : i1 to i32
      %sign3A_369 = arith.constant 0 : i32
      %sign3A_370 = arith.cmpi slt, %jit3A_357, %sign3A_369 : i32
      %sign3A_371 = arith.extui %sign3A_370 : i1 to i32
      %sign3A_372 = arith.subi %sign3A_368, %sign3A_371 : i32
      %ne3A_373 = arith.cmpi ne, %sign3A_365, %sign3A_372 : i32
      %rem3A_374 = arith.remsi %add3A_315, %jit3A_357 : i32
      %ne3A_375 = arith.constant 0 : i32
      %ne3A_376 = arith.cmpi ne, %rem3A_374, %ne3A_375 : i32
      %and3A_377 = arith.andi %ne3A_373, %ne3A_376 : i1
      %sub3A_378 = arith.constant 1 : i32
      %sub3A_379 = arith.subi %div3A_358, %sub3A_378 : i32
      %select_n3A_380 = arith.select %and3A_377, %sub3A_379, %div3A_358 : i32
      %mul3A_381 = arith.constant 100 : i32
      %mul3A_382 = arith.muli %select_n3A_380, %mul3A_381 : i32
      %sub3A_383 = arith.subi %add3A_315, %mul3A_382 : i32
      %mul3A_384 = arith.constant 4 : i32
      %mul3A_385 = arith.muli %add3A, %mul3A_384 : i32
      %add3A_386 = arith.addi %mul3A_385, %select_n3A_380 : i32
      %mul3A_387 = arith.constant 2 : i32
      %mul3A_388 = arith.muli %sub3A_383, %mul3A_387 : i32
      %dma_start3A_389 = arith.constant 0 : i32
      %dma_start3A_390 = arith.constant 0 : i32
      %dma_start3A_391 = arith.constant 0 : i32
      %dma_start3A_392 = arith.constant 0 : i32
      %dma_start3A_393 = tpu.memref_slice %arg11[%dma_start3A_389, %dma_start3A_390, %dma_start3A_391, %dma_start3A_392] : memref<2x8x8x129xf32, #tpu.memory_space<vmem>> -> memref<2x8x8x128xf32, #tpu.memory_space<vmem>>
      %dma_start3A_394 = arith.constant 0 : i32
      %dma_start3A_395 = arith.constant 0 : i32
      %dma_start3A_396 = arith.constant 0 : i32
      %dma_start3A_397 = tpu.memref_slice %arg4[%mul3A_388, %dma_start3A_394, %add3A_386, %dma_start3A_395, %dma_start3A_396] : memref<200x8x128x8x128xf32, #tpu.memory_space<hbm>> -> memref<2x8x1x8x128xf32, #tpu.memory_space<hbm>>
      %dma_start3A_398 = tpu.memref_squeeze %dma_start3A_397 : memref<2x8x1x8x128xf32, #tpu.memory_space<hbm>> -> memref<2x8x8x128xf32, #tpu.memory_space<hbm>>
      %dma_start3A_399 = arith.constant 0 : i32
      %dma_start3A_400 = arith.constant 0 : i32
      %dma_start3A_401 = arith.constant 0 : i32
      %dma_start3A_402 = tpu.memref_slice %arg4[%mul3A_388, %dma_start3A_399, %add3A_386, %dma_start3A_400, %dma_start3A_401] : memref<200x8x128x8x128xf32, #tpu.memory_space<hbm>> -> memref<2x8x1x8x128xf32, #tpu.memory_space<hbm>>
      %dma_start3A_403 = tpu.memref_squeeze %dma_start3A_402 : memref<2x8x1x8x128xf32, #tpu.memory_space<hbm>> -> memref<2x8x8x128xf32, #tpu.memory_space<hbm>>
      %dma_start3A_404 = arith.constant 0 : i32
      %dma_start3A_405 = arith.constant 0 : i32
      %dma_start3A_406 = arith.constant 0 : i32
      %dma_start3A_407 = arith.constant 0 : i32
      %dma_start3A_408 = tpu.memref_slice %arg11[%dma_start3A_404, %dma_start3A_405, %dma_start3A_406, %dma_start3A_407] : memref<2x8x8x129xf32, #tpu.memory_space<vmem>> -> memref<2x8x8x128xf32, #tpu.memory_space<vmem>>
      tpu.enqueue_dma source(%dma_start3A_408 : memref<2x8x8x128xf32, #tpu.memory_space<vmem>>) target(%dma_start3A_403 : memref<2x8x8x128xf32, #tpu.memory_space<hbm>>) target_semaphore(%arg15 : memref<!tpu.dma_semaphore, #tpu.memory_space<semaphore_mem>>)
    }
    %scan3A_201 = arith.constant 200 : i32
    %mul3A_202 = arith.constant 4 : i32
    %mul3A_203 = arith.muli %add3A, %mul3A_202 : i32
    %add3A_204 = arith.constant 3 : i32
    %add3A_205 = arith.addi %mul3A_203, %add3A_204 : i32
    %dma_wait3A = arith.constant 0 : i32
    %dma_wait3A_206 = arith.constant 0 : i32
    %dma_wait3A_207 = arith.constant 0 : i32
    %dma_wait3A_208 = arith.constant 0 : i32
    %dma_wait3A_209 = tpu.memref_slice %arg11[%dma_wait3A, %dma_wait3A_206, %dma_wait3A_207, %dma_wait3A_208] : memref<2x8x8x129xf32, #tpu.memory_space<vmem>> -> memref<2x8x8x128xf32, #tpu.memory_space<vmem>>
    %dma_wait3A_210 = arith.constant 198 : i32
    %dma_wait3A_211 = arith.constant 0 : i32
    %dma_wait3A_212 = arith.constant 0 : i32
    %dma_wait3A_213 = arith.constant 0 : i32
    %dma_wait3A_214 = tpu.memref_slice %arg4[%dma_wait3A_210, %dma_wait3A_211, %add3A_205, %dma_wait3A_212, %dma_wait3A_213] : memref<200x8x128x8x128xf32, #tpu.memory_space<hbm>> -> memref<2x8x1x8x128xf32, #tpu.memory_space<hbm>>
    %dma_wait3A_215 = tpu.memref_squeeze %dma_wait3A_214 : memref<2x8x1x8x128xf32, #tpu.memory_space<hbm>> -> memref<2x8x8x128xf32, #tpu.memory_space<hbm>>
    %dma_wait3A_216 = arith.constant 198 : i32
    %dma_wait3A_217 = arith.constant 0 : i32
    %dma_wait3A_218 = arith.constant 0 : i32
    %dma_wait3A_219 = arith.constant 0 : i32
    %dma_wait3A_220 = tpu.memref_slice %arg4[%dma_wait3A_216, %dma_wait3A_217, %add3A_205, %dma_wait3A_218, %dma_wait3A_219] : memref<200x8x128x8x128xf32, #tpu.memory_space<hbm>> -> memref<2x8x1x8x128xf32, #tpu.memory_space<hbm>>
    %dma_wait3A_221 = tpu.memref_squeeze %dma_wait3A_220 : memref<2x8x1x8x128xf32, #tpu.memory_space<hbm>> -> memref<2x8x8x128xf32, #tpu.memory_space<hbm>>
    %dma_wait3A_222 = arith.constant 0 : i32
    %dma_wait3A_223 = arith.constant 0 : i32
    %dma_wait3A_224 = arith.constant 0 : i32
    %dma_wait3A_225 = arith.constant 0 : i32
    %dma_wait3A_226 = tpu.memref_slice %arg11[%dma_wait3A_222, %dma_wait3A_223, %dma_wait3A_224, %dma_wait3A_225] : memref<2x8x8x129xf32, #tpu.memory_space<vmem>> -> memref<2x8x8x128xf32, #tpu.memory_space<vmem>>
    tpu.wait_dma2 semaphore(%arg15 : memref<!tpu.dma_semaphore, #tpu.memory_space<semaphore_mem>>) src(%dma_wait3A_226 : memref<2x8x8x128xf32, #tpu.memory_space<vmem>>) dst(%dma_wait3A_221 : memref<2x8x8x128xf32, #tpu.memory_space<hbm>>)
    return
  }
}

</mosaic_0001>

<sc_bundles>
// kernel: _sc_embed.3.cloned.1.call-start
scs
__scs_entry_jumppad:
0x0: {  	(pc) =	sbr.rel $0x88, $3  }
0x1: {  	(tag) =	ssettag $0x0;
	lr =	simm.s32 $0x1  }
0x2: {  	[smem:$0x3F9F] =	sst lr;
	_ =	strace $0xD0000000  }
0x3: {  	_ = 	snop  }
0x4: {  	_ = 	snop  }
0x5: {  	_ = 	snop  }
0x6: {  	_ = 	snop  }
0x7: {  	_ = 	snop  }
__scs_overlays_trampoline_lowered:
0x8: {  	[smem:$0x3FAE] =	sst s0  }
0x9: {  	[smem:$0x3FAF] =	sst s1  }
0xa: {  	[smem:$0x3FB0] =	sst s2  }
0xb: {  	[smem:$0x3FB1] =	sst s3  }
0xc: {  	[smem:$0x3FB2] =	sst s4  }
0xd: {  	[smem:$0x3FB3] =	sst s5  }
0xe: {  	[smem:$0x3FB4] =	sst s6  }
0xf: {  	[smem:$0x3FB5] =	sst s7  }
0x10: {  	[smem:$0x3FB6] =	sst s8  }
0x11: {  	[smem:$0x3FB7] =	sst s9;
	s0 =	simm.s32 @!p0 $0x0  }
0x12: {  	s1 =	sld [smem:$0x3F9D];
	s0 =	simm.s32 @p0 $0x1  }
0x13: {  	[smem:$0x3FB8] =	sst s0;
	s0 =	simm.s32 @!p1 $0x0  }
0x14: {  	s2 =	sld [smem:$0x3F9C];
	s0 =	simm.s32 @p1 $0x1  }
0x15: {  	[smem:$0x3FB9] =	sst s0;
	s0 =	simm.s32 @!p2 $0x0  }
0x16: {  	s3 =	sld [smem:$0x3FDB];
	s0 =	simm.s32 @p2 $0x1  }
0x17: {  	s4 =	simm.s32 $0x1BF5;
	[smem:$0x3FBB] =	sst s0  }
0x18: {  	s0 =	sld [smem:$0x3F9E];
	_ =	swait.ge [sflag:s4], $0x0  }
0x19: {  	s7 =	sld [smem:$0x3F9F]  }
0x1a: {  	s8 =	sadd.s32 $0xFFFFE003, lr  }
0x1b: {  	s9 =	sadd.s32 $0xFFFFFEF7, lr;
	s5 =	simm.s32 $0xFFFFFFFF;
	p2 =	slt.u32 s8, $0xFFFFF086  }
0x1c: {  	p1 =	slt.u32 s9, $0xF7A;
	s5 =	simm.s32 @!p2 $0x0  }
0x1d: {  	s5 =	simm.s32 @p1 $0x1;
	p0 =	seq.s32 s7, s2  }
0x1e: {  	s7 =	smul.u32 @!p0 $0xF7A, s2;
	p2 =	seq.s32 @!p0 s5, $0x0  }
0x1f: {  	s9 =	smul.u32 $0xF7A, s1;
	s8 =	simm.s32 @!p0 $0x1BF5;
	p2 =	por !p2, p0  }
0x20: {  	[sflag:s8] =	ssyncset.s32 @!p0 $0xFFFFF086;
	s6 =	sadd.s32 @!p0 s3, s7;
	s7 =	simm.s32 @!p0 $0x108  }
0x21: {  	s3 =	sadd.s32 s3, s9;
	s6 =	sadd.s32 @!p0 $0x88, s6;
	s7 =	simm.s32 @p2 $0x1082  }
0x22: {  	[simem:s7], [sflag:s8] =	dma.local @!p0 [hbm:s6], $0xF7A  }
0x23: {  	s9 =	sor.u32 $0xD0000000, s2;
	s6 =	simm.s32 $0x108;
	_ =	swait.ge @!p0 [sflag:s8], $0x0  }
0x24: {  	s3 =	sadd.s32 $0x88, s3;
	s6 =	simm.s32 @!p1 $0x1082;
	[sflag:s4] =	ssyncset.s32 $0xFFFFF086  }
0x25: {  	[simem:s6], [sflag:s4] =	dma.local [hbm:s3], $0xF7A  }
0x26: {  	[smem:$0x3F9F] =	sst s1;
	(tag) =	ssettag s2;
	_ =	strace s9  }
0x27: {  	s1 =	sld [smem:$0x3FAF]  }
0x28: {  	s2 =	sld [smem:$0x3FB0]  }
0x29: {  	s4 =	sld [smem:$0x3FB2]  }
0x2a: {  	p0 =	seq.s32 s5, $0x0;
	s5 =	sld [smem:$0x3FB3]  }
0x2b: {  	s6 =	sld [smem:$0x3FB4]  }
0x2c: {  	s7 =	sld [smem:$0x3FB5]  }
0x2d: {  	s3 =	simm.s32 $0x108;
	s8 =	sld [smem:$0x3FB6]  }
0x2e: {  	s3 =	simm.s32 @!p0 $0x1082;
	s9 =	sld [smem:$0x3FB7]  }
0x2f: {  	lr =	sadd.s32 s0, s3;
	s0 =	sld [smem:$0x3FAE]  }
0x30: {  	s3 =	sld [smem:$0x3FB1]  }
0x31: {  	[smem:$0x3FBA] =	sst s10  }
0x32: {  	s10 =	sld [smem:$0x3FB8];
	_ =	sdelay $0x3  }
0x33: {  	p0 =	seq.s32 s10, $0x1;
	s10 =	sld [smem:$0x3FBA];
	_ =	sdelay $0x3  }
0x34: {  	[smem:$0x3FBA] =	sst s10  }
0x35: {  	s10 =	sld [smem:$0x3FB9];
	_ =	sdelay $0x3  }
0x36: {  	p1 =	seq.s32 s10, $0x1;
	s10 =	sld [smem:$0x3FBA];
	_ =	sdelay $0x3  }
0x37: {  	[smem:$0x3FBA] =	sst s10  }
0x38: {  	s10 =	sld [smem:$0x3FBB]  }
0x39: {  	_ = 	snop;
	(pc) =	sbr.ind lr, $3  }
0x3a: {  	_ = 	snop  }
0x3b: {  	_ = 	snop  }
0x3c: {  	p2 =	seq.s32 s10, $0x1;
	s10 =	sld [smem:$0x3FBA]  }
0x3d: {  	_ =	shalt  }
0x3e: {  	_ =	shalt  }
0x3f: {  	_ =	shalt  }
0x40: {  	_ =	shalt  }
0x41: {  	_ =	shalt  }
0x42: {  	_ =	shalt  }
0x43: {  	_ =	shalt  }
0x44: {  	_ =	shalt  }
0x45: {  	_ =	shalt  }
0x46: {  	_ =	shalt  }
0x47: {  	_ =	shalt  }
0x48: {  	_ =	shalt  }
0x49: {  	_ =	shalt  }
0x4a: {  	_ =	shalt  }
0x4b: {  	_ =	shalt  }
0x4c: {  	_ =	shalt  }
0x4d: {  	_ =	shalt  }
0x4e: {  	_ =	shalt  }
0x4f: {  	_ =	shalt  }
0x50: {  	_ =	shalt  }
0x51: {  	_ =	shalt  }
0x52: {  	_ =	shalt  }
0x53: {  	_ =	shalt  }
0x54: {  	_ =	shalt  }
0x55: {  	_ =	shalt  }
0x56: {  	_ =	shalt  }
0x57: {  	_ =	shalt  }
0x58: {  	_ =	shalt  }
0x59: {  	_ =	shalt  }
0x5a: {  	_ =	shalt  }
0x5b: {  	_ =	shalt  }
0x5c: {  	_ =	shalt  }
0x5d: {  	_ =	shalt  }
0x5e: {  	_ =	shalt  }
0x5f: {  	_ =	shalt  }
0x60: {  	_ =	shalt  }
0x61: {  	_ =	shalt  }
0x62: {  	_ =	shalt  }
0x63: {  	_ =	shalt  }
0x64: {  	_ =	shalt  }
0x65: {  	_ =	shalt  }
0x66: {  	_ =	shalt  }
0x67: {  	_ =	shalt  }
0x68: {  	_ =	shalt  }
0x69: {  	_ =	shalt  }
0x6a: {  	_ =	shalt  }
0x6b: {  	_ =	shalt  }
0x6c: {  	_ =	shalt  }
0x6d: {  	_ =	shalt  }
0x6e: {  	_ =	shalt  }
0x6f: {  	_ =	shalt  }
0x70: {  	_ =	shalt  }
0x71: {  	_ =	shalt  }
0x72: {  	_ =	shalt  }
0x73: {  	_ =	shalt  }
0x74: {  	_ =	shalt  }
0x75: {  	_ =	shalt  }
0x76: {  	_ =	shalt  }
0x77: {  	_ =	shalt  }
0x78: {  	_ =	shalt  }
0x79: {  	_ =	shalt  }
0x7a: {  	_ =	shalt  }
0x7b: {  	_ =	shalt  }
0x7c: {  	_ =	shalt  }
0x7d: {  	_ =	shalt  }
0x7e: {  	_ =	shalt  }
0x7f: {  	_ =	shalt  }
0x80: {  	_ =	shalt  }
0x81: {  	_ =	shalt  }
0x82: {  	_ =	shalt  }
0x83: {  	_ =	shalt  }
0x84: {  	_ =	shalt  }
0x85: {  	_ =	shalt  }
0x86: {  	_ =	shalt  }
0x87: {  	_ =	shalt  }
.Lfunc_end0:
.L_simem_size_0:
called_computation_lowered:
.L_overlay_start_0:
0x88: {  	s2 =	sld [smem:$0x3FD9]  }
0x89: {  	s3 =	sld [smem:$0x3FFE];
	_ =	sdelay $0x1  }
0x8a: {  	s1 =	srdreg.scid  }
0x8b: {  	s0 =	sand.u32 $0x1, s1  }
0x8c: {  	s17 =	sshll.u32 s0, $0xA;
	s2 =	sadd.s32 s3, s2  }
0x8d: {  	s2 =	sadd.s32 s2, s17  }
0x8e: {  	[smem:$0x3FC6] =	sst s2  }
0x8f: {  	_ = 	snop  }
0x90: {  	s2 =	sld [smem:$0x3FC9]  }
0x91: {  	s18 =	sld [smem:$0x3FD0];
	(tm) =	ssettm $0x1  }
0x92: {  	s4 =	sld [smem:$0x3FFB];
	_ =	sdelay $0x3  }
0x93: {  	_ =	strace s4  }
0x94: {  	s4 =	sld [smem:$0x3FFC];
	_ =	sdelay $0x3  }
0x95: {  	_ =	strace s4  }
0x96: {  	s4 =	sld [smem:$0x3FFD];
	_ =	sdelay $0x3  }
0x97: {  	_ =	strace s4  }
0x98: {  	_ =	strace $0x8FFFFFFF  }
0x99: {  	s19 =	sld [smem:$0x3FDB];
	_ =	sdelay $0x1  }
0x9a: {  	s5 =	simm.s32 $_scs_section_size  }
0x9b: {  	s6 =	simm.s32 $_size__tile_overlayer_lowered;
	s7 =	simm.s32 $_tile_overlayer_lowered  }
0x9c: {  	s22 =	simm.s32 $0x1BFF;
	s21 =	sshll.u32 s7, $0x1;
	s4 =	sadd.s32 s5, s19  }
0x9d: {  	s8 =	simm.s32 $0x0;
	s20 =	sshll.u32 s6, $0x1;
	s6 =	sadd.s32 s21, s4  }
0x9e: {  	[timem:s8], [sflag:s22] =	dma.local [hbm:s6], s20  }
0x9f: {  	_ =	swait.ge [sflag:s22], s20  }
0xa0: {  	s5 =	ssub.s32 $0x0, s20;
	[sflag:s22] =	ssyncset.done $0x0  }
0xa1: {  	[sflag:s22] =	ssyncadd.s32 s5;
	_ =	sdelay $0x1  }
0xa2: {  	s23 =	simm.s32 $0x1B8B  }
0xa3: {  	_ =	swait.ge [sflag:s23], $0x1  }
0xa4: {  	[sflag:s23] =	ssyncset.done $0x0  }
0xa5: {  	s25 =	simm.s32 $0x1B8E;
	s24 =	sld [smem:$0x3FFE];
	[sflag:s23] =	ssyncadd.s32 $0xFFFFFFFF  }
0xa6: {  	s26 =	simm.s32 $execute0_lowered;
	[smem:$0x3FD2] =	sst s25  }
0xa7: {  	s6 =	sshll.u32 s26, $0x1;
	_ =	strace $0x80000046;
	[dreg:$0x1] =	wrdreg $0xFFFFFFFF  }
0xa8: {  	s28 =	simm.s32 $_size_execute0_lowered;
	s4 =	sadd.s32 s4, s6;
	[dreg:$0x0] =	wrdreg $0x0  }
0xa9: {  	s6 =	sshll.u32 s28, $0x1;
	[dreg:$0x2] =	wrdreg s4  }
0xaa: {  	[dreg:$0x3] =	wrdreg s6  }
0xab: {  	[dreg:$0x4] =	wrdreg $0xC0  }
0xac: {  	_ =	task [dreg:s8], $0x5FFFF  }
0xad: {  	[dreg:$0x1] =	wrdreg $0xFFFFFFFF  }
0xae: {  	[dreg:$0x0] =	wrdreg $0x60  }
0xaf: {  	[dreg:$0x2] =	wrdreg s2  }
0xb0: {  	[dreg:$0x3] =	wrdreg s24  }
0xb1: {  	[dreg:$0x4] =	wrdreg s18  }
0xb2: {  	[dreg:$0x5] =	wrdreg $0x9  }
0xb3: {  	_ =	task.clear_ibuf [dreg:s8], $0x6FFFF;
	_ =	strace $0x90000046  }
0xb4: {  	s29 =	simm.s32 $0x9;
	_ =	strace $0x80000048  }
0xb5: {  	_ =	swait.ge [sflag:s29], $0x1  }
0xb6: {  	[sflag:s29] =	ssyncadd.s32 $0xFFFFFFFF  }
0xb7: {  	_ =	strace $0x90000048  }
0xb8: {  	_ =	sfence  }
0xb9: {  	s30 =	sld [smem:$0x0];
	_ =	sdelay $0x2  }
0xba: {  	s31 =	sshll.u32 s1, $0xD;
	s1 =	sshrl.u32 s1, $0x2  }
0xbb: {  	s3 =	sand.u32 $0x4000, s31;
	s1 =	sadd.s32 s1, s30  }
0xbc: {  	s0 =	sor.u32 s3, s0;
	s1 =	sshll.u32 s1, $0x11  }
0xbd: {  	s0 =	sor.u32 s1, s0  }
0xbe: {  	s0 =	sadd.s32 $0x8F2B, s0  }
0xbf: {  	[sflag:s0] =	ssyncadd.remote.s32 $0x1  }
0xc0: {  	_ =	sfence.sel $0xFFFF  }
0xc1: {  	[dreg:$0x0] =	wrdreg $0xFFFFFFFF;
	(pc) =	sbr.abs _section_cstart, $3  }
0xc2: {  	[dreg:$0x1] =	wrdreg $0xFFFFFFFF  }
0xc3: {  	_ =	task.clear_ibuf [dreg:s8], $0x2FFFF;
	_ =	strace $0x9FFFFFFF  }
0xc4: {  	(tm) =	ssettm $0x7FFFFFFF  }
0xc5: {  	_ =	shalt  }
tec
execute0_lowered:
.L_overlay_start_1:
0x0: {  	(tag) =	ssettag $0x1  }
0x1: {  	s1 =	rddreg [dreg:$0x0]  }
0x2: {  	s0 =	rddreg [dreg:$0x1]  }
0x3: {  	s3 =	rddreg [dreg:$0x2];
	s2 =	srdreg.scid;
	s4 =	simm.s32 $0x0  }
0x4: {  	s5 =	stileid.u32;
	s12 =	simm.s32 $0x80;
	s13 =	simm.s32 $0x6400  }
0x5: {  	s14 =	simm.s32 $0x6600;
	s15 =	simm.s32 $0x6480;
	s16 =	simm.s32 $0x8600  }
0x6: {  	s17 =	simm.s32 $0x6500;
	s18 =	simm.s32 $0xA600;
	s19 =	simm.s32 $0x6580  }
0x7: {  	s20 =	simm.s32 $0xC600;
	s21 =	simm.s32 $0x1;
	s22 =	simm.s32 $0xE600  }
0x8: {  	s23 =	simm.s32 $0x10800;
	s24 =	simm.s32 $0x3;
	s2 =	sand.u32 $0x1, s2  }
0x9: {  	s5 =	sshll.u32 s5, $0x3;
	s6 =	ssub.s32 $0x2, s2;
	s2 =	sshll.u32 s2, $0x2  }
0xa: {  	s25 =	simm.s32 $0x2;
	s28 =	simm.s32 $0x14C00;
	s5 =	sor.u32 s2, s5  }
0xb: {  	v0 =	vlaneseq.u32;
	[smem:$0x7FF] =	sst s4;
	s7 =	sshrl.u32 s6, $0x1;
	s29 =	sshll.u32 s5, $0x7  }
0xc: {  	v0 =	vmul.u32 $0x88, v0;
	_ =	strace $0x80000047;
	s26 =	ssub.s32 s6, s7;
	s30 =	sadd.s32 s1, s29  }
0xd: {  	s2 =	simm.s32 $0x0;
	s31 =	smax.u32 s26, $0x1;
	[dreg:$0x4] =	wrdreg s30  }
0xe: {  	v1 =	vadd.s32 $0x880, v0;
	v2 =	vadd.s32 $0x1100, v0;
	v3 =	vadd.s32 $0x1980, v0;
	s6 =	sadd.s32 $0x400, s0;
	s26 =	simm.s32 $0x12A00;
	[dreg:$0x5] =	wrdreg s31  }
.LBB2_1:
0xf: {  	[dreg:$0x6] =	wrdreg s2  }
0x10: {  	s0 =	rddreg [dreg:$0x4]  }
0x11: {  	s1 =	simm.s32 $0x400;
	s29 =	simm.s32 $0x20000;
	s30 =	simm.s32 $0x5  }
0x12: {  	[tilespmem:s4], [sflag:$0x5] =	stream.strided.gather [hbm4b:s0+s1], $0x6400, s29, s1, $0x38;
	[tilespmem:$0x16E00] =	vst v63  }
0x13: {  	_ =	swait.ge [sflag:s30], $0x6400  }
0x14: {  	[sflag:s30] =	ssyncset.done $0x0  }
0x15: {  	[sflag:s30] =	ssyncadd.s32 $0xFFFF9C00  }
0x16: {  	v4 =	vld [tilespmem:$0x0]  }
0x17: {  	v5 =	vld [tilespmem:$0x10]  }
0x18: {  	v6 =	vld [tilespmem:$0x20]  }
0x19: {  	v7 =	vld [tilespmem:$0x30]  }
0x1a: {  	v8 =	vld [tilespmem:$0x40]  }
0x1b: {  	v9 =	vld [tilespmem:$0x50];
	v4 =	vadd.s32 $0x1, v4  }
0x1c: {  	v10 =	vld [tilespmem:$0x60];
	v5 =	vadd.s32 $0x1, v5;
	[tilespmem:$0x6400] =	vst v4  }
0x1d: {  	v55 =	vld [tilespmem:$0x70];
	v4 =	vadd.s32 $0x1, v6;
	[tilespmem:$0x6410] =	vst v5  }
0x1e: {  	v56 =	vld [tilespmem:$0x80];
	v5 =	vadd.s32 $0x1, v7;
	[tilespmem:$0x6420] =	vst v4  }
0x1f: {  	v57 =	vld [tilespmem:$0x90];
	v4 =	vadd.s32 $0x1, v8;
	[tilespmem:$0x6430] =	vst v5  }
0x20: {  	v58 =	vld [tilespmem:$0xA0];
	v5 =	vadd.s32 $0x1, v9;
	[tilespmem:$0x6440] =	vst v4  }
0x21: {  	v59 =	vld [tilespmem:$0xB0];
	v4 =	vadd.s32 $0x1, v10;
	[tilespmem:$0x6450] =	vst v5  }
0x22: {  	v60 =	vld [tilespmem:$0xC0];
	v5 =	vadd.s32 $0x1, v55;
	[tilespmem:$0x6460] =	vst v4  }
0x23: {  	v61 =	vld [tilespmem:$0xD0];
	v4 =	vadd.s32 $0x1, v56;
	[tilespmem:$0x6470] =	vst v5  }
0x24: {  	v62 =	vld [tilespmem:$0xE0];
	v5 =	vadd.s32 $0x1, v57;
	[tilespmem:$0x6480] =	vst v4  }
0x25: {  	v63 =	vld [tilespmem:$0xF0];
	v4 =	vadd.s32 $0x1, v58;
	[tilespmem:$0x6490] =	vst v5  }
0x26: {  	v5 =	vadd.s32 $0x1, v59;
	[tilespmem:$0x64A0] =	vst v4  }
0x27: {  	v4 =	vadd.s32 $0x1, v60;
	[tilespmem:$0x64B0] =	vst v5  }
0x28: {  	v5 =	vadd.s32 $0x1, v61;
	[tilespmem:$0x64C0] =	vst v4  }
0x29: {  	v4 =	vadd.s32 $0x1, v62;
	[tilespmem:$0x64D0] =	vst v5  }
0x2a: {  	v5 =	vadd.s32 $0x1, v63;
	[tilespmem:$0x64E0] =	vst v4  }
0x2b: {  	[tilespmem:$0x64F0] =	vst v5  }
0x2c: {  	[tilespmem:s14], [sflag:$0x1] =	stream.indirect.gather [hbm4b:s6+s12], $0x40, s13, s12, $0xb8;
	[tilespmem:$0x16E00] =	vst v63  }
0x2d: {  	s31 =	simm.s32 $0x0  }
0x2e: {  	[tilespmem:s16], [sflag:$0x1] =	stream.indirect.gather [hbm4b:s6+s12], $0x40, s15, s12, $0xb8;
	[tilespmem:$0x16E00] =	vst v63  }
.LBB2_2:
0x2f: {  	s0 =	smul.u32 $0x29, s31;
	_ =	sdelay $0x1  }
0x30: {  	s0 =	sshrl.u32 s0, $0xB  }
0x31: {  	s9 =	sand.u32 $0x1F, s0  }
0x32: {  	s2 =	smul.u32 $0x3FFF9C, s9  }
0x33: {  	s0 =	sshllo.u32 s31, $0x1  }
0x34: {  	s2 =	sadd.s32 s0, s2  }
0x35: {  	s2 =	sshll.u32 s2, $0xA  }
0x36: {  	s2 =	sshra.s32 s2, $0x2  }
0x37: {  	v4 =	vld [tilespmem:s2+$0x0]  }
0x38: {  	v5 =	vld [tilespmem:s2+$0x10]  }
0x39: {  	v6 =	vld [tilespmem:s2+$0x20]  }
0x3a: {  	v7 =	vld [tilespmem:s2+$0x30]  }
0x3b: {  	v8 =	vld [tilespmem:s2+$0x40]  }
0x3c: {  	v9 =	vld [tilespmem:s2+$0x50]  }
0x3d: {  	v10 =	vld [tilespmem:s2+$0x60]  }
0x3e: {  	v11 =	vld [tilespmem:s2+$0x70]  }
0x3f: {  	v12 =	vld [tilespmem:s2+$0x80]  }
0x40: {  	v13 =	vld [tilespmem:s2+$0x90]  }
0x41: {  	v14 =	vld [tilespmem:s2+$0xA0]  }
0x42: {  	v15 =	vld [tilespmem:s2+$0xB0]  }
0x43: {  	v16 =	vld [tilespmem:s2+$0xC0]  }
0x44: {  	v17 =	vld [tilespmem:s2+$0xD0]  }
0x45: {  	v18 =	vld [tilespmem:s2+$0xE0];
	v4 =	vadd.s32 $0x1, v4  }
0x46: {  	v19 =	vld [tilespmem:s2+$0xF0];
	v5 =	vadd.s32 $0x1, v5;
	[tilespmem:$0x6500] =	vst v4  }
0x47: {  	v4 =	vadd.s32 $0x1, v6;
	[tilespmem:$0x6510] =	vst v5  }
0x48: {  	v5 =	vadd.s32 $0x1, v7;
	[tilespmem:$0x6520] =	vst v4  }
0x49: {  	v4 =	vadd.s32 $0x1, v8;
	[tilespmem:$0x6530] =	vst v5  }
0x4a: {  	v5 =	vadd.s32 $0x1, v9;
	[tilespmem:$0x6540] =	vst v4  }
0x4b: {  	v4 =	vadd.s32 $0x1, v10;
	[tilespmem:$0x6550] =	vst v5  }
0x4c: {  	v5 =	vadd.s32 $0x1, v11;
	[tilespmem:$0x6560] =	vst v4  }
0x4d: {  	v4 =	vadd.s32 $0x1, v12;
	[tilespmem:$0x6570] =	vst v5  }
0x4e: {  	v5 =	vadd.s32 $0x1, v13;
	[tilespmem:$0x6580] =	vst v4  }
0x4f: {  	v4 =	vadd.s32 $0x1, v14;
	[tilespmem:$0x6590] =	vst v5  }
0x50: {  	v5 =	vadd.s32 $0x1, v15;
	[tilespmem:$0x65A0] =	vst v4  }
0x51: {  	v4 =	vadd.s32 $0x1, v16;
	[tilespmem:$0x65B0] =	vst v5  }
0x52: {  	v5 =	vadd.s32 $0x1, v17;
	[tilespmem:$0x65C0] =	vst v4  }
0x53: {  	v4 =	vadd.s32 $0x1, v18;
	[tilespmem:$0x65D0] =	vst v5  }
0x54: {  	p0 =	seq.s32 s31, $0x0;
	v5 =	vadd.s32 $0x1, v19;
	[tilespmem:$0x65E0] =	vst v4  }
0x55: {  	s2 =	simm.s32 @!p0 $0x4;
	[tilespmem:$0x65F0] =	vst v5  }
0x56: {  	_ =	swait.ge @!p0 [sflag:s2], $0x4000  }
0x57: {  	[sflag:s2] =	ssyncset.done @!p0 $0x0  }
0x58: {  	[sflag:s2] =	ssyncadd.s32 @!p0 $0xFFFFC000  }
0x59: {  	[tilespmem:s18], [sflag:$0x2] =	stream.indirect.gather [hbm4b:s6+s12], $0x40, s17, s12, $0xb8;
	[tilespmem:$0x16E00] =	vst v63  }
0x5a: {  	_ = 	snop  }
0x5b: {  	[tilespmem:s20], [sflag:$0x2] =	stream.indirect.gather [hbm4b:s6+s12], $0x40, s19, s12, $0xb8;
	[tilespmem:$0x16E00] =	vst v63  }
0x5c: {  	_ =	swait.ge [sflag:s21], $0x2000  }
0x5d: {  	[sflag:s21] =	ssyncset.done $0x0  }
0x5e: {  	[sflag:s21] =	ssyncadd.s32 $0xFFFFE000  }
0x5f: {  	s1 =	simm.s32 $0x3;
	_ =	swait.ge [sflag:s21], $0x2000  }
0x60: {  	v4 =	vmov s1;
	[sflag:s21] =	ssyncset.done $0x0  }
0x61: {  	s7 =	simm.s32 $0x0;
	s8 =	simm.s32 $0x6680;
	v4 =	vand.u32 $0x7F, v4;
	[sflag:s21] =	ssyncadd.s32 $0xFFFFE000  }
0x62: {  	s10 =	simm.s32 $0x1;
	v5 =	vmov s7;
	v9 =	vadd.s32 v0, v4;
	v6 =	vld [tilespmem:s8+$0x40]  }
0x63: {  	v7 =	vmov s10;
	v5 =	vand.u32 $0x7C, v5  }
0x64: {  	v23 =	vand.u32 $0x7D, v7;
	v10 =	vadd.s32 v0, v5;
	v12 =	vld [tilespmem:s8+$0xFFFFFF80]  }
0x65: {  	v11 =	vadd.s32 v0, v23;
	v7 =	vld [tilespmem:s8+$0xFFFFFFC0]  }
0x66: {  	s11 =	simm.s32 $0x2  }
0x67: {  	v8 =	vmov s11;
	[tilespmem:v9+s22+$0x0] =	vst.idx.msk $0xffff, v6  }
0x68: {  	v8 =	vand.u32 $0x7E, v8;
	v13 =	vadd.s32 v1, v4;
	v6 =	vld [tilespmem:s8+$0x50]  }
0x69: {  	v15 =	vadd.s32 v0, v8;
	v14 =	vld [tilespmem:s8+$0x0];
	[tilespmem:v10+s22+$0x0] =	vst.idx.msk $0xffff, v12  }
0x6a: {  	v16 =	vadd.s32 v1, v5;
	[tilespmem:v11+s22+$0x0] =	vst.idx.msk $0xffff, v7;
	v18 =	vld [tilespmem:s8+$0xFFFFFF90]  }
0x6b: {  	v17 =	vadd.s32 v1, v23;
	v7 =	vld [tilespmem:s8+$0xFFFFFFD0];
	_ =	sdelay $0x1  }
0x6c: {  	[tilespmem:v13+s22+$0x0] =	vst.idx.msk $0xffff, v6  }
0x6d: {  	[tilespmem:v15+s22+$0x0] =	vst.idx.msk $0xffff, v14;
	v12 =	vadd.s32 v2, v4;
	v6 =	vld [tilespmem:s8+$0x60]  }
0x6e: {  	s1 =	simm.s32 $0x7;
	v14 =	vadd.s32 v1, v8;
	v22 =	vld [tilespmem:s8+$0x10];
	[tilespmem:v16+s22+$0x0] =	vst.idx.msk $0xffff, v18  }
0x6f: {  	s7 =	simm.s32 $0x4;
	v19 =	vmov s1;
	v18 =	vadd.s32 v2, v5;
	[tilespmem:v17+s22+$0x0] =	vst.idx.msk $0xffff, v7;
	v24 =	vld [tilespmem:s8+$0xFFFFFFA0]  }
0x70: {  	v21 =	vmov s7;
	s7 =	simm.s32 $0x6780;
	v7 =	vand.u32 $0x7F, v19;
	v19 =	vadd.s32 v2, v23;
	v26 =	vld [tilespmem:s8+$0xFFFFFFE0]  }
0x71: {  	s10 =	simm.s32 $0x5;
	v27 =	vand.u32 $0x7C, v21;
	v28 =	vld [tilespmem:s7+$0x40];
	v20 =	vadd.s32 v0, v7  }
0x72: {  	v25 =	vmov s10;
	s11 =	simm.s32 $0x6;
	v30 =	vadd.s32 v0, v27;
	v29 =	vld [tilespmem:s7+$0xFFFFFF80];
	[tilespmem:v12+s22+$0x0] =	vst.idx.msk $0xffff, v6  }
0x73: {  	[tilespmem:v14+s22+$0x0] =	vst.idx.msk $0xffff, v22;
	v22 =	vadd.s32 v3, v4;
	v6 =	vand.u32 $0x7D, v25;
	v25 =	vmov s11;
	v31 =	vld [tilespmem:s8+$0x70]  }
0x74: {  	v32 =	vld [tilespmem:s7+$0xFFFFFFC0];
	[tilespmem:v18+s22+$0x0] =	vst.idx.msk $0xffff, v24;
	v24 =	vadd.s32 v0, v6;
	v4 =	vand.u32 $0x7E, v25  }
0x75: {  	v33 =	vld [tilespmem:s7+$0x0];
	[tilespmem:v19+s22+$0x0] =	vst.idx.msk $0xffff, v26;
	v25 =	vadd.s32 v0, v4  }
0x76: {  	[tilespmem:v20+s22+$0x0] =	vst.idx.msk $0xffff, v28;
	v28 =	vld [tilespmem:s8+$0x20];
	v26 =	vadd.s32 v2, v8  }
0x77: {  	[tilespmem:v30+s22+$0x0] =	vst.idx.msk $0xffff, v29;
	v30 =	vadd.s32 v1, v7;
	v29 =	vld [tilespmem:s7+$0x50]  }
0x78: {  	v35 =	vadd.s32 v1, v27;
	v34 =	vld [tilespmem:s7+$0xFFFFFF90];
	[tilespmem:v22+s22+$0x0] =	vst.idx.msk $0xffff, v31  }
0x79: {  	v23 =	vadd.s32 v3, v23;
	[tilespmem:v24+s22+$0x0] =	vst.idx.msk $0xffff, v32;
	v31 =	vld [tilespmem:s8+$0xFFFFFFF0]  }
0x7a: {  	v41 =	vadd.s32 v1, v6;
	v40 =	vld [tilespmem:s7+$0xFFFFFFD0];
	[tilespmem:v25+s22+$0x0] =	vst.idx.msk $0xffff, v33  }
0x7b: {  	v39 =	vadd.s32 v1, v4;
	[tilespmem:v26+s22+$0x0] =	vst.idx.msk $0xffff, v28;
	v37 =	vld [tilespmem:s7+$0x10]  }
0x7c: {  	v38 =	vadd.s32 v3, v8;
	[tilespmem:v30+s22+$0x0] =	vst.idx.msk $0xffff, v29;
	v32 =	vld [tilespmem:s8+$0x30]  }
0x7d: {  	s30 =	simm.s32 $0xB;
	s29 =	simm.s32 $0xC;
	v36 =	vadd.s32 v2, v27;
	[tilespmem:v35+s22+$0x0] =	vst.idx.msk $0xffff, v34;
	v35 =	vadd.s32 v2, v7;
	v33 =	vld [tilespmem:s7+$0x60]  }
0x7e: {  	s10 =	sshll.u32 s31, $0x1;
	s2 =	simm.s32 $0x8;
	v34 =	vld [tilespmem:s7+$0xFFFFFFA0];
	s11 =	simm.s32 $0x8;
	v28 =	vmovc v4;
	v29 =	vmov v6;
	v30 =	vmov v7;
	[tilespmem:v23+s22+$0x0] =	vst.idx.msk $0xffff, v31;
	v31 =	vmov v5  }
.LBB2_3:
0x7f: {  	p0 =	slt.u32 s29, $0x7C;
	v42 =	vmov s30;
	[tilespmem:v41+s22+$0x0] =	vst.idx.msk $0xffff, v40;
	v40 =	vld [tilespmem:s8+$0xFFFFFFB0];
	v41 =	vadd.s32 v3, v31;
	v31 =	vmov v27;
	s8 =	smov.u32 s7  }
0x80: {  	v27 =	vmov s11;
	v44 =	vadd.s32 v2, v29;
	s7 =	sadd.s32 $0x100, s7;
	v42 =	vand.u32 $0x7F, v42;
	v43 =	vld [tilespmem:s8+$0xFFFFFFE0];
	[tilespmem:v39+s22+$0x0] =	vst.idx.msk $0xffff, v37  }
0x81: {  	s30 =	sadd.s32 $0x1, s11;
	v27 =	vand.u32 $0x7C, v27;
	v37 =	vld [tilespmem:s7+$0x40];
	v39 =	vadd.s32 v0, v42;
	[tilespmem:v38+s22+$0x0] =	vst.idx.msk $0xffff, v32  }
0x82: {  	v45 =	vmov s30;
	s30 =	sadd.s32 $0x2, s11;
	s11 =	smov.u32 s29;
	v38 =	vadd.s32 v0, v27;
	v32 =	vld [tilespmem:s7+$0xFFFFFF80];
	[tilespmem:v35+s22+$0x0] =	vst.idx.msk $0xffff, v33  }
0x83: {  	v33 =	vand.u32 $0x7D, v45;
	v35 =	vmov s30;
	[tilespmem:v36+s22+$0x0] =	vst.idx.msk $0xffff, v34;
	v34 =	vld [tilespmem:s8+$0x70];
	v36 =	vadd.s32 v3, v30;
	v30 =	vmovc v42  }
0x84: {  	v45 =	vadd.s32 v0, v33;
	v35 =	vand.u32 $0x7E, v35;
	v42 =	vld [tilespmem:s7+$0xFFFFFFC0];
	[tilespmem:v41+s22+$0x0] =	vst.idx.msk $0xffff, v40  }
0x85: {  	v47 =	vadd.s32 v0, v35;
	v46 =	vld [tilespmem:s7+$0x0];
	[tilespmem:v44+s22+$0x0] =	vst.idx.msk $0xffff, v43  }
0x86: {  	v44 =	vadd.s32 v2, v28;
	[tilespmem:v39+s22+$0x0] =	vst.idx.msk $0xffff, v37;
	v43 =	vld [tilespmem:s8+$0x20]  }
0x87: {  	[tilespmem:v38+s22+$0x0] =	vst.idx.msk $0xffff, v32;
	v32 =	vld [tilespmem:s7+$0x50];
	v38 =	vadd.s32 v1, v30  }
0x88: {  	v49 =	vadd.s32 v1, v27;
	v48 =	vld [tilespmem:s7+$0xFFFFFF90];
	[tilespmem:v36+s22+$0x0] =	vst.idx.msk $0xffff, v34  }
0x89: {  	[tilespmem:v45+s22+$0x0] =	vst.idx.msk $0xffff, v42;
	v42 =	vld [tilespmem:s8+$0xFFFFFFF0];
	v45 =	vadd.s32 v3, v29;
	v29 =	vmov v33  }
.Ltmp0:
0x8a: {  	v40 =	vld [tilespmem:s7+$0xFFFFFFD0];
	v41 =	vadd.s32 v1, v29;
	[tilespmem:v47+s22+$0x0] =	vst.idx.msk $0xffff, v46;
	(pc) =	sbr.rel @p0 .LBB2_3-.Ltmp0, $4  }
0x8b: {  	v39 =	vadd.s32 v1, v35;
	v37 =	vld [tilespmem:s7+$0x10];
	[tilespmem:v44+s22+$0x0] =	vst.idx.msk $0xffff, v43  }
0x8c: {  	[tilespmem:v38+s22+$0x0] =	vst.idx.msk $0xffff, v32;
	v32 =	vld [tilespmem:s8+$0x30];
	v38 =	vadd.s32 v3, v28;
	v28 =	vmov v35  }
0x8d: {  	v35 =	vadd.s32 v2, v30;
	[tilespmem:v49+s22+$0x0] =	vst.idx.msk $0xffff, v48;
	v33 =	vld [tilespmem:s7+$0x60]  }
0x8e: {  	s29 =	sadd.s32 $0x4, s29;
	s30 =	sadd.s32 $0x3, s11;
	v36 =	vadd.s32 v2, v27;
	v34 =	vld [tilespmem:s7+$0xFFFFFFA0];
	[tilespmem:v45+s22+$0x0] =	vst.idx.msk $0xffff, v42  }
0x8f: {  	_ =	sdelay $0x2  }
0x90: {  	v42 =	vmov s30  }
0x91: {  	s29 =	sadd.s32 $0x1, s11;
	[tilespmem:v41+s22+$0x0] =	vst.idx.msk $0xffff, v40;
	v61 =	vld [tilespmem:s8+$0xFFFFFFB0];
	v31 =	vadd.s32 v3, v31;
	s30 =	sadd.s32 $0x100, s7;
	v44 =	vmov s11;
	v41 =	vand.u32 $0x7F, v42  }
0x92: {  	v62 =	vmov s29;
	s29 =	sadd.s32 $0x2, s11;
	[tilespmem:v39+s22+$0x0] =	vst.idx.msk $0xffff, v37;
	v63 =	vld [tilespmem:s30+$0x40];
	v44 =	vand.u32 $0x7C, v44;
	v48 =	vadd.s32 v0, v41  }
0x93: {  	v45 =	vld [tilespmem:s30+$0xFFFFFF80];
	v42 =	vand.u32 $0x7D, v62;
	v43 =	vmov s29;
	[tilespmem:v38+s22+$0x0] =	vst.idx.msk $0xffff, v32;
	v53 =	vadd.s32 v0, v44  }
0x94: {  	v49 =	vld [tilespmem:s30+$0xFFFFFFC0];
	v50 =	vadd.s32 v0, v42;
	v43 =	vand.u32 $0x7E, v43;
	[tilespmem:v35+s22+$0x0] =	vst.idx.msk $0xffff, v33  }
0x95: {  	v51 =	vld [tilespmem:s30+$0x0];
	v52 =	vadd.s32 v0, v43;
	[tilespmem:v36+s22+$0x0] =	vst.idx.msk $0xffff, v34  }
0x96: {  	v55 =	vadd.s32 v2, v29;
	v54 =	vld [tilespmem:s7+$0xFFFFFFE0];
	[tilespmem:v31+s22+$0x0] =	vst.idx.msk $0xffff, v61  }
0x97: {  	v30 =	vadd.s32 v3, v30;
	v56 =	vld [tilespmem:s7+$0x70];
	[tilespmem:v48+s22+$0x0] =	vst.idx.msk $0xffff, v63  }
0x98: {  	v57 =	vadd.s32 v1, v41;
	[tilespmem:v53+s22+$0x0] =	vst.idx.msk $0xffff, v45;
	v37 =	vld [tilespmem:s30+$0x50]  }
0x99: {  	v61 =	vadd.s32 v1, v44;
	[tilespmem:v50+s22+$0x0] =	vst.idx.msk $0xffff, v49;
	v60 =	vld [tilespmem:s30+$0xFFFFFF90]  }
0x9a: {  	v58 =	vadd.s32 v1, v42;
	v32 =	vld [tilespmem:s30+$0xFFFFFFD0];
	[tilespmem:v52+s22+$0x0] =	vst.idx.msk $0xffff, v51  }
0x9b: {  	v59 =	vadd.s32 v1, v43;
	[tilespmem:v55+s22+$0x0] =	vst.idx.msk $0xffff, v54;
	v33 =	vld [tilespmem:s30+$0x10]  }
0x9c: {  	v27 =	vadd.s32 v3, v27;
	v55 =	vld [tilespmem:s7+$0xFFFFFFB0];
	[tilespmem:v30+s22+$0x0] =	vst.idx.msk $0xffff, v56  }
0x9d: {  	v62 =	vld [tilespmem:s7+$0x20];
	v63 =	vadd.s32 v2, v28;
	[tilespmem:v57+s22+$0x0] =	vst.idx.msk $0xffff, v37  }
0x9e: {  	v48 =	vadd.s32 v2, v41;
	[tilespmem:v61+s22+$0x0] =	vst.idx.msk $0xffff, v60;
	v37 =	vld [tilespmem:s30+$0x60]  }
0x9f: {  	v53 =	vadd.s32 v2, v44;
	[tilespmem:v58+s22+$0x0] =	vst.idx.msk $0xffff, v32;
	v52 =	vld [tilespmem:s30+$0xFFFFFFA0]  }
0xa0: {  	v49 =	vadd.s32 v2, v42;
	v32 =	vld [tilespmem:s30+$0xFFFFFFE0];
	[tilespmem:v59+s22+$0x0] =	vst.idx.msk $0xffff, v33  }
0xa1: {  	v51 =	vadd.s32 v2, v43;
	[tilespmem:v27+s22+$0x0] =	vst.idx.msk $0xffff, v55;
	v50 =	vld [tilespmem:s30+$0x20]  }
0xa2: {  	v47 =	vadd.s32 v3, v29;
	v46 =	vld [tilespmem:s7+$0xFFFFFFF0];
	[tilespmem:v63+s22+$0x0] =	vst.idx.msk $0xffff, v62  }
0xa3: {  	v54 =	vadd.s32 v3, v28;
	v36 =	vld [tilespmem:s7+$0x30];
	[tilespmem:v48+s22+$0x0] =	vst.idx.msk $0xffff, v37  }
0xa4: {  	v57 =	vadd.s32 v3, v41;
	[tilespmem:v53+s22+$0x0] =	vst.idx.msk $0xffff, v52;
	v56 =	vld [tilespmem:s30+$0x70]  }
0xa5: {  	v61 =	vadd.s32 v3, v44;
	[tilespmem:v49+s22+$0x0] =	vst.idx.msk $0xffff, v32;
	v60 =	vld [tilespmem:s30+$0xFFFFFFB0]  }
0xa6: {  	v58 =	vadd.s32 v3, v42;
	v32 =	vld [tilespmem:s30+$0xFFFFFFF0];
	[tilespmem:v51+s22+$0x0] =	vst.idx.msk $0xffff, v50  }
0xa7: {  	[tilespmem:v47+s22+$0x0] =	vst.idx.msk $0xffff, v46;
	v59 =	vadd.s32 v3, v43;
	v31 =	vld [tilespmem:s30+$0x30]  }
0xa8: {  	[tilespmem:v54+s22+$0x0] =	vst.idx.msk $0xffff, v36  }
0xa9: {  	[tilespmem:v57+s22+$0x0] =	vst.idx.msk $0xffff, v56  }
0xaa: {  	[tilespmem:v61+s22+$0x0] =	vst.idx.msk $0xffff, v60  }
0xab: {  	[tilespmem:v58+s22+$0x0] =	vst.idx.msk $0xffff, v32  }
0xac: {  	s8 =	simm.s32 $0x86F0;
	[tilespmem:v59+s22+$0x0] =	vst.idx.msk $0xffff, v31  }
0xad: {  	v28 =	vld [tilespmem:s8+$0xFFFFFF10]  }
0xae: {  	v27 =	vld [tilespmem:s8+$0xFFFFFFD0]  }
0xaf: {  	v29 =	vld [tilespmem:s8+$0xFFFFFF50];
	_ =	sdelay $0x1  }
0xb0: {  	v62 =	vld [tilespmem:s8+$0xFFFFFF90]  }
0xb1: {  	[tilespmem:v10+s23+$0x0] =	vst.idx.msk $0xffff, v28  }
0xb2: {  	[tilespmem:v9+s23+$0x0] =	vst.idx.msk $0xffff, v27;
	v10 =	vld [tilespmem:s8+$0xFFFFFF20]  }
0xb3: {  	[tilespmem:v11+s23+$0x0] =	vst.idx.msk $0xffff, v29;
	v9 =	vld [tilespmem:s8+$0xFFFFFFE0]  }
0xb4: {  	v11 =	vld [tilespmem:s8+$0xFFFFFF60]  }
0xb5: {  	[tilespmem:v15+s23+$0x0] =	vst.idx.msk $0xffff, v62  }
0xb6: {  	s7 =	simm.s32 $0x87F0;
	v15 =	vld [tilespmem:s8+$0xFFFFFFA0]  }
0xb7: {  	[tilespmem:v16+s23+$0x0] =	vst.idx.msk $0xffff, v10;
	v16 =	vld [tilespmem:s7+$0xFFFFFFD0]  }
0xb8: {  	[tilespmem:v13+s23+$0x0] =	vst.idx.msk $0xffff, v9;
	v10 =	vld [tilespmem:s8+$0xFFFFFF30]  }
0xb9: {  	[tilespmem:v17+s23+$0x0] =	vst.idx.msk $0xffff, v11;
	v13 =	vld [tilespmem:s8+$0xFFFFFFF0]  }
0xba: {  	v11 =	vld [tilespmem:s8+$0xFFFFFF70]  }
0xbb: {  	v9 =	vand.u32 $0x7C, v21;
	[tilespmem:v14+s23+$0x0] =	vst.idx.msk $0xffff, v15  }
0xbc: {  	v17 =	vld [tilespmem:s7+$0xFFFFFF10];
	v21 =	vadd.s32 v0, v9;
	[tilespmem:v20+s23+$0x0] =	vst.idx.msk $0xffff, v16  }
0xbd: {  	[tilespmem:v18+s23+$0x0] =	vst.idx.msk $0xffff, v10;
	v10 =	vld [tilespmem:s7+$0xFFFFFF50]  }
0xbe: {  	[tilespmem:v12+s23+$0x0] =	vst.idx.msk $0xffff, v13;
	v13 =	vld [tilespmem:s7+$0xFFFFFF90]  }
0xbf: {  	[tilespmem:v19+s23+$0x0] =	vst.idx.msk $0xffff, v11;
	v11 =	vld [tilespmem:s8+$0xFFFFFFB0]  }
0xc0: {  	v16 =	vadd.s32 v1, v7;
	v14 =	vld [tilespmem:s7+$0xFFFFFFE0]  }
0xc1: {  	[tilespmem:v21+s23+$0x0] =	vst.idx.msk $0xffff, v17;
	v12 =	vld [tilespmem:s8+$0x0]  }
0xc2: {  	v20 =	vadd.s32 v1, v9;
	v19 =	vld [tilespmem:s7+$0xFFFFFF20];
	[tilespmem:v24+s23+$0x0] =	vst.idx.msk $0xffff, v10  }
0xc3: {  	v63 =	vld [tilespmem:s8+$0xFFFFFF80];
	[tilespmem:v25+s23+$0x0] =	vst.idx.msk $0xffff, v13  }
0xc4: {  	v18 =	vadd.s32 v1, v6;
	[tilespmem:v26+s23+$0x0] =	vst.idx.msk $0xffff, v11;
	v17 =	vld [tilespmem:s7+$0xFFFFFF60]  }
0xc5: {  	[tilespmem:v16+s23+$0x0] =	vst.idx.msk $0xffff, v14;
	v16 =	vadd.s32 v1, v4;
	v15 =	vld [tilespmem:s7+$0xFFFFFFA0]  }
0xc6: {  	v14 =	vadd.s32 v3, v8;
	[tilespmem:v22+s23+$0x0] =	vst.idx.msk $0xffff, v12;
	v11 =	vld [tilespmem:s8+$0xFFFFFFC0]  }
0xc7: {  	[tilespmem:v20+s23+$0x0] =	vst.idx.msk $0xffff, v19;
	v8 =	vld [tilespmem:s7+$0xFFFFFFF0];
	v12 =	vadd.s32 v2, v7  }
0xc8: {  	s11 =	simm.s32 $0xC;
	s29 =	simm.s32 $0xB;
	v13 =	vadd.s32 v2, v9;
	[tilespmem:v23+s23+$0x0] =	vst.idx.msk $0xffff, v63;
	v10 =	vld [tilespmem:s7+$0xFFFFFF30]  }
.LBB2_5:
0xc9: {  	p0 =	slt.u32 s11, $0x7C;
	v19 =	vmov s29;
	[tilespmem:v18+s23+$0x0] =	vst.idx.msk $0xffff, v17;
	v17 =	vld [tilespmem:s8+$0xFFFFFF40];
	v18 =	vadd.s32 v3, v5;
	v5 =	vmov v9;
	s8 =	smov.u32 s7  }
0xca: {  	v9 =	vmov s2;
	v21 =	vadd.s32 v2, v6;
	s7 =	sadd.s32 $0x100, s7;
	v19 =	vand.u32 $0x7F, v19;
	v20 =	vld [tilespmem:s8+$0xFFFFFF70];
	[tilespmem:v16+s23+$0x0] =	vst.idx.msk $0xffff, v15  }
0xcb: {  	s29 =	sadd.s32 $0x1, s2;
	v9 =	vand.u32 $0x7C, v9;
	v15 =	vld [tilespmem:s7+$0xFFFFFFD0];
	v16 =	vadd.s32 v0, v19;
	[tilespmem:v14+s23+$0x0] =	vst.idx.msk $0xffff, v11  }
0xcc: {  	v22 =	vmov s29;
	s29 =	sadd.s32 $0x2, s2;
	s2 =	smov.u32 s11;
	v14 =	vadd.s32 v0, v9;
	v11 =	vld [tilespmem:s7+$0xFFFFFF10];
	[tilespmem:v12+s23+$0x0] =	vst.idx.msk $0xffff, v8  }
0xcd: {  	v8 =	vand.u32 $0x7D, v22;
	v12 =	vmov s29;
	[tilespmem:v13+s23+$0x0] =	vst.idx.msk $0xffff, v10;
	v10 =	vld [tilespmem:s8+$0x0];
	v13 =	vadd.s32 v3, v7;
	v7 =	vmovc v19  }
0xce: {  	v22 =	vadd.s32 v0, v8;
	v12 =	vand.u32 $0x7E, v12;
	v19 =	vld [tilespmem:s7+$0xFFFFFF50];
	[tilespmem:v18+s23+$0x0] =	vst.idx.msk $0xffff, v17  }
0xcf: {  	v24 =	vadd.s32 v0, v12;
	v23 =	vld [tilespmem:s7+$0xFFFFFF90];
	[tilespmem:v21+s23+$0x0] =	vst.idx.msk $0xffff, v20  }
0xd0: {  	v21 =	vadd.s32 v2, v4;
	[tilespmem:v16+s23+$0x0] =	vst.idx.msk $0xffff, v15;
	v20 =	vld [tilespmem:s8+$0xFFFFFFB0]  }
0xd1: {  	[tilespmem:v14+s23+$0x0] =	vst.idx.msk $0xffff, v11;
	v11 =	vld [tilespmem:s7+$0xFFFFFFE0];
	v14 =	vadd.s32 v1, v7  }
0xd2: {  	v26 =	vadd.s32 v1, v9;
	v25 =	vld [tilespmem:s7+$0xFFFFFF20];
	[tilespmem:v13+s23+$0x0] =	vst.idx.msk $0xffff, v10  }
0xd3: {  	[tilespmem:v22+s23+$0x0] =	vst.idx.msk $0xffff, v19;
	v19 =	vld [tilespmem:s8+$0xFFFFFF80];
	v22 =	vadd.s32 v3, v6;
	v6 =	vmov v8  }
.Ltmp1:
0xd4: {  	v17 =	vld [tilespmem:s7+$0xFFFFFF60];
	v18 =	vadd.s32 v1, v6;
	[tilespmem:v24+s23+$0x0] =	vst.idx.msk $0xffff, v23;
	(pc) =	sbr.rel @p0 .LBB2_5-.Ltmp1, $4  }
0xd5: {  	v16 =	vadd.s32 v1, v12;
	v15 =	vld [tilespmem:s7+$0xFFFFFFA0];
	[tilespmem:v21+s23+$0x0] =	vst.idx.msk $0xffff, v20  }
0xd6: {  	[tilespmem:v14+s23+$0x0] =	vst.idx.msk $0xffff, v11;
	v11 =	vld [tilespmem:s8+$0xFFFFFFC0];
	v14 =	vadd.s32 v3, v4;
	v4 =	vmov v12  }
0xd7: {  	v12 =	vadd.s32 v2, v7;
	[tilespmem:v26+s23+$0x0] =	vst.idx.msk $0xffff, v25;
	v8 =	vld [tilespmem:s7+$0xFFFFFFF0]  }
0xd8: {  	s11 =	sadd.s32 $0x4, s11;
	s29 =	sadd.s32 $0x3, s2;
	v13 =	vadd.s32 v2, v9;
	v10 =	vld [tilespmem:s7+$0xFFFFFF30];
	[tilespmem:v22+s23+$0x0] =	vst.idx.msk $0xffff, v19  }
0xd9: {  	_ =	sdelay $0x2  }
0xda: {  	v19 =	vmov s29;
	s11 =	sadd.s32 $0x1, s2  }
0xdb: {  	[tilespmem:v18+s23+$0x0] =	vst.idx.msk $0xffff, v17;
	v32 =	vld [tilespmem:s8+$0xFFFFFF40];
	v5 =	vadd.s32 v3, v5;
	s8 =	sadd.s32 $0x100, s7;
	s1 =	sadd.s32 $0x2, s2;
	v33 =	vand.u32 $0x7F, v19;
	v34 =	vmov s11  }
0xdc: {  	[tilespmem:v16+s23+$0x0] =	vst.idx.msk $0xffff, v15;
	v35 =	vld [tilespmem:s8+$0xFFFFFFD0];
	v20 =	vmov s1;
	v36 =	vadd.s32 v0, v33;
	v19 =	vand.u32 $0x7D, v34  }
0xdd: {  	v21 =	vmov s2;
	v37 =	vld [tilespmem:s8+$0xFFFFFF50];
	[tilespmem:v14+s23+$0x0] =	vst.idx.msk $0xffff, v11;
	v20 =	vand.u32 $0x7E, v20;
	v38 =	vadd.s32 v0, v19  }
0xde: {  	v21 =	vand.u32 $0x7C, v21;
	v39 =	vld [tilespmem:s8+$0xFFFFFF90];
	[tilespmem:v12+s23+$0x0] =	vst.idx.msk $0xffff, v8;
	v40 =	vadd.s32 v0, v20  }
0xdf: {  	v22 =	vld [tilespmem:s8+$0xFFFFFF10];
	v41 =	vadd.s32 v0, v21;
	[tilespmem:v13+s23+$0x0] =	vst.idx.msk $0xffff, v10  }
0xe0: {  	v42 =	vld [tilespmem:s7+$0xFFFFFF70];
	[tilespmem:v5+s23+$0x0] =	vst.idx.msk $0xffff, v32;
	v5 =	vadd.s32 v2, v6  }
0xe1: {  	v49 =	vadd.s32 v2, v4;
	v48 =	vld [tilespmem:s7+$0xFFFFFFB0];
	[tilespmem:v36+s23+$0x0] =	vst.idx.msk $0xffff, v35  }
0xe2: {  	v44 =	vadd.s32 v1, v33;
	v15 =	vld [tilespmem:s8+$0xFFFFFFE0];
	[tilespmem:v38+s23+$0x0] =	vst.idx.msk $0xffff, v37  }
0xe3: {  	v45 =	vadd.s32 v1, v19;
	[tilespmem:v40+s23+$0x0] =	vst.idx.msk $0xffff, v39;
	v11 =	vld [tilespmem:s8+$0xFFFFFF60]  }
0xe4: {  	v46 =	vadd.s32 v1, v20;
	[tilespmem:v41+s23+$0x0] =	vst.idx.msk $0xffff, v22;
	v8 =	vld [tilespmem:s8+$0xFFFFFFA0]  }
0xe5: {  	v47 =	vadd.s32 v1, v21;
	[tilespmem:v5+s23+$0x0] =	vst.idx.msk $0xffff, v42;
	v5 =	vld [tilespmem:s8+$0xFFFFFF20]  }
0xe6: {  	v7 =	vadd.s32 v3, v7;
	v43 =	vld [tilespmem:s7+$0x0];
	[tilespmem:v49+s23+$0x0] =	vst.idx.msk $0xffff, v48  }
0xe7: {  	v58 =	vadd.s32 v3, v9;
	v57 =	vld [tilespmem:s7+$0xFFFFFF40];
	[tilespmem:v44+s23+$0x0] =	vst.idx.msk $0xffff, v15  }
0xe8: {  	v52 =	vadd.s32 v2, v33;
	v15 =	vld [tilespmem:s8+$0xFFFFFFF0];
	[tilespmem:v45+s23+$0x0] =	vst.idx.msk $0xffff, v11  }
0xe9: {  	v53 =	vadd.s32 v2, v19;
	[tilespmem:v46+s23+$0x0] =	vst.idx.msk $0xffff, v8;
	v11 =	vld [tilespmem:s8+$0xFFFFFF70]  }
0xea: {  	v54 =	vadd.s32 v2, v20;
	[tilespmem:v47+s23+$0x0] =	vst.idx.msk $0xffff, v5;
	v5 =	vld [tilespmem:s8+$0xFFFFFFB0]  }
0xeb: {  	v56 =	vadd.s32 v2, v21;
	[tilespmem:v7+s23+$0x0] =	vst.idx.msk $0xffff, v43;
	v55 =	vld [tilespmem:s8+$0xFFFFFF30]  }
0xec: {  	v4 =	vadd.s32 v3, v4;
	v13 =	vld [tilespmem:s7+$0xFFFFFFC0];
	[tilespmem:v58+s23+$0x0] =	vst.idx.msk $0xffff, v57  }
0xed: {  	v51 =	vadd.s32 v3, v6;
	v50 =	vld [tilespmem:s7+$0xFFFFFF80];
	[tilespmem:v52+s23+$0x0] =	vst.idx.msk $0xffff, v15  }
0xee: {  	v60 =	vadd.s32 v3, v33;
	v59 =	vld [tilespmem:s8+$0x0];
	[tilespmem:v53+s23+$0x0] =	vst.idx.msk $0xffff, v11  }
0xef: {  	v61 =	vadd.s32 v3, v19;
	[tilespmem:v54+s23+$0x0] =	vst.idx.msk $0xffff, v5;
	v11 =	vld [tilespmem:s8+$0xFFFFFF80]  }
0xf0: {  	s2 =	smul.u32 $0x79C, s9;
	v62 =	vadd.s32 v3, v20;
	[tilespmem:v56+s23+$0x0] =	vst.idx.msk $0xffff, v55;
	v5 =	vld [tilespmem:s8+$0xFFFFFFC0]  }
0xf1: {  	v63 =	vadd.s32 v3, v21;
	[tilespmem:v4+s23+$0x0] =	vst.idx.msk $0xffff, v13;
	v4 =	vld [tilespmem:s8+$0xFFFFFF40]  }
0xf2: {  	s11 =	sadd.s32 s9, s5;
	[tilespmem:v51+s23+$0x0] =	vst.idx.msk $0xffff, v50;
	s8 =	sadd.s32 s10, s2  }
0xf3: {  	s9 =	sshll.u32 s11, $0xA;
	s7 =	sshll.u32 s8, $0x15;
	[tilespmem:v60+s23+$0x0] =	vst.idx.msk $0xffff, v59  }
0xf4: {  	s7 =	sor.u32 s9, s7;
	[tilespmem:v61+s23+$0x0] =	vst.idx.msk $0xffff, v11  }
0xf5: {  	s7 =	sshrl.u32 s7, $0x3;
	[tilespmem:v62+s23+$0x0] =	vst.idx.msk $0xffff, v5  }
0xf6: {  	s1 =	simm.s32 $0xE600;
	s8 =	sadd.s32 s3, s7;
	[tilespmem:v63+s23+$0x0] =	vst.idx.msk $0xffff, v4  }
0xf7: {  	[hbm4b:s8+s4] =	stream.linear.scatter [tilespmem:s1], [sflag:$0x3], $0x80, $0x38;
	[tilespmem:$0x16E00] =	vst v63  }
0xf8: {  	s11 =	simm.s32 $0xE688;
	s1 =	sadd.s32 $0x10, s8  }
0xf9: {  	[hbm4b:s1+s4] =	stream.linear.scatter [tilespmem:s11], [sflag:$0x3], $0x80, $0x38;
	[tilespmem:$0x16E00] =	vst v63  }
0xfa: {  	s11 =	simm.s32 $0xE710;
	s1 =	sadd.s32 $0x20, s8  }
0xfb: {  	[hbm4b:s1+s4] =	stream.linear.scatter [tilespmem:s11], [sflag:$0x3], $0x80, $0x38;
	[tilespmem:$0x16E00] =	vst v63  }
0xfc: {  	s11 =	simm.s32 $0xE798;
	s1 =	sadd.s32 $0x30, s8  }
0xfd: {  	[hbm4b:s1+s4] =	stream.linear.scatter [tilespmem:s11], [sflag:$0x3], $0x80, $0x38;
	[tilespmem:$0x16E00] =	vst v63  }
0xfe: {  	s11 =	simm.s32 $0xE820;
	s1 =	sadd.s32 $0x40, s8  }
0xff: {  	[hbm4b:s1+s4] =	stream.linear.scatter [tilespmem:s11], [sflag:$0x3], $0x80, $0x38;
	[tilespmem:$0x16E00] =	vst v63  }
0x100: {  	s29 =	simm.s32 $0xE9B8;
	s11 =	simm.s32 $0xE8A8;
	s1 =	sadd.s32 $0x50, s8  }
0x101: {  	[hbm4b:s1+s4] =	stream.linear.scatter [tilespmem:s11], [sflag:$0x3], $0x80, $0x38;
	[tilespmem:$0x16E00] =	vst v63  }
0x102: {  	s7 =	simm.s32 $0x440;
	s11 =	simm.s32 $0xE930;
	s1 =	sadd.s32 $0x60, s8  }
0x103: {  	[hbm4b:s1+s4] =	stream.linear.scatter [tilespmem:s11], [sflag:$0x3], $0x80, $0x38;
	[tilespmem:$0x16E00] =	vst v63  }
0x104: {  	s30 =	sadd.s32 $0x70, s8;
	s8 =	sadd.s32 $0x4000, s8;
	s11 =	simm.s32 $0x2200  }
.LBB2_7:
0x105: {  	[hbm4b:s30+s4] =	stream.linear.scatter [tilespmem:s29], [sflag:$0x3], $0x80, $0x38;
	[tilespmem:$0x16E00] =	vst v63  }
0x106: {  	s29 =	smov.u32 s7;
	s7 =	smov.u32 s11  }
0x107: {  	s1 =	sadd.s32 $0x1100, s11;
	s7 =	sshra.s32 s7, $0x2;
	s30 =	sadd.s32 $0xE600, s29  }
0x108: {  	[hbm4b:s8+s4] =	stream.linear.scatter [tilespmem:s30], [sflag:$0x3], $0x80, $0x38;
	[tilespmem:$0x16E00] =	vst v63  }
0x109: {  	p0 =	sne.s32 s11, $0xFF00;
	s11 =	sadd.s32 $0xE688, s29;
	s30 =	sadd.s32 $0x10, s8  }
0x10a: {  	[hbm4b:s30+s4] =	stream.linear.scatter [tilespmem:s11], [sflag:$0x3], $0x80, $0x38;
	[tilespmem:$0x16E00] =	vst v63  }
0x10b: {  	s11 =	sadd.s32 $0xE710, s29;
	s30 =	sadd.s32 $0x20, s8  }
0x10c: {  	[hbm4b:s30+s4] =	stream.linear.scatter [tilespmem:s11], [sflag:$0x3], $0x80, $0x38;
	[tilespmem:$0x16E00] =	vst v63  }
0x10d: {  	s11 =	sadd.s32 $0xE798, s29;
	s30 =	sadd.s32 $0x30, s8  }
0x10e: {  	[hbm4b:s30+s4] =	stream.linear.scatter [tilespmem:s11], [sflag:$0x3], $0x80, $0x38;
	[tilespmem:$0x16E00] =	vst v63  }
0x10f: {  	s11 =	sadd.s32 $0xE820, s29;
	s30 =	sadd.s32 $0x40, s8  }
0x110: {  	[hbm4b:s30+s4] =	stream.linear.scatter [tilespmem:s11], [sflag:$0x3], $0x80, $0x38;
	[tilespmem:$0x16E00] =	vst v63  }
.Ltmp2:
0x111: {  	s11 =	sadd.s32 $0xE8A8, s29;
	s30 =	sadd.s32 $0x50, s8;
	(pc) =	sbr.rel @p0 .LBB2_7-.Ltmp2, $4  }
0x112: {  	[hbm4b:s30+s4] =	stream.linear.scatter [tilespmem:s11], [sflag:$0x3], $0x80, $0x38;
	[tilespmem:$0x16E00] =	vst v63  }
0x113: {  	s11 =	sadd.s32 $0xE930, s29;
	s30 =	sadd.s32 $0x60, s8;
	s29 =	sadd.s32 $0xE9B8, s29  }
0x114: {  	[hbm4b:s30+s4] =	stream.linear.scatter [tilespmem:s11], [sflag:$0x3], $0x80, $0x38;
	[tilespmem:$0x16E00] =	vst v63  }
0x115: {  	s30 =	sadd.s32 $0x70, s8;
	s8 =	sadd.s32 $0x4000, s8;
	s11 =	smov.u32 s1  }
0x116: {  	[hbm4b:s30+s4] =	stream.linear.scatter [tilespmem:s29], [sflag:$0x3], $0x80, $0x38;
	[tilespmem:$0x16E00] =	vst v63  }
0x117: {  	s1 =	sadd.s32 $0xE600, s7  }
0x118: {  	[hbm4b:s8+s4] =	stream.linear.scatter [tilespmem:s1], [sflag:$0x3], $0x80, $0x38;
	[tilespmem:$0x16E00] =	vst v63  }
0x119: {  	s30 =	sadd.s32 $0xE688, s7;
	s11 =	sadd.s32 $0x10, s8  }
0x11a: {  	[hbm4b:s11+s4] =	stream.linear.scatter [tilespmem:s30], [sflag:$0x3], $0x80, $0x38;
	[tilespmem:$0x16E00] =	vst v63  }
0x11b: {  	s29 =	sadd.s32 $0xE710, s7;
	s30 =	sadd.s32 $0x20, s8  }
0x11c: {  	[hbm4b:s30+s4] =	stream.linear.scatter [tilespmem:s29], [sflag:$0x3], $0x80, $0x38;
	[tilespmem:$0x16E00] =	vst v63  }
0x11d: {  	s29 =	sadd.s32 $0xE798, s7;
	s30 =	sadd.s32 $0x30, s8  }
0x11e: {  	[hbm4b:s30+s4] =	stream.linear.scatter [tilespmem:s29], [sflag:$0x3], $0x80, $0x38;
	[tilespmem:$0x16E00] =	vst v63  }
0x11f: {  	s29 =	sadd.s32 $0xE820, s7;
	s30 =	sadd.s32 $0x40, s8  }
0x120: {  	[hbm4b:s30+s4] =	stream.linear.scatter [tilespmem:s29], [sflag:$0x3], $0x80, $0x38;
	[tilespmem:$0x16E00] =	vst v63  }
0x121: {  	p0 =	seq.s32 s31, $0xC7;
	s29 =	sadd.s32 $0xE8A8, s7;
	s30 =	sadd.s32 $0x50, s8  }
0x122: {  	[hbm4b:s30+s4] =	stream.linear.scatter [tilespmem:s29], [sflag:$0x3], $0x80, $0x38;
	[tilespmem:$0x16E00] =	vst v63  }
.Ltmp3:
0x123: {  	_ = 	snop;
	(pc) =	sbr.rel @!p0 .LBB2_9-.Ltmp3, $4  }
0x124: {  	s29 =	sadd.s32 $0xE930, s7;
	s30 =	sadd.s32 $0x60, s8  }
0x125: {  	[hbm4b:s30+s4] =	stream.linear.scatter [tilespmem:s29], [sflag:$0x3], $0x80, $0x38;
	[tilespmem:$0x16E00] =	vst v63  }
0x126: {  	s29 =	sadd.s32 $0xE9B8, s7;
	s30 =	sadd.s32 $0x70, s8  }
0x127: {  	[hbm4b:s30+s4] =	stream.linear.scatter [tilespmem:s29], [sflag:$0x3], $0x80, $0x38;
	[tilespmem:$0x16E00] =	vst v63  }
.Ltmp4:
0x128: {  	(pc) =	sbr.rel .LBB2_11-.Ltmp4, $4  }
0x129: {  	_ = 	snop  }
0x12a: {  	_ =	swait.ge [sflag:s24], $0x4000  }
0x12b: {  	[sflag:s24] =	ssyncset.done $0x0  }
0x12c: {  	[sflag:s24] =	ssyncadd.s32 $0xFFFFC000  }
.LBB2_9:
0x12d: {  	s1 =	sadd.s32 $0x2, s10  }
0x12e: {  	s7 =	smulhi.u32 $0x51EB851F, s1;
	_ =	sdelay $0x1  }
0x12f: {  	s7 =	sshrl.u32 s7, $0x5  }
0x130: {  	s8 =	smul.u32 $0xFFFFFF9C, s7;
	_ =	sdelay $0x1  }
0x131: {  	s1 =	sadd.s32 s1, s8  }
0x132: {  	p0 =	sne.s32 s1, $0x0  }
0x133: {  	s7 =	sadd.s32 @!p0 s5, s7  }
0x134: {  	s7 =	sshll.u32 @!p0 s7, $0x7  }
0x135: {  	s8 =	rddreg [dreg:$0x0];
	s10 =	simm.s32 @!p0 $0x20000;
	s7 =	sand.u32 @!p0 $0x1FFFFF80, s7  }
0x136: {  	s11 =	simm.s32 @!p0 $0x0;
	s7 =	sadd.s32 @!p0 s8, s7;
	s8 =	simm.s32 @!p0 $0x400  }
0x137: {  	[tilespmem:s11], [sflag:$0x5] =	stream.strided.gather @!p0 [hbm4b:s7+s8], $0x6400, s10, s8, $0x38;
	[tilespmem:$0x16E00] =	vst v63  }
0x138: {  	s7 =	simm.s32 @!p0 $0x5  }
0x139: {  	_ =	swait.ge @!p0 [sflag:s7], $0x6400  }
0x13a: {  	s1 =	sshll.u32 s1, $0xA;
	[sflag:s7] =	ssyncset.done @!p0 $0x0  }
0x13b: {  	s1 =	sshra.s32 s1, $0x2;
	[sflag:s7] =	ssyncadd.s32 @!p0 $0xFFFF9C00  }
0x13c: {  	v4 =	vld [tilespmem:s1+$0x0]  }
0x13d: {  	v5 =	vld [tilespmem:s1+$0x10]  }
0x13e: {  	v6 =	vld [tilespmem:s1+$0x20]  }
0x13f: {  	v7 =	vld [tilespmem:s1+$0x30]  }
0x140: {  	v8 =	vld [tilespmem:s1+$0x40]  }
0x141: {  	v9 =	vld [tilespmem:s1+$0x50]  }
0x142: {  	v10 =	vld [tilespmem:s1+$0x60]  }
0x143: {  	v11 =	vld [tilespmem:s1+$0x70]  }
0x144: {  	v12 =	vld [tilespmem:s1+$0x80]  }
0x145: {  	v13 =	vld [tilespmem:s1+$0x90]  }
0x146: {  	v14 =	vld [tilespmem:s1+$0xA0]  }
0x147: {  	v15 =	vld [tilespmem:s1+$0xB0]  }
0x148: {  	v16 =	vld [tilespmem:s1+$0xC0]  }
0x149: {  	v17 =	vld [tilespmem:s1+$0xD0]  }
0x14a: {  	v18 =	vld [tilespmem:s1+$0xE0];
	v4 =	vadd.s32 $0x1, v4  }
0x14b: {  	v19 =	vld [tilespmem:s1+$0xF0];
	v5 =	vadd.s32 $0x1, v5;
	[tilespmem:$0x6400] =	vst v4  }
0x14c: {  	v4 =	vadd.s32 $0x1, v6;
	[tilespmem:$0x6410] =	vst v5  }
0x14d: {  	v5 =	vadd.s32 $0x1, v7;
	[tilespmem:$0x6420] =	vst v4  }
0x14e: {  	v4 =	vadd.s32 $0x1, v8;
	[tilespmem:$0x6430] =	vst v5  }
0x14f: {  	v5 =	vadd.s32 $0x1, v9;
	[tilespmem:$0x6440] =	vst v4  }
0x150: {  	v4 =	vadd.s32 $0x1, v10;
	[tilespmem:$0x6450] =	vst v5  }
0x151: {  	v5 =	vadd.s32 $0x1, v11;
	[tilespmem:$0x6460] =	vst v4  }
0x152: {  	v4 =	vadd.s32 $0x1, v12;
	[tilespmem:$0x6470] =	vst v5  }
0x153: {  	v5 =	vadd.s32 $0x1, v13;
	[tilespmem:$0x6480] =	vst v4  }
0x154: {  	v4 =	vadd.s32 $0x1, v14;
	[tilespmem:$0x6490] =	vst v5  }
0x155: {  	v5 =	vadd.s32 $0x1, v15;
	[tilespmem:$0x64A0] =	vst v4  }
0x156: {  	v4 =	vadd.s32 $0x1, v16;
	[tilespmem:$0x64B0] =	vst v5  }
0x157: {  	v5 =	vadd.s32 $0x1, v17;
	[tilespmem:$0x64C0] =	vst v4  }
0x158: {  	v4 =	vadd.s32 $0x1, v18;
	[tilespmem:$0x64D0] =	vst v5  }
0x159: {  	v5 =	vadd.s32 $0x1, v19;
	[tilespmem:$0x64E0] =	vst v4  }
0x15a: {  	[tilespmem:$0x64F0] =	vst v5  }
0x15b: {  	_ =	swait.ge [sflag:s24], $0x4000  }
0x15c: {  	[sflag:s24] =	ssyncset.done $0x0  }
0x15d: {  	[sflag:s24] =	ssyncadd.s32 $0xFFFFC000  }
0x15e: {  	[tilespmem:s14], [sflag:$0x1] =	stream.indirect.gather [hbm4b:s6+s12], $0x40, s13, s12, $0xb8;
	[tilespmem:$0x16E00] =	vst v63  }
0x15f: {  	_ = 	snop  }
0x160: {  	[tilespmem:s16], [sflag:$0x1] =	stream.indirect.gather [hbm4b:s6+s12], $0x40, s15, s12, $0xb8;
	[tilespmem:$0x16E00] =	vst v63  }
.LBB2_11:
0x161: {  	_ =	swait.ge [sflag:s25], $0x2000  }
0x162: {  	[sflag:s25] =	ssyncset.done $0x0  }
0x163: {  	[sflag:s25] =	ssyncadd.s32 $0xFFFFE000  }
0x164: {  	s1 =	simm.s32 $0x3;
	_ =	swait.ge [sflag:s25], $0x2000  }
0x165: {  	v4 =	vmov s1;
	[sflag:s25] =	ssyncset.done $0x0  }
0x166: {  	s11 =	simm.s32 $0x0;
	s8 =	simm.s32 $0xA680;
	v4 =	vand.u32 $0x7F, v4;
	[sflag:s25] =	ssyncadd.s32 $0xFFFFE000  }
0x167: {  	s7 =	simm.s32 $0x1;
	v5 =	vmov s11;
	v9 =	vadd.s32 v0, v4;
	v6 =	vld [tilespmem:s8+$0x40]  }
0x168: {  	v7 =	vmov s7;
	v5 =	vand.u32 $0x7C, v5  }
0x169: {  	v23 =	vand.u32 $0x7D, v7;
	v10 =	vadd.s32 v0, v5;
	v12 =	vld [tilespmem:s8+$0xFFFFFF80]  }
0x16a: {  	v11 =	vadd.s32 v0, v23;
	v7 =	vld [tilespmem:s8+$0xFFFFFFC0]  }
0x16b: {  	s10 =	simm.s32 $0x2  }
0x16c: {  	v8 =	vmov s10;
	[tilespmem:v9+s26+$0x0] =	vst.idx.msk $0xffff, v6  }
0x16d: {  	v8 =	vand.u32 $0x7E, v8;
	v13 =	vadd.s32 v1, v4;
	v6 =	vld [tilespmem:s8+$0x50]  }
0x16e: {  	v15 =	vadd.s32 v0, v8;
	v14 =	vld [tilespmem:s8+$0x0];
	[tilespmem:v10+s26+$0x0] =	vst.idx.msk $0xffff, v12  }
0x16f: {  	v16 =	vadd.s32 v1, v5;
	[tilespmem:v11+s26+$0x0] =	vst.idx.msk $0xffff, v7;
	v18 =	vld [tilespmem:s8+$0xFFFFFF90]  }
0x170: {  	v17 =	vadd.s32 v1, v23;
	v7 =	vld [tilespmem:s8+$0xFFFFFFD0];
	_ =	sdelay $0x1  }
0x171: {  	[tilespmem:v13+s26+$0x0] =	vst.idx.msk $0xffff, v6  }
0x172: {  	[tilespmem:v15+s26+$0x0] =	vst.idx.msk $0xffff, v14;
	v12 =	vadd.s32 v2, v4;
	v6 =	vld [tilespmem:s8+$0x60]  }
0x173: {  	s11 =	simm.s32 $0x7;
	v14 =	vadd.s32 v1, v8;
	v22 =	vld [tilespmem:s8+$0x10];
	[tilespmem:v16+s26+$0x0] =	vst.idx.msk $0xffff, v18  }
0x174: {  	s7 =	simm.s32 $0x4;
	v19 =	vmov s11;
	v18 =	vadd.s32 v2, v5;
	[tilespmem:v17+s26+$0x0] =	vst.idx.msk $0xffff, v7;
	v24 =	vld [tilespmem:s8+$0xFFFFFFA0]  }
0x175: {  	v21 =	vmov s7;
	s7 =	simm.s32 $0xA780;
	v7 =	vand.u32 $0x7F, v19;
	v19 =	vadd.s32 v2, v23;
	v26 =	vld [tilespmem:s8+$0xFFFFFFE0]  }
0x176: {  	s10 =	simm.s32 $0x5;
	v27 =	vand.u32 $0x7C, v21;
	v28 =	vld [tilespmem:s7+$0x40];
	v20 =	vadd.s32 v0, v7  }
0x177: {  	v25 =	vmov s10;
	s11 =	simm.s32 $0x6;
	v30 =	vadd.s32 v0, v27;
	v29 =	vld [tilespmem:s7+$0xFFFFFF80];
	[tilespmem:v12+s26+$0x0] =	vst.idx.msk $0xffff, v6  }
0x178: {  	[tilespmem:v14+s26+$0x0] =	vst.idx.msk $0xffff, v22;
	v22 =	vadd.s32 v3, v4;
	v6 =	vand.u32 $0x7D, v25;
	v25 =	vmov s11;
	v31 =	vld [tilespmem:s8+$0x70]  }
0x179: {  	v32 =	vld [tilespmem:s7+$0xFFFFFFC0];
	[tilespmem:v18+s26+$0x0] =	vst.idx.msk $0xffff, v24;
	v24 =	vadd.s32 v0, v6;
	v4 =	vand.u32 $0x7E, v25  }
0x17a: {  	v33 =	vld [tilespmem:s7+$0x0];
	[tilespmem:v19+s26+$0x0] =	vst.idx.msk $0xffff, v26;
	v25 =	vadd.s32 v0, v4  }
0x17b: {  	[tilespmem:v20+s26+$0x0] =	vst.idx.msk $0xffff, v28;
	v28 =	vld [tilespmem:s8+$0x20];
	v26 =	vadd.s32 v2, v8  }
0x17c: {  	[tilespmem:v30+s26+$0x0] =	vst.idx.msk $0xffff, v29;
	v30 =	vadd.s32 v1, v7;
	v29 =	vld [tilespmem:s7+$0x50]  }
0x17d: {  	v36 =	vadd.s32 v1, v27;
	v35 =	vld [tilespmem:s7+$0xFFFFFF90];
	[tilespmem:v22+s26+$0x0] =	vst.idx.msk $0xffff, v31  }
0x17e: {  	v23 =	vadd.s32 v3, v23;
	[tilespmem:v24+s26+$0x0] =	vst.idx.msk $0xffff, v32;
	v31 =	vld [tilespmem:s8+$0xFFFFFFF0]  }
0x17f: {  	v41 =	vadd.s32 v1, v6;
	v40 =	vld [tilespmem:s7+$0xFFFFFFD0];
	[tilespmem:v25+s26+$0x0] =	vst.idx.msk $0xffff, v33  }
0x180: {  	v39 =	vadd.s32 v1, v4;
	[tilespmem:v26+s26+$0x0] =	vst.idx.msk $0xffff, v28;
	v37 =	vld [tilespmem:s7+$0x10]  }
0x181: {  	v38 =	vadd.s32 v3, v8;
	[tilespmem:v30+s26+$0x0] =	vst.idx.msk $0xffff, v29;
	v34 =	vld [tilespmem:s8+$0x30]  }
0x182: {  	s30 =	simm.s32 $0xB;
	[tilespmem:v36+s26+$0x0] =	vst.idx.msk $0xffff, v35;
	v36 =	vadd.s32 v2, v27;
	v35 =	vadd.s32 v2, v7;
	v32 =	vld [tilespmem:s7+$0x60]  }
0x183: {  	s29 =	simm.s32 $0xC;
	s10 =	simm.s32 $0x8;
	s11 =	simm.s32 $0x8;
	v28 =	vmovc v4;
	v29 =	vmov v6;
	v30 =	vmov v7;
	v33 =	vld [tilespmem:s7+$0xFFFFFFA0];
	[tilespmem:v23+s26+$0x0] =	vst.idx.msk $0xffff, v31;
	v31 =	vmov v5  }
.LBB2_12:
0x184: {  	p0 =	slt.u32 s29, $0x7C;
	v42 =	vmov s30;
	[tilespmem:v41+s26+$0x0] =	vst.idx.msk $0xffff, v40;
	v40 =	vld [tilespmem:s8+$0xFFFFFFB0];
	v41 =	vadd.s32 v3, v31;
	v31 =	vmov v27;
	s8 =	smov.u32 s7  }
0x185: {  	v27 =	vmov s11;
	v44 =	vadd.s32 v2, v29;
	s7 =	sadd.s32 $0x100, s7;
	v42 =	vand.u32 $0x7F, v42;
	v43 =	vld [tilespmem:s8+$0xFFFFFFE0];
	[tilespmem:v39+s26+$0x0] =	vst.idx.msk $0xffff, v37  }
0x186: {  	s1 =	sadd.s32 $0x1, s11;
	v27 =	vand.u32 $0x7C, v27;
	v37 =	vld [tilespmem:s7+$0x40];
	v39 =	vadd.s32 v0, v42;
	[tilespmem:v38+s26+$0x0] =	vst.idx.msk $0xffff, v34  }
0x187: {  	v45 =	vmov s1;
	s1 =	sadd.s32 $0x2, s11;
	s11 =	smov.u32 s29;
	v38 =	vadd.s32 v0, v27;
	v34 =	vld [tilespmem:s7+$0xFFFFFF80];
	[tilespmem:v35+s26+$0x0] =	vst.idx.msk $0xffff, v32  }
0x188: {  	v32 =	vand.u32 $0x7D, v45;
	v35 =	vmov s1;
	[tilespmem:v36+s26+$0x0] =	vst.idx.msk $0xffff, v33;
	v33 =	vld [tilespmem:s8+$0x70];
	v36 =	vadd.s32 v3, v30;
	v30 =	vmovc v42  }
0x189: {  	v45 =	vadd.s32 v0, v32;
	v35 =	vand.u32 $0x7E, v35;
	v42 =	vld [tilespmem:s7+$0xFFFFFFC0];
	[tilespmem:v41+s26+$0x0] =	vst.idx.msk $0xffff, v40  }
0x18a: {  	v47 =	vadd.s32 v0, v35;
	v46 =	vld [tilespmem:s7+$0x0];
	[tilespmem:v44+s26+$0x0] =	vst.idx.msk $0xffff, v43  }
0x18b: {  	v44 =	vadd.s32 v2, v28;
	[tilespmem:v39+s26+$0x0] =	vst.idx.msk $0xffff, v37;
	v43 =	vld [tilespmem:s8+$0x20]  }
0x18c: {  	[tilespmem:v38+s26+$0x0] =	vst.idx.msk $0xffff, v34;
	v34 =	vld [tilespmem:s7+$0x50];
	v38 =	vadd.s32 v1, v30  }
0x18d: {  	v49 =	vadd.s32 v1, v27;
	v48 =	vld [tilespmem:s7+$0xFFFFFF90];
	[tilespmem:v36+s26+$0x0] =	vst.idx.msk $0xffff, v33  }
0x18e: {  	[tilespmem:v45+s26+$0x0] =	vst.idx.msk $0xffff, v42;
	v42 =	vld [tilespmem:s8+$0xFFFFFFF0];
	v45 =	vadd.s32 v3, v29;
	v29 =	vmov v32  }
.Ltmp5:
0x18f: {  	v40 =	vld [tilespmem:s7+$0xFFFFFFD0];
	v41 =	vadd.s32 v1, v29;
	[tilespmem:v47+s26+$0x0] =	vst.idx.msk $0xffff, v46;
	(pc) =	sbr.rel @p0 .LBB2_12-.Ltmp5, $4  }
0x190: {  	v39 =	vadd.s32 v1, v35;
	v37 =	vld [tilespmem:s7+$0x10];
	[tilespmem:v44+s26+$0x0] =	vst.idx.msk $0xffff, v43  }
0x191: {  	[tilespmem:v38+s26+$0x0] =	vst.idx.msk $0xffff, v34;
	v34 =	vld [tilespmem:s8+$0x30];
	v38 =	vadd.s32 v3, v28;
	v28 =	vmov v35  }
0x192: {  	v35 =	vadd.s32 v2, v30;
	[tilespmem:v49+s26+$0x0] =	vst.idx.msk $0xffff, v48;
	v32 =	vld [tilespmem:s7+$0x60]  }
0x193: {  	s29 =	sadd.s32 $0x4, s29;
	s30 =	sadd.s32 $0x3, s11;
	v36 =	vadd.s32 v2, v27;
	v33 =	vld [tilespmem:s7+$0xFFFFFFA0];
	[tilespmem:v45+s26+$0x0] =	vst.idx.msk $0xffff, v42  }
0x194: {  	_ =	sdelay $0x2  }
0x195: {  	v42 =	vmov s30  }
0x196: {  	s1 =	sadd.s32 $0x1, s11;
	[tilespmem:v41+s26+$0x0] =	vst.idx.msk $0xffff, v40;
	v61 =	vld [tilespmem:s8+$0xFFFFFFB0];
	v31 =	vadd.s32 v3, v31;
	s8 =	sadd.s32 $0x100, s7;
	v44 =	vmov s11;
	v41 =	vand.u32 $0x7F, v42  }
0x197: {  	s30 =	sadd.s32 $0x2, s11;
	v62 =	vmov s1;
	[tilespmem:v39+s26+$0x0] =	vst.idx.msk $0xffff, v37;
	v63 =	vld [tilespmem:s8+$0x40];
	v44 =	vand.u32 $0x7C, v44;
	v48 =	vadd.s32 v0, v41  }
0x198: {  	v43 =	vmov s30;
	v45 =	vld [tilespmem:s8+$0xFFFFFF80];
	v42 =	vand.u32 $0x7D, v62;
	[tilespmem:v38+s26+$0x0] =	vst.idx.msk $0xffff, v34;
	v53 =	vadd.s32 v0, v44  }
0x199: {  	v49 =	vld [tilespmem:s8+$0xFFFFFFC0];
	v43 =	vand.u32 $0x7E, v43;
	v50 =	vadd.s32 v0, v42;
	[tilespmem:v35+s26+$0x0] =	vst.idx.msk $0xffff, v32  }
0x19a: {  	v51 =	vld [tilespmem:s8+$0x0];
	v52 =	vadd.s32 v0, v43;
	[tilespmem:v36+s26+$0x0] =	vst.idx.msk $0xffff, v33  }
0x19b: {  	v55 =	vadd.s32 v2, v29;
	v54 =	vld [tilespmem:s7+$0xFFFFFFE0];
	[tilespmem:v31+s26+$0x0] =	vst.idx.msk $0xffff, v61  }
0x19c: {  	v30 =	vadd.s32 v3, v30;
	v56 =	vld [tilespmem:s7+$0x70];
	[tilespmem:v48+s26+$0x0] =	vst.idx.msk $0xffff, v63  }
0x19d: {  	v57 =	vadd.s32 v1, v41;
	[tilespmem:v53+s26+$0x0] =	vst.idx.msk $0xffff, v45;
	v37 =	vld [tilespmem:s8+$0x50]  }
0x19e: {  	v61 =	vadd.s32 v1, v44;
	[tilespmem:v50+s26+$0x0] =	vst.idx.msk $0xffff, v49;
	v60 =	vld [tilespmem:s8+$0xFFFFFF90]  }
0x19f: {  	v58 =	vadd.s32 v1, v42;
	[tilespmem:v52+s26+$0x0] =	vst.idx.msk $0xffff, v51;
	v34 =	vld [tilespmem:s8+$0xFFFFFFD0]  }
0x1a0: {  	v59 =	vadd.s32 v1, v43;
	[tilespmem:v55+s26+$0x0] =	vst.idx.msk $0xffff, v54;
	v32 =	vld [tilespmem:s8+$0x10]  }
0x1a1: {  	v27 =	vadd.s32 v3, v27;
	v55 =	vld [tilespmem:s7+$0xFFFFFFB0];
	[tilespmem:v30+s26+$0x0] =	vst.idx.msk $0xffff, v56  }
0x1a2: {  	v62 =	vld [tilespmem:s7+$0x20];
	v63 =	vadd.s32 v2, v28;
	[tilespmem:v57+s26+$0x0] =	vst.idx.msk $0xffff, v37  }
0x1a3: {  	v48 =	vadd.s32 v2, v41;
	[tilespmem:v61+s26+$0x0] =	vst.idx.msk $0xffff, v60;
	v37 =	vld [tilespmem:s8+$0x60]  }
0x1a4: {  	v53 =	vadd.s32 v2, v44;
	[tilespmem:v58+s26+$0x0] =	vst.idx.msk $0xffff, v34;
	v52 =	vld [tilespmem:s8+$0xFFFFFFA0]  }
0x1a5: {  	v49 =	vadd.s32 v2, v42;
	[tilespmem:v59+s26+$0x0] =	vst.idx.msk $0xffff, v32;
	v34 =	vld [tilespmem:s8+$0xFFFFFFE0]  }
0x1a6: {  	v51 =	vadd.s32 v2, v43;
	[tilespmem:v27+s26+$0x0] =	vst.idx.msk $0xffff, v55;
	v50 =	vld [tilespmem:s8+$0x20]  }
0x1a7: {  	v47 =	vadd.s32 v3, v29;
	v46 =	vld [tilespmem:s7+$0xFFFFFFF0];
	[tilespmem:v63+s26+$0x0] =	vst.idx.msk $0xffff, v62  }
0x1a8: {  	v54 =	vadd.s32 v3, v28;
	v36 =	vld [tilespmem:s7+$0x30];
	[tilespmem:v48+s26+$0x0] =	vst.idx.msk $0xffff, v37  }
0x1a9: {  	v57 =	vadd.s32 v3, v41;
	[tilespmem:v53+s26+$0x0] =	vst.idx.msk $0xffff, v52;
	v56 =	vld [tilespmem:s8+$0x70]  }
0x1aa: {  	v61 =	vadd.s32 v3, v44;
	[tilespmem:v49+s26+$0x0] =	vst.idx.msk $0xffff, v34;
	v60 =	vld [tilespmem:s8+$0xFFFFFFB0]  }
0x1ab: {  	v58 =	vadd.s32 v3, v42;
	[tilespmem:v51+s26+$0x0] =	vst.idx.msk $0xffff, v50;
	v34 =	vld [tilespmem:s8+$0xFFFFFFF0]  }
0x1ac: {  	[tilespmem:v47+s26+$0x0] =	vst.idx.msk $0xffff, v46;
	v59 =	vadd.s32 v3, v43;
	v31 =	vld [tilespmem:s8+$0x30]  }
0x1ad: {  	[tilespmem:v54+s26+$0x0] =	vst.idx.msk $0xffff, v36  }
0x1ae: {  	[tilespmem:v57+s26+$0x0] =	vst.idx.msk $0xffff, v56  }
0x1af: {  	[tilespmem:v61+s26+$0x0] =	vst.idx.msk $0xffff, v60  }
0x1b0: {  	[tilespmem:v58+s26+$0x0] =	vst.idx.msk $0xffff, v34  }
0x1b1: {  	s8 =	simm.s32 $0xC6F0;
	[tilespmem:v59+s26+$0x0] =	vst.idx.msk $0xffff, v31  }
0x1b2: {  	v28 =	vld [tilespmem:s8+$0xFFFFFF10]  }
0x1b3: {  	v27 =	vld [tilespmem:s8+$0xFFFFFFD0]  }
0x1b4: {  	v29 =	vld [tilespmem:s8+$0xFFFFFF50];
	_ =	sdelay $0x1  }
0x1b5: {  	v62 =	vld [tilespmem:s8+$0xFFFFFF90]  }
0x1b6: {  	[tilespmem:v10+s28+$0x0] =	vst.idx.msk $0xffff, v28  }
0x1b7: {  	[tilespmem:v9+s28+$0x0] =	vst.idx.msk $0xffff, v27;
	v10 =	vld [tilespmem:s8+$0xFFFFFF20]  }
0x1b8: {  	[tilespmem:v11+s28+$0x0] =	vst.idx.msk $0xffff, v29;
	v9 =	vld [tilespmem:s8+$0xFFFFFFE0]  }
0x1b9: {  	v11 =	vld [tilespmem:s8+$0xFFFFFF60]  }
0x1ba: {  	[tilespmem:v15+s28+$0x0] =	vst.idx.msk $0xffff, v62  }
0x1bb: {  	s7 =	simm.s32 $0xC7F0;
	v15 =	vld [tilespmem:s8+$0xFFFFFFA0]  }
0x1bc: {  	[tilespmem:v16+s28+$0x0] =	vst.idx.msk $0xffff, v10;
	v16 =	vld [tilespmem:s7+$0xFFFFFFD0]  }
0x1bd: {  	[tilespmem:v13+s28+$0x0] =	vst.idx.msk $0xffff, v9;
	v10 =	vld [tilespmem:s8+$0xFFFFFF30]  }
0x1be: {  	[tilespmem:v17+s28+$0x0] =	vst.idx.msk $0xffff, v11;
	v13 =	vld [tilespmem:s8+$0xFFFFFFF0]  }
0x1bf: {  	v11 =	vld [tilespmem:s8+$0xFFFFFF70]  }
0x1c0: {  	v9 =	vand.u32 $0x7C, v21;
	[tilespmem:v14+s28+$0x0] =	vst.idx.msk $0xffff, v15  }
0x1c1: {  	v17 =	vld [tilespmem:s7+$0xFFFFFF10];
	v21 =	vadd.s32 v0, v9;
	[tilespmem:v20+s28+$0x0] =	vst.idx.msk $0xffff, v16  }
0x1c2: {  	[tilespmem:v18+s28+$0x0] =	vst.idx.msk $0xffff, v10;
	v10 =	vld [tilespmem:s7+$0xFFFFFF50]  }
0x1c3: {  	[tilespmem:v12+s28+$0x0] =	vst.idx.msk $0xffff, v13;
	v13 =	vld [tilespmem:s7+$0xFFFFFF90]  }
0x1c4: {  	[tilespmem:v19+s28+$0x0] =	vst.idx.msk $0xffff, v11;
	v11 =	vld [tilespmem:s8+$0xFFFFFFB0]  }
0x1c5: {  	v16 =	vadd.s32 v1, v7;
	v14 =	vld [tilespmem:s7+$0xFFFFFFE0]  }
0x1c6: {  	[tilespmem:v21+s28+$0x0] =	vst.idx.msk $0xffff, v17;
	v12 =	vld [tilespmem:s8+$0x0]  }
0x1c7: {  	v20 =	vadd.s32 v1, v9;
	v19 =	vld [tilespmem:s7+$0xFFFFFF20];
	[tilespmem:v24+s28+$0x0] =	vst.idx.msk $0xffff, v10  }
0x1c8: {  	v63 =	vld [tilespmem:s8+$0xFFFFFF80];
	[tilespmem:v25+s28+$0x0] =	vst.idx.msk $0xffff, v13  }
0x1c9: {  	v18 =	vadd.s32 v1, v6;
	[tilespmem:v26+s28+$0x0] =	vst.idx.msk $0xffff, v11;
	v17 =	vld [tilespmem:s7+$0xFFFFFF60]  }
0x1ca: {  	[tilespmem:v16+s28+$0x0] =	vst.idx.msk $0xffff, v14;
	v16 =	vadd.s32 v1, v4;
	v15 =	vld [tilespmem:s7+$0xFFFFFFA0]  }
0x1cb: {  	v14 =	vadd.s32 v3, v8;
	[tilespmem:v22+s28+$0x0] =	vst.idx.msk $0xffff, v12;
	v11 =	vld [tilespmem:s8+$0xFFFFFFC0]  }
0x1cc: {  	[tilespmem:v20+s28+$0x0] =	vst.idx.msk $0xffff, v19;
	v8 =	vld [tilespmem:s7+$0xFFFFFFF0];
	v12 =	vadd.s32 v2, v7  }
0x1cd: {  	s29 =	simm.s32 $0xB;
	s11 =	simm.s32 $0xC;
	v13 =	vadd.s32 v2, v9;
	[tilespmem:v23+s28+$0x0] =	vst.idx.msk $0xffff, v63;
	v10 =	vld [tilespmem:s7+$0xFFFFFF30]  }
.LBB2_14:
0x1ce: {  	p0 =	slt.u32 s11, $0x7C;
	v19 =	vmov s29;
	[tilespmem:v18+s28+$0x0] =	vst.idx.msk $0xffff, v17;
	v17 =	vld [tilespmem:s8+$0xFFFFFF40];
	v18 =	vadd.s32 v3, v5;
	v5 =	vmov v9;
	s8 =	smov.u32 s7  }
0x1cf: {  	v9 =	vmov s10;
	v21 =	vadd.s32 v2, v6;
	s7 =	sadd.s32 $0x100, s7;
	v19 =	vand.u32 $0x7F, v19;
	v20 =	vld [tilespmem:s8+$0xFFFFFF70];
	[tilespmem:v16+s28+$0x0] =	vst.idx.msk $0xffff, v15  }
0x1d0: {  	s1 =	sadd.s32 $0x1, s10;
	v9 =	vand.u32 $0x7C, v9;
	v15 =	vld [tilespmem:s7+$0xFFFFFFD0];
	v16 =	vadd.s32 v0, v19;
	[tilespmem:v14+s28+$0x0] =	vst.idx.msk $0xffff, v11  }
0x1d1: {  	v22 =	vmov s1;
	s1 =	sadd.s32 $0x2, s10;
	s10 =	smov.u32 s11;
	v14 =	vadd.s32 v0, v9;
	v11 =	vld [tilespmem:s7+$0xFFFFFF10];
	[tilespmem:v12+s28+$0x0] =	vst.idx.msk $0xffff, v8  }
0x1d2: {  	v8 =	vand.u32 $0x7D, v22;
	v12 =	vmov s1;
	[tilespmem:v13+s28+$0x0] =	vst.idx.msk $0xffff, v10;
	v10 =	vld [tilespmem:s8+$0x0];
	v13 =	vadd.s32 v3, v7;
	v7 =	vmovc v19  }
0x1d3: {  	v22 =	vadd.s32 v0, v8;
	v12 =	vand.u32 $0x7E, v12;
	v19 =	vld [tilespmem:s7+$0xFFFFFF50];
	[tilespmem:v18+s28+$0x0] =	vst.idx.msk $0xffff, v17  }
0x1d4: {  	v24 =	vadd.s32 v0, v12;
	v23 =	vld [tilespmem:s7+$0xFFFFFF90];
	[tilespmem:v21+s28+$0x0] =	vst.idx.msk $0xffff, v20  }
0x1d5: {  	v21 =	vadd.s32 v2, v4;
	[tilespmem:v16+s28+$0x0] =	vst.idx.msk $0xffff, v15;
	v20 =	vld [tilespmem:s8+$0xFFFFFFB0]  }
0x1d6: {  	[tilespmem:v14+s28+$0x0] =	vst.idx.msk $0xffff, v11;
	v11 =	vld [tilespmem:s7+$0xFFFFFFE0];
	v14 =	vadd.s32 v1, v7  }
0x1d7: {  	v26 =	vadd.s32 v1, v9;
	v25 =	vld [tilespmem:s7+$0xFFFFFF20];
	[tilespmem:v13+s28+$0x0] =	vst.idx.msk $0xffff, v10  }
0x1d8: {  	[tilespmem:v22+s28+$0x0] =	vst.idx.msk $0xffff, v19;
	v19 =	vld [tilespmem:s8+$0xFFFFFF80];
	v22 =	vadd.s32 v3, v6;
	v6 =	vmov v8  }
.Ltmp6:
0x1d9: {  	v17 =	vld [tilespmem:s7+$0xFFFFFF60];
	v18 =	vadd.s32 v1, v6;
	[tilespmem:v24+s28+$0x0] =	vst.idx.msk $0xffff, v23;
	(pc) =	sbr.rel @p0 .LBB2_14-.Ltmp6, $4  }
0x1da: {  	v16 =	vadd.s32 v1, v12;
	v15 =	vld [tilespmem:s7+$0xFFFFFFA0];
	[tilespmem:v21+s28+$0x0] =	vst.idx.msk $0xffff, v20  }
0x1db: {  	[tilespmem:v14+s28+$0x0] =	vst.idx.msk $0xffff, v11;
	v11 =	vld [tilespmem:s8+$0xFFFFFFC0];
	v14 =	vadd.s32 v3, v4;
	v4 =	vmov v12  }
0x1dc: {  	v12 =	vadd.s32 v2, v7;
	[tilespmem:v26+s28+$0x0] =	vst.idx.msk $0xffff, v25;
	v8 =	vld [tilespmem:s7+$0xFFFFFFF0]  }
0x1dd: {  	s11 =	sadd.s32 $0x4, s11;
	s29 =	sadd.s32 $0x3, s10;
	v13 =	vadd.s32 v2, v9;
	v10 =	vld [tilespmem:s7+$0xFFFFFF30];
	[tilespmem:v22+s28+$0x0] =	vst.idx.msk $0xffff, v19  }
0x1de: {  	_ =	sdelay $0x2  }
0x1df: {  	v19 =	vmov s29;
	s1 =	sadd.s32 $0x1, s10  }
0x1e0: {  	[tilespmem:v18+s28+$0x0] =	vst.idx.msk $0xffff, v17;
	v32 =	vld [tilespmem:s8+$0xFFFFFF40];
	v5 =	vadd.s32 v3, v5;
	s29 =	sadd.s32 $0x100, s7;
	s30 =	sadd.s32 $0x2, s10;
	v33 =	vand.u32 $0x7F, v19;
	v34 =	vmov s1  }
0x1e1: {  	[tilespmem:v16+s28+$0x0] =	vst.idx.msk $0xffff, v15;
	v35 =	vld [tilespmem:s29+$0xFFFFFFD0];
	v20 =	vmov s30;
	v36 =	vadd.s32 v0, v33;
	v19 =	vand.u32 $0x7D, v34  }
0x1e2: {  	v21 =	vmov s10;
	v37 =	vld [tilespmem:s29+$0xFFFFFF50];
	[tilespmem:v14+s28+$0x0] =	vst.idx.msk $0xffff, v11;
	v20 =	vand.u32 $0x7E, v20;
	v38 =	vadd.s32 v0, v19  }
0x1e3: {  	v21 =	vand.u32 $0x7C, v21;
	v39 =	vld [tilespmem:s29+$0xFFFFFF90];
	[tilespmem:v12+s28+$0x0] =	vst.idx.msk $0xffff, v8;
	v40 =	vadd.s32 v0, v20  }
0x1e4: {  	v22 =	vld [tilespmem:s29+$0xFFFFFF10];
	v41 =	vadd.s32 v0, v21;
	[tilespmem:v13+s28+$0x0] =	vst.idx.msk $0xffff, v10  }
0x1e5: {  	v42 =	vld [tilespmem:s7+$0xFFFFFF70];
	[tilespmem:v5+s28+$0x0] =	vst.idx.msk $0xffff, v32;
	v5 =	vadd.s32 v2, v6  }
0x1e6: {  	v49 =	vadd.s32 v2, v4;
	v48 =	vld [tilespmem:s7+$0xFFFFFFB0];
	[tilespmem:v36+s28+$0x0] =	vst.idx.msk $0xffff, v35  }
0x1e7: {  	v44 =	vadd.s32 v1, v33;
	v15 =	vld [tilespmem:s29+$0xFFFFFFE0];
	[tilespmem:v38+s28+$0x0] =	vst.idx.msk $0xffff, v37  }
0x1e8: {  	v45 =	vadd.s32 v1, v19;
	[tilespmem:v40+s28+$0x0] =	vst.idx.msk $0xffff, v39;
	v11 =	vld [tilespmem:s29+$0xFFFFFF60]  }
0x1e9: {  	v46 =	vadd.s32 v1, v20;
	[tilespmem:v41+s28+$0x0] =	vst.idx.msk $0xffff, v22;
	v8 =	vld [tilespmem:s29+$0xFFFFFFA0]  }
0x1ea: {  	v47 =	vadd.s32 v1, v21;
	[tilespmem:v5+s28+$0x0] =	vst.idx.msk $0xffff, v42;
	v5 =	vld [tilespmem:s29+$0xFFFFFF20]  }
0x1eb: {  	v7 =	vadd.s32 v3, v7;
	v43 =	vld [tilespmem:s7+$0x0];
	[tilespmem:v49+s28+$0x0] =	vst.idx.msk $0xffff, v48  }
0x1ec: {  	v58 =	vadd.s32 v3, v9;
	v57 =	vld [tilespmem:s7+$0xFFFFFF40];
	[tilespmem:v44+s28+$0x0] =	vst.idx.msk $0xffff, v15  }
0x1ed: {  	v52 =	vadd.s32 v2, v33;
	v15 =	vld [tilespmem:s29+$0xFFFFFFF0];
	[tilespmem:v45+s28+$0x0] =	vst.idx.msk $0xffff, v11  }
0x1ee: {  	v53 =	vadd.s32 v2, v19;
	[tilespmem:v46+s28+$0x0] =	vst.idx.msk $0xffff, v8;
	v11 =	vld [tilespmem:s29+$0xFFFFFF70]  }
0x1ef: {  	v54 =	vadd.s32 v2, v20;
	[tilespmem:v47+s28+$0x0] =	vst.idx.msk $0xffff, v5;
	v5 =	vld [tilespmem:s29+$0xFFFFFFB0]  }
0x1f0: {  	v56 =	vadd.s32 v2, v21;
	[tilespmem:v7+s28+$0x0] =	vst.idx.msk $0xffff, v43;
	v55 =	vld [tilespmem:s29+$0xFFFFFF30]  }
0x1f1: {  	v4 =	vadd.s32 v3, v4;
	v13 =	vld [tilespmem:s7+$0xFFFFFFC0];
	[tilespmem:v58+s28+$0x0] =	vst.idx.msk $0xffff, v57  }
0x1f2: {  	v51 =	vadd.s32 v3, v6;
	v50 =	vld [tilespmem:s7+$0xFFFFFF80];
	[tilespmem:v52+s28+$0x0] =	vst.idx.msk $0xffff, v15  }
0x1f3: {  	v60 =	vadd.s32 v3, v33;
	v59 =	vld [tilespmem:s29+$0x0];
	[tilespmem:v53+s28+$0x0] =	vst.idx.msk $0xffff, v11  }
0x1f4: {  	v61 =	vadd.s32 v3, v19;
	[tilespmem:v54+s28+$0x0] =	vst.idx.msk $0xffff, v5;
	v11 =	vld [tilespmem:s29+$0xFFFFFF80]  }
0x1f5: {  	v62 =	vadd.s32 v3, v20;
	[tilespmem:v56+s28+$0x0] =	vst.idx.msk $0xffff, v55;
	v5 =	vld [tilespmem:s29+$0xFFFFFFC0]  }
0x1f6: {  	v63 =	vadd.s32 v3, v21;
	[tilespmem:v4+s28+$0x0] =	vst.idx.msk $0xffff, v13;
	v4 =	vld [tilespmem:s29+$0xFFFFFF40]  }
0x1f7: {  	s0 =	sadd.s32 s0, s2;
	[tilespmem:v51+s28+$0x0] =	vst.idx.msk $0xffff, v50  }
0x1f8: {  	s0 =	sshll.u32 s0, $0x15;
	[tilespmem:v60+s28+$0x0] =	vst.idx.msk $0xffff, v59  }
0x1f9: {  	s0 =	sor.u32 s9, s0;
	[tilespmem:v61+s28+$0x0] =	vst.idx.msk $0xffff, v11  }
0x1fa: {  	s0 =	sshrl.u32 s0, $0x3;
	[tilespmem:v62+s28+$0x0] =	vst.idx.msk $0xffff, v5  }
0x1fb: {  	s9 =	simm.s32 $0x12A00;
	s1 =	sadd.s32 s3, s0;
	[tilespmem:v63+s28+$0x0] =	vst.idx.msk $0xffff, v4  }
0x1fc: {  	[hbm4b:s1+s4] =	stream.linear.scatter [tilespmem:s9], [sflag:$0x4], $0x80, $0x38;
	[tilespmem:$0x16E00] =	vst v63  }
0x1fd: {  	s10 =	simm.s32 $0x12A88;
	s11 =	sadd.s32 $0x10, s1  }
0x1fe: {  	[hbm4b:s11+s4] =	stream.linear.scatter [tilespmem:s10], [sflag:$0x4], $0x80, $0x38;
	[tilespmem:$0x16E00] =	vst v63  }
0x1ff: {  	s2 =	simm.s32 $0x12B98;
	s30 =	sadd.s32 $0x20, s1;
	s29 =	simm.s32 $0x12B10  }
0x200: {  	[hbm4b:s30+s4] =	stream.linear.scatter [tilespmem:s29], [sflag:$0x4], $0x80, $0x38;
	[tilespmem:$0x16E00] =	vst v63  }
0x201: {  	s8 =	simm.s32 $0x12C20;
	s0 =	simm.s32 $0x440;
	s7 =	sadd.s32 $0x30, s1  }
0x202: {  	[hbm4b:s7+s4] =	stream.linear.scatter [tilespmem:s2], [sflag:$0x4], $0x80, $0x38;
	[tilespmem:$0x16E00] =	vst v63  }
0x203: {  	s9 =	sadd.s32 $0x40, s1;
	s10 =	simm.s32 $0x12CA8;
	s11 =	sadd.s32 $0x50, s1  }
0x204: {  	[hbm4b:s9+s4] =	stream.linear.scatter [tilespmem:s8], [sflag:$0x4], $0x80, $0x38;
	[tilespmem:$0x16E00] =	vst v63  }
0x205: {  	s29 =	simm.s32 $0x12D30;
	s30 =	sadd.s32 $0x60, s1;
	s7 =	simm.s32 $0x2200  }
0x206: {  	[hbm4b:s11+s4] =	stream.linear.scatter [tilespmem:s10], [sflag:$0x4], $0x80, $0x38;
	[tilespmem:$0x16E00] =	vst v63  }
0x207: {  	s2 =	sadd.s32 $0x4000, s1;
	s8 =	simm.s32 $0x12DB8;
	s9 =	sadd.s32 $0x70, s1  }
0x208: {  	[hbm4b:s30+s4] =	stream.linear.scatter [tilespmem:s29], [sflag:$0x4], $0x80, $0x38;
	[tilespmem:$0x16E00] =	vst v63  }
.LBB2_16:
0x209: {  	[hbm4b:s9+s4] =	stream.linear.scatter [tilespmem:s8], [sflag:$0x4], $0x80, $0x38;
	[tilespmem:$0x16E00] =	vst v63  }
0x20a: {  	s1 =	smov.u32 s0;
	s0 =	smov.u32 s7  }
0x20b: {  	s10 =	sadd.s32 $0x1100, s7;
	s0 =	sshra.s32 s0, $0x2;
	s8 =	sadd.s32 $0x12A00, s1  }
0x20c: {  	[hbm4b:s2+s4] =	stream.linear.scatter [tilespmem:s8], [sflag:$0x4], $0x80, $0x38;
	[tilespmem:$0x16E00] =	vst v63  }
0x20d: {  	p0 =	sne.s32 s7, $0xFF00;
	s7 =	sadd.s32 $0x12A88, s1;
	s8 =	sadd.s32 $0x10, s2  }
0x20e: {  	[hbm4b:s8+s4] =	stream.linear.scatter [tilespmem:s7], [sflag:$0x4], $0x80, $0x38;
	[tilespmem:$0x16E00] =	vst v63  }
0x20f: {  	s7 =	sadd.s32 $0x12B10, s1;
	s8 =	sadd.s32 $0x20, s2  }
0x210: {  	[hbm4b:s8+s4] =	stream.linear.scatter [tilespmem:s7], [sflag:$0x4], $0x80, $0x38;
	[tilespmem:$0x16E00] =	vst v63  }
0x211: {  	s7 =	sadd.s32 $0x12B98, s1;
	s8 =	sadd.s32 $0x30, s2  }
0x212: {  	[hbm4b:s8+s4] =	stream.linear.scatter [tilespmem:s7], [sflag:$0x4], $0x80, $0x38;
	[tilespmem:$0x16E00] =	vst v63  }
0x213: {  	s7 =	sadd.s32 $0x12C20, s1;
	s8 =	sadd.s32 $0x40, s2  }
0x214: {  	[hbm4b:s8+s4] =	stream.linear.scatter [tilespmem:s7], [sflag:$0x4], $0x80, $0x38;
	[tilespmem:$0x16E00] =	vst v63  }
.Ltmp7:
0x215: {  	s7 =	sadd.s32 $0x12CA8, s1;
	s8 =	sadd.s32 $0x50, s2;
	(pc) =	sbr.rel @p0 .LBB2_16-.Ltmp7, $4  }
0x216: {  	[hbm4b:s8+s4] =	stream.linear.scatter [tilespmem:s7], [sflag:$0x4], $0x80, $0x38;
	[tilespmem:$0x16E00] =	vst v63  }
0x217: {  	s9 =	sadd.s32 $0x70, s2;
	s7 =	sadd.s32 $0x12D30, s1;
	s8 =	sadd.s32 $0x60, s2  }
0x218: {  	[hbm4b:s8+s4] =	stream.linear.scatter [tilespmem:s7], [sflag:$0x4], $0x80, $0x38;
	[tilespmem:$0x16E00] =	vst v63  }
0x219: {  	s2 =	sadd.s32 $0x4000, s2;
	s8 =	sadd.s32 $0x12DB8, s1;
	s7 =	smov.u32 s10  }
0x21a: {  	[hbm4b:s9+s4] =	stream.linear.scatter [tilespmem:s8], [sflag:$0x4], $0x80, $0x38;
	[tilespmem:$0x16E00] =	vst v63  }
0x21b: {  	s1 =	sadd.s32 $0x12A00, s0  }
0x21c: {  	[hbm4b:s2+s4] =	stream.linear.scatter [tilespmem:s1], [sflag:$0x4], $0x80, $0x38;
	[tilespmem:$0x16E00] =	vst v63  }
0x21d: {  	s30 =	sadd.s32 $0x12A88, s0;
	s7 =	sadd.s32 $0x10, s2  }
0x21e: {  	[hbm4b:s7+s4] =	stream.linear.scatter [tilespmem:s30], [sflag:$0x4], $0x80, $0x38;
	[tilespmem:$0x16E00] =	vst v63  }
0x21f: {  	s8 =	sadd.s32 $0x12B10, s0;
	s9 =	sadd.s32 $0x20, s2  }
0x220: {  	[hbm4b:s9+s4] =	stream.linear.scatter [tilespmem:s8], [sflag:$0x4], $0x80, $0x38;
	[tilespmem:$0x16E00] =	vst v63  }
0x221: {  	s10 =	sadd.s32 $0x12B98, s0;
	s11 =	sadd.s32 $0x30, s2  }
0x222: {  	[hbm4b:s11+s4] =	stream.linear.scatter [tilespmem:s10], [sflag:$0x4], $0x80, $0x38;
	[tilespmem:$0x16E00] =	vst v63  }
0x223: {  	s29 =	sadd.s32 $0x12C20, s0;
	s31 =	sadd.s32 $0x1, s31;
	s30 =	sadd.s32 $0x40, s2  }
0x224: {  	[hbm4b:s30+s4] =	stream.linear.scatter [tilespmem:s29], [sflag:$0x4], $0x80, $0x38;
	[tilespmem:$0x16E00] =	vst v63  }
0x225: {  	p0 =	sne.s32 s31, $0xC8;
	s8 =	sadd.s32 $0x12CA8, s0;
	s9 =	sadd.s32 $0x50, s2  }
0x226: {  	[hbm4b:s9+s4] =	stream.linear.scatter [tilespmem:s8], [sflag:$0x4], $0x80, $0x38;
	[tilespmem:$0x16E00] =	vst v63  }
.Ltmp8:
0x227: {  	_ = 	snop;
	(pc) =	sbr.rel @p0 .LBB2_2-.Ltmp8, $4  }
0x228: {  	s10 =	sadd.s32 $0x12D30, s0;
	s11 =	sadd.s32 $0x60, s2  }
0x229: {  	[hbm4b:s11+s4] =	stream.linear.scatter [tilespmem:s10], [sflag:$0x4], $0x80, $0x38;
	[tilespmem:$0x16E00] =	vst v63  }
0x22a: {  	s29 =	sadd.s32 $0x12DB8, s0;
	s30 =	sadd.s32 $0x70, s2  }
0x22b: {  	[hbm4b:s30+s4] =	stream.linear.scatter [tilespmem:s29], [sflag:$0x4], $0x80, $0x38;
	[tilespmem:$0x16E00] =	vst v63  }
0x22c: {  	s1 =	simm.s32 $0x4  }
0x22d: {  	_ =	swait.ge [sflag:s1], $0x4000  }
0x22e: {  	s2 =	rddreg [dreg:$0x6]  }
0x22f: {  	s0 =	rddreg [dreg:$0x5];
	s2 =	sadd.s32 $0x1, s2  }
0x230: {  	p0 =	sne.s32 s2, s0  }
.Ltmp9:
0x231: {  	_ = 	snop;
	(pc) =	sbr.rel @p0 .LBB2_1-.Ltmp9, $3  }
0x232: {  	_ =	sdelay $0x1  }
0x233: {  	[sflag:s1] =	ssyncset.done $0x0  }
0x234: {  	[sflag:s1] =	ssyncadd.s32 $0xFFFFC000  }
0x235: {  	_ =	sfence.sel $0x180000  }
0x236: {  	[bflag:$0x0] =	sbarrier.arrive $0xFFFF  }
0x237: {  	_ =	strace $0x90000047  }
0x238: {  	s0 =	stileid.u32;
	[bflag:$0x2] =	sbarrier.arrive $0xFFFF  }
0x239: {  	p0 =	sne.s32 s0, $0x0;
	s0 =	rddreg [dreg:$0x3]  }
0x23a: {  	s0 =	sadd.s32 @!p0 $0x100000, s0  }
0x23b: {  	[sflag:s0] =	ssyncadd.tile.s32 @!p0 $0x1;
	_ =	shalt  }
.Lfunc_end2:
_tile_overlayer_lowered:
.L_overlay_start_2:
0x23c: {  	(tag) =	ssettag $0x2  }
0x23d: {  	s0 =	rddreg [dreg:$0x0];
	s2 =	stileid.u32  }
0x23e: {  	s1 =	rddreg [dreg:$0x1];
	p0 =	sne.s32 s2, $0x0  }
0x23f: {  	s3 =	rddreg [dreg:$0x2];
	[bflag:$0x3] =	sbarrier.arrive $0xFFFF;
	s2 =	simm.s32 @!p0 $0x1C05  }
0x240: {  	[timem:s3], [sflag:s2] =	dma.local @!p0 [hbm:s0], s1  }
0x241: {  	s0 =	simm.s32 @!p0 $0x5  }
0x242: {  	_ =	swait.ge @!p0 [sflag:s0], s1  }
0x243: {  	s1 =	ssub.s32 @!p0 $0x0, s1;
	[sflag:s0] =	ssyncset.done @!p0 $0x0  }
0x244: {  	[sflag:s0] =	ssyncadd.s32 @!p0 s1  }
0x245: {  	[bflag:$0x3] =	sbarrier.arrive $0xFFFF  }
0x246: {  	_ =	shalt  }

</sc_bundles>
